<compile_context>
chip_gen: v7x
topology: tpu7x:2x2x1
jax: 0.10.2.dev20260603
libtpu: 0.0.44.dev20260713+nightly
codegen_flags: <defaults>
</compile_context>

<pallas_src>
import functools

import jax
import jax.numpy as jnp
from jax import lax
from jax.experimental import pallas as pl
from jax.experimental.pallas import tpu as pltpu
from jax.experimental.pallas import tpu_sc as plsc

_H = 64
_SEQ = 50
_NW = 32
_L = 16
_NBUF = 8
_LOOK = 6


def _emb_body(ids_ref, tab_ref, pos_ref, out_ref, idx_v, pos_v, rows_v,
              gsem, osem):
    nchunk = ids_ref.shape[1]
    wid = lax.axis_index("s") * 2 + lax.axis_index("c")
    base = wid * nchunk

    pltpu.sync_copy(ids_ref.at[wid], idx_v)
    pltpu.sync_copy(pos_ref, pos_v)

    def start_gather(c, b):
        pltpu.async_copy(tab_ref.at[idx_v.at[c]], rows_v.at[b], gsem.at[b])

    def wait_gather(c, b):
        pltpu.make_async_copy(tab_ref.at[idx_v.at[c]], rows_v.at[b],
                              gsem.at[b]).wait()

    def wait_write(b):
        pltpu.make_async_copy(rows_v.at[b], out_ref.at[0], osem.at[b]).wait()

    for b in range(_LOOK):
        start_gather(b, b)

    def outer(g, carry):
        for b in range(_NBUF):
            c = g * _NBUF + b
            wait_gather(c, b)

            def add_body(r, carry2):
                for j in range(_H // _L):
                    sl = pl.ds(j * _L, _L)
                    rows_v[b, r, sl] = rows_v[b, r, sl] + pos_v[r, sl]
                return carry2

            lax.fori_loop(0, _SEQ, add_body, 0)
            pltpu.async_copy(rows_v.at[b], out_ref.at[base + c], osem.at[b])
            b3 = (b + _LOOK) % _NBUF

            @pl.when(c + _LOOK < nchunk)
            def _():
                @pl.when(c >= _NBUF - _LOOK)
                def _():
                    wait_write(b3)
                start_gather(c + _LOOK, b3)
        return carry

    lax.fori_loop(0, nchunk // _NBUF, outer, 0)
    for b in range(_NBUF):
        wait_write(b)


def kernel(input_ids, token_table, pos_table):
    b, s = input_ids.shape
    h = token_table.shape[1]
    nchunk = b // _NW
    ids = input_ids.astype(jnp.int32).reshape(_NW, nchunk, s)
    mesh = plsc.VectorSubcoreMesh(core_axis_name="c", subcore_axis_name="s")
    run = functools.partial(
        pl.kernel,
        mesh=mesh,
        compiler_params=pltpu.CompilerParams(use_tc_tiling_on_sc=False),
        out_type=jax.ShapeDtypeStruct((b, s, h), jnp.float32),
        scratch_types=[
            pltpu.VMEM((nchunk, s), jnp.int32),
            pltpu.VMEM((64, h), jnp.float32),
            pltpu.VMEM((_NBUF, s, h), jnp.float32),
            pltpu.SemaphoreType.DMA((_NBUF,)),
            pltpu.SemaphoreType.DMA((_NBUF,)),
        ],
    )(_emb_body)
    return run(ids, token_table, pos_table)

# --- scband reference (transcript-rebuilt; emitter-appended) ---
"""Pipeline reference for scband-sig-lip2-text-embeddings-52089363366527 (READ-ONLY COPY).

The authoritative reference and input builder live on the scoring server;
editing this copy changes nothing except your own understanding.
"""

import jax, jax.numpy as jnp
import numpy as np

VOCAB = 1000000
HIDDEN = 64
MAX_POS = 64
BATCH = 4096
SEQ = 50

def setup_inputs(seed: int = 0) -> dict:
    key = jax.random.key(seed)
    k1, k2, k3 = jax.random.split(key, 3)
    input_ids = jax.random.randint(k1, (BATCH, SEQ), 0, VOCAB, dtype=jnp.int64 if jax.config.jax_enable_x64 else jnp.int32)
    token_table = jax.random.normal(k2, (VOCAB, HIDDEN), dtype=jnp.float32) * 0.02
    pos_table = jax.random.normal(k3, (MAX_POS, HIDDEN), dtype=jnp.float32) * 0.02
    return {"input_ids": input_ids, "token_table": token_table, "pos_table": pos_table}

def reference(input_ids, token_table, pos_table):
    batch_size, seq_len = input_ids.shape
    # token embedding: gather rows from token_table
    token_embeddings = jnp.take(token_table, input_ids, axis=0)  # (B, S, H)
    # position ids: sequential positions broadcast over batch
    position_ids = jnp.broadcast_to(jnp.arange(seq_len)[None, :], (batch_size, seq_len))
    position_embeddings = jnp.take(pos_table, position_ids, axis=0)  # (B, S, H)
    embeddings = token_embeddings + position_embeddings
    # dropout=0.0 -> Identity
    return embeddings

if __name__ == "__main__":
    import jax
    _d = setup_inputs()
    print(jax.jit(kernel)(*tuple(_d.values())))

</pallas_src>

<mosaic_0001>
#map = affine_map<(d0, d1) -> (0, 0, 0)>
#map1 = affine_map<(d0, d1) -> (0, 0)>
module attributes {stable_mosaic.version = 14 : i64} {
  func.func @_emb_body(%arg0: i32, %arg1: i32, %arg2: memref<32x128x50xi32, #tpu.memory_space<hbm>>, %arg3: memref<1000000x64xf32, #tpu.memory_space<hbm>>, %arg4: memref<64x64xf32, #tpu.memory_space<hbm>>, %arg5: memref<4096x50x64xf32, #tpu.memory_space<hbm>>, %arg6: memref<128x50xi32, #tpu.memory_space<vmem>>, %arg7: memref<64x64xf32, #tpu.memory_space<vmem>>, %arg8: memref<8x50x64xf32, #tpu.memory_space<vmem>>, %arg9: memref<8x!tpu.dma_semaphore, #tpu.memory_space<semaphore_mem>>, %arg10: memref<8x!tpu.dma_semaphore, #tpu.memory_space<semaphore_mem>>) attributes {dimension_semantics = [#tpu.dimension_semantics<core_parallel>, #tpu.dimension_semantics<subcore_parallel>], iteration_bounds = array<i64: 2, 16>, scalar_prefetch = 0 : i64, scratch_operands = 5 : i64, tpu.core_type = #tpu.core_type<sc_vector_subcore>, window_params = [{transform_indices = #map}, {transform_indices = #map1}, {transform_indices = #map1}, {transform_indices = #map}]} {
    %mul3A = arith.constant 2 : i32
    %mul3A_0 = arith.muli %arg1, %mul3A : i32
    %add3A = arith.addi %mul3A_0, %arg0 : i32
    %mul3A_1 = arith.constant 128 : i32
    %mul3A_2 = arith.muli %add3A, %mul3A_1 : i32
    "tpu.region"() ({
      %run_scoped3A = tpu.sem_alloc : memref<!tpu.dma_semaphore, #tpu.memory_space<semaphore_mem>>
      %dma_start3A_264 = arith.constant 0 : i32
      %dma_start3A_265 = arith.constant 0 : i32
      %dma_start3A_266 = tpu.memref_slice %arg2[%add3A, %dma_start3A_264, %dma_start3A_265] : memref<32x128x50xi32, #tpu.memory_space<hbm>> -> memref<1x128x50xi32, #tpu.memory_space<hbm>>
      %dma_start3A_267 = tpu.memref_squeeze %dma_start3A_266 : memref<1x128x50xi32, #tpu.memory_space<hbm>> -> memref<128x50xi32, #tpu.memory_space<hbm>>
      %dma_start3A_268 = arith.constant 0 : i32
      %dma_start3A_269 = arith.constant 0 : i32
      %dma_start3A_270 = tpu.memref_slice %arg2[%add3A, %dma_start3A_268, %dma_start3A_269] : memref<32x128x50xi32, #tpu.memory_space<hbm>> -> memref<1x128x50xi32, #tpu.memory_space<hbm>>
      %dma_start3A_271 = tpu.memref_squeeze %dma_start3A_270 : memref<1x128x50xi32, #tpu.memory_space<hbm>> -> memref<128x50xi32, #tpu.memory_space<hbm>>
      tpu.enqueue_dma source(%dma_start3A_271 : memref<128x50xi32, #tpu.memory_space<hbm>>) target(%arg6 : memref<128x50xi32, #tpu.memory_space<vmem>>) target_semaphore(%run_scoped3A : memref<!tpu.dma_semaphore, #tpu.memory_space<semaphore_mem>>)
      %dma_wait3A_272 = arith.constant 0 : i32
      %dma_wait3A_273 = arith.constant 0 : i32
      %dma_wait3A_274 = tpu.memref_slice %arg2[%add3A, %dma_wait3A_272, %dma_wait3A_273] : memref<32x128x50xi32, #tpu.memory_space<hbm>> -> memref<1x128x50xi32, #tpu.memory_space<hbm>>
      %dma_wait3A_275 = tpu.memref_squeeze %dma_wait3A_274 : memref<1x128x50xi32, #tpu.memory_space<hbm>> -> memref<128x50xi32, #tpu.memory_space<hbm>>
      %dma_wait3A_276 = arith.constant 0 : i32
      %dma_wait3A_277 = arith.constant 0 : i32
      %dma_wait3A_278 = tpu.memref_slice %arg2[%add3A, %dma_wait3A_276, %dma_wait3A_277] : memref<32x128x50xi32, #tpu.memory_space<hbm>> -> memref<1x128x50xi32, #tpu.memory_space<hbm>>
      %dma_wait3A_279 = tpu.memref_squeeze %dma_wait3A_278 : memref<1x128x50xi32, #tpu.memory_space<hbm>> -> memref<128x50xi32, #tpu.memory_space<hbm>>
      tpu.wait_dma2 semaphore(%run_scoped3A : memref<!tpu.dma_semaphore, #tpu.memory_space<semaphore_mem>>) src(%dma_wait3A_279 : memref<128x50xi32, #tpu.memory_space<hbm>>) dst(%arg6 : memref<128x50xi32, #tpu.memory_space<vmem>>)
      tpu.yield
    }) : () -> ()
    "tpu.region"() ({
      %run_scoped3A = tpu.sem_alloc : memref<!tpu.dma_semaphore, #tpu.memory_space<semaphore_mem>>
      tpu.enqueue_dma source(%arg4 : memref<64x64xf32, #tpu.memory_space<hbm>>) target(%arg7 : memref<64x64xf32, #tpu.memory_space<vmem>>) target_semaphore(%run_scoped3A : memref<!tpu.dma_semaphore, #tpu.memory_space<semaphore_mem>>)
      tpu.wait_dma2 semaphore(%run_scoped3A : memref<!tpu.dma_semaphore, #tpu.memory_space<semaphore_mem>>) src(%arg4 : memref<64x64xf32, #tpu.memory_space<hbm>>) dst(%arg7 : memref<64x64xf32, #tpu.memory_space<vmem>>)
      tpu.yield
    }) : () -> ()
    %dma_start3A = arith.constant 0 : i32
    %dma_start3A_3 = arith.constant 0 : i32
    %dma_start3A_4 = arith.constant 0 : i32
    %dma_start3A_5 = arith.constant 0 : i32
    %dma_start3A_6 = arith.constant 0 : i32
    %dma_start3A_7 = tpu.memref_slice %arg8[%dma_start3A_3, %dma_start3A_5, %dma_start3A_6] : memref<8x50x64xf32, #tpu.memory_space<vmem>> -> memref<1x50x64xf32, #tpu.memory_space<vmem>>
    %dma_start3A_8 = tpu.memref_squeeze %dma_start3A_7 : memref<1x50x64xf32, #tpu.memory_space<vmem>> -> memref<50x64xf32, #tpu.memory_space<vmem>>
    %dma_start3A_9 = arith.constant 0 : i32
    %dma_start3A_10 = tpu.memref_slice %arg6[%dma_start3A, %dma_start3A_9] : memref<128x50xi32, #tpu.memory_space<vmem>> -> memref<1x50xi32, #tpu.memory_space<vmem>>
    %dma_start3A_11 = tpu.memref_squeeze %dma_start3A_10 : memref<1x50xi32, #tpu.memory_space<vmem>> -> memref<50xi32, #tpu.memory_space<vmem>>
    %dma_start3A_12 = arith.constant 0 : i32
    %dma_start3A_13 = arith.constant 0 : i32
    %dma_start3A_14 = tpu.memref_slice %arg3[%dma_start3A_12, %dma_start3A_13] : memref<1000000x64xf32, #tpu.memory_space<hbm>> -> memref<1000000x64xf32, #tpu.memory_space<hbm>>
    %dma_start3A_15 = tpu.memref_slice %arg9[%dma_start3A_4] : memref<8x!tpu.dma_semaphore, #tpu.memory_space<semaphore_mem>> -> memref<1x!tpu.dma_semaphore, #tpu.memory_space<semaphore_mem>>
    %dma_start3A_16 = tpu.memref_squeeze %dma_start3A_15 : memref<1x!tpu.dma_semaphore, #tpu.memory_space<semaphore_mem>> -> memref<!tpu.dma_semaphore, #tpu.memory_space<semaphore_mem>>
    tpu.enqueue_indirect_dma source(%dma_start3A_14 : memref<1000000x64xf32, #tpu.memory_space<hbm>>) target(%dma_start3A_8 : memref<50x64xf32, #tpu.memory_space<vmem>>) offsets(%dma_start3A_11 : memref<50xi32, #tpu.memory_space<vmem>>) semaphore(%dma_start3A_16 : memref<!tpu.dma_semaphore, #tpu.memory_space<semaphore_mem>>)
    %dma_start3A_17 = arith.constant 1 : i32
    %dma_start3A_18 = arith.constant 1 : i32
    %dma_start3A_19 = arith.constant 1 : i32
    %dma_start3A_20 = arith.constant 0 : i32
    %dma_start3A_21 = arith.constant 0 : i32
    %dma_start3A_22 = tpu.memref_slice %arg8[%dma_start3A_18, %dma_start3A_20, %dma_start3A_21] : memref<8x50x64xf32, #tpu.memory_space<vmem>> -> memref<1x50x64xf32, #tpu.memory_space<vmem>>
    %dma_start3A_23 = tpu.memref_squeeze %dma_start3A_22 : memref<1x50x64xf32, #tpu.memory_space<vmem>> -> memref<50x64xf32, #tpu.memory_space<vmem>>
    %dma_start3A_24 = arith.constant 0 : i32
    %dma_start3A_25 = tpu.memref_slice %arg6[%dma_start3A_17, %dma_start3A_24] : memref<128x50xi32, #tpu.memory_space<vmem>> -> memref<1x50xi32, #tpu.memory_space<vmem>>
    %dma_start3A_26 = tpu.memref_squeeze %dma_start3A_25 : memref<1x50xi32, #tpu.memory_space<vmem>> -> memref<50xi32, #tpu.memory_space<vmem>>
    %dma_start3A_27 = arith.constant 0 : i32
    %dma_start3A_28 = arith.constant 0 : i32
    %dma_start3A_29 = tpu.memref_slice %arg3[%dma_start3A_27, %dma_start3A_28] : memref<1000000x64xf32, #tpu.memory_space<hbm>> -> memref<1000000x64xf32, #tpu.memory_space<hbm>>
    %dma_start3A_30 = tpu.memref_slice %arg9[%dma_start3A_19] : memref<8x!tpu.dma_semaphore, #tpu.memory_space<semaphore_mem>> -> memref<1x!tpu.dma_semaphore, #tpu.memory_space<semaphore_mem>>
    %dma_start3A_31 = tpu.memref_squeeze %dma_start3A_30 : memref<1x!tpu.dma_semaphore, #tpu.memory_space<semaphore_mem>> -> memref<!tpu.dma_semaphore, #tpu.memory_space<semaphore_mem>>
    tpu.enqueue_indirect_dma source(%dma_start3A_29 : memref<1000000x64xf32, #tpu.memory_space<hbm>>) target(%dma_start3A_23 : memref<50x64xf32, #tpu.memory_space<vmem>>) offsets(%dma_start3A_26 : memref<50xi32, #tpu.memory_space<vmem>>) semaphore(%dma_start3A_31 : memref<!tpu.dma_semaphore, #tpu.memory_space<semaphore_mem>>)
    %dma_start3A_32 = arith.constant 2 : i32
    %dma_start3A_33 = arith.constant 2 : i32
    %dma_start3A_34 = arith.constant 2 : i32
    %dma_start3A_35 = arith.constant 0 : i32
    %dma_start3A_36 = arith.constant 0 : i32
    %dma_start3A_37 = tpu.memref_slice %arg8[%dma_start3A_33, %dma_start3A_35, %dma_start3A_36] : memref<8x50x64xf32, #tpu.memory_space<vmem>> -> memref<1x50x64xf32, #tpu.memory_space<vmem>>
    %dma_start3A_38 = tpu.memref_squeeze %dma_start3A_37 : memref<1x50x64xf32, #tpu.memory_space<vmem>> -> memref<50x64xf32, #tpu.memory_space<vmem>>
    %dma_start3A_39 = arith.constant 0 : i32
    %dma_start3A_40 = tpu.memref_slice %arg6[%dma_start3A_32, %dma_start3A_39] : memref<128x50xi32, #tpu.memory_space<vmem>> -> memref<1x50xi32, #tpu.memory_space<vmem>>
    %dma_start3A_41 = tpu.memref_squeeze %dma_start3A_40 : memref<1x50xi32, #tpu.memory_space<vmem>> -> memref<50xi32, #tpu.memory_space<vmem>>
    %dma_start3A_42 = arith.constant 0 : i32
    %dma_start3A_43 = arith.constant 0 : i32
    %dma_start3A_44 = tpu.memref_slice %arg3[%dma_start3A_42, %dma_start3A_43] : memref<1000000x64xf32, #tpu.memory_space<hbm>> -> memref<1000000x64xf32, #tpu.memory_space<hbm>>
    %dma_start3A_45 = tpu.memref_slice %arg9[%dma_start3A_34] : memref<8x!tpu.dma_semaphore, #tpu.memory_space<semaphore_mem>> -> memref<1x!tpu.dma_semaphore, #tpu.memory_space<semaphore_mem>>
    %dma_start3A_46 = tpu.memref_squeeze %dma_start3A_45 : memref<1x!tpu.dma_semaphore, #tpu.memory_space<semaphore_mem>> -> memref<!tpu.dma_semaphore, #tpu.memory_space<semaphore_mem>>
    tpu.enqueue_indirect_dma source(%dma_start3A_44 : memref<1000000x64xf32, #tpu.memory_space<hbm>>) target(%dma_start3A_38 : memref<50x64xf32, #tpu.memory_space<vmem>>) offsets(%dma_start3A_41 : memref<50xi32, #tpu.memory_space<vmem>>) semaphore(%dma_start3A_46 : memref<!tpu.dma_semaphore, #tpu.memory_space<semaphore_mem>>)
    %dma_start3A_47 = arith.constant 3 : i32
    %dma_start3A_48 = arith.constant 3 : i32
    %dma_start3A_49 = arith.constant 3 : i32
    %dma_start3A_50 = arith.constant 0 : i32
    %dma_start3A_51 = arith.constant 0 : i32
    %dma_start3A_52 = tpu.memref_slice %arg8[%dma_start3A_48, %dma_start3A_50, %dma_start3A_51] : memref<8x50x64xf32, #tpu.memory_space<vmem>> -> memref<1x50x64xf32, #tpu.memory_space<vmem>>
    %dma_start3A_53 = tpu.memref_squeeze %dma_start3A_52 : memref<1x50x64xf32, #tpu.memory_space<vmem>> -> memref<50x64xf32, #tpu.memory_space<vmem>>
    %dma_start3A_54 = arith.constant 0 : i32
    %dma_start3A_55 = tpu.memref_slice %arg6[%dma_start3A_47, %dma_start3A_54] : memref<128x50xi32, #tpu.memory_space<vmem>> -> memref<1x50xi32, #tpu.memory_space<vmem>>
    %dma_start3A_56 = tpu.memref_squeeze %dma_start3A_55 : memref<1x50xi32, #tpu.memory_space<vmem>> -> memref<50xi32, #tpu.memory_space<vmem>>
    %dma_start3A_57 = arith.constant 0 : i32
    %dma_start3A_58 = arith.constant 0 : i32
    %dma_start3A_59 = tpu.memref_slice %arg3[%dma_start3A_57, %dma_start3A_58] : memref<1000000x64xf32, #tpu.memory_space<hbm>> -> memref<1000000x64xf32, #tpu.memory_space<hbm>>
    %dma_start3A_60 = tpu.memref_slice %arg9[%dma_start3A_49] : memref<8x!tpu.dma_semaphore, #tpu.memory_space<semaphore_mem>> -> memref<1x!tpu.dma_semaphore, #tpu.memory_space<semaphore_mem>>
    %dma_start3A_61 = tpu.memref_squeeze %dma_start3A_60 : memref<1x!tpu.dma_semaphore, #tpu.memory_space<semaphore_mem>> -> memref<!tpu.dma_semaphore, #tpu.memory_space<semaphore_mem>>
    tpu.enqueue_indirect_dma source(%dma_start3A_59 : memref<1000000x64xf32, #tpu.memory_space<hbm>>) target(%dma_start3A_53 : memref<50x64xf32, #tpu.memory_space<vmem>>) offsets(%dma_start3A_56 : memref<50xi32, #tpu.memory_space<vmem>>) semaphore(%dma_start3A_61 : memref<!tpu.dma_semaphore, #tpu.memory_space<semaphore_mem>>)
    %dma_start3A_62 = arith.constant 4 : i32
    %dma_start3A_63 = arith.constant 4 : i32
    %dma_start3A_64 = arith.constant 4 : i32
    %dma_start3A_65 = arith.constant 0 : i32
    %dma_start3A_66 = arith.constant 0 : i32
    %dma_start3A_67 = tpu.memref_slice %arg8[%dma_start3A_63, %dma_start3A_65, %dma_start3A_66] : memref<8x50x64xf32, #tpu.memory_space<vmem>> -> memref<1x50x64xf32, #tpu.memory_space<vmem>>
    %dma_start3A_68 = tpu.memref_squeeze %dma_start3A_67 : memref<1x50x64xf32, #tpu.memory_space<vmem>> -> memref<50x64xf32, #tpu.memory_space<vmem>>
    %dma_start3A_69 = arith.constant 0 : i32
    %dma_start3A_70 = tpu.memref_slice %arg6[%dma_start3A_62, %dma_start3A_69] : memref<128x50xi32, #tpu.memory_space<vmem>> -> memref<1x50xi32, #tpu.memory_space<vmem>>
    %dma_start3A_71 = tpu.memref_squeeze %dma_start3A_70 : memref<1x50xi32, #tpu.memory_space<vmem>> -> memref<50xi32, #tpu.memory_space<vmem>>
    %dma_start3A_72 = arith.constant 0 : i32
    %dma_start3A_73 = arith.constant 0 : i32
    %dma_start3A_74 = tpu.memref_slice %arg3[%dma_start3A_72, %dma_start3A_73] : memref<1000000x64xf32, #tpu.memory_space<hbm>> -> memref<1000000x64xf32, #tpu.memory_space<hbm>>
    %dma_start3A_75 = tpu.memref_slice %arg9[%dma_start3A_64] : memref<8x!tpu.dma_semaphore, #tpu.memory_space<semaphore_mem>> -> memref<1x!tpu.dma_semaphore, #tpu.memory_space<semaphore_mem>>
    %dma_start3A_76 = tpu.memref_squeeze %dma_start3A_75 : memref<1x!tpu.dma_semaphore, #tpu.memory_space<semaphore_mem>> -> memref<!tpu.dma_semaphore, #tpu.memory_space<semaphore_mem>>
    tpu.enqueue_indirect_dma source(%dma_start3A_74 : memref<1000000x64xf32, #tpu.memory_space<hbm>>) target(%dma_start3A_68 : memref<50x64xf32, #tpu.memory_space<vmem>>) offsets(%dma_start3A_71 : memref<50xi32, #tpu.memory_space<vmem>>) semaphore(%dma_start3A_76 : memref<!tpu.dma_semaphore, #tpu.memory_space<semaphore_mem>>)
    %dma_start3A_77 = arith.constant 5 : i32
    %dma_start3A_78 = arith.constant 5 : i32
    %dma_start3A_79 = arith.constant 5 : i32
    %dma_start3A_80 = arith.constant 0 : i32
    %dma_start3A_81 = arith.constant 0 : i32
    %dma_start3A_82 = tpu.memref_slice %arg8[%dma_start3A_78, %dma_start3A_80, %dma_start3A_81] : memref<8x50x64xf32, #tpu.memory_space<vmem>> -> memref<1x50x64xf32, #tpu.memory_space<vmem>>
    %dma_start3A_83 = tpu.memref_squeeze %dma_start3A_82 : memref<1x50x64xf32, #tpu.memory_space<vmem>> -> memref<50x64xf32, #tpu.memory_space<vmem>>
    %dma_start3A_84 = arith.constant 0 : i32
    %dma_start3A_85 = tpu.memref_slice %arg6[%dma_start3A_77, %dma_start3A_84] : memref<128x50xi32, #tpu.memory_space<vmem>> -> memref<1x50xi32, #tpu.memory_space<vmem>>
    %dma_start3A_86 = tpu.memref_squeeze %dma_start3A_85 : memref<1x50xi32, #tpu.memory_space<vmem>> -> memref<50xi32, #tpu.memory_space<vmem>>
    %dma_start3A_87 = arith.constant 0 : i32
    %dma_start3A_88 = arith.constant 0 : i32
    %dma_start3A_89 = tpu.memref_slice %arg3[%dma_start3A_87, %dma_start3A_88] : memref<1000000x64xf32, #tpu.memory_space<hbm>> -> memref<1000000x64xf32, #tpu.memory_space<hbm>>
    %dma_start3A_90 = tpu.memref_slice %arg9[%dma_start3A_79] : memref<8x!tpu.dma_semaphore, #tpu.memory_space<semaphore_mem>> -> memref<1x!tpu.dma_semaphore, #tpu.memory_space<semaphore_mem>>
    %dma_start3A_91 = tpu.memref_squeeze %dma_start3A_90 : memref<1x!tpu.dma_semaphore, #tpu.memory_space<semaphore_mem>> -> memref<!tpu.dma_semaphore, #tpu.memory_space<semaphore_mem>>
    tpu.enqueue_indirect_dma source(%dma_start3A_89 : memref<1000000x64xf32, #tpu.memory_space<hbm>>) target(%dma_start3A_83 : memref<50x64xf32, #tpu.memory_space<vmem>>) offsets(%dma_start3A_86 : memref<50xi32, #tpu.memory_space<vmem>>) semaphore(%dma_start3A_91 : memref<!tpu.dma_semaphore, #tpu.memory_space<semaphore_mem>>)
    %scan3A = arith.constant 0 : i32
    %scan3A_92 = arith.constant 0 : i32
    %scan3A_93 = arith.constant 16 : i32
    %scan3A_94 = arith.addi %scan3A_92, %scan3A_93 : i32
    %scan3A_95 = arith.constant 1 : i32
    scf.for %scan3A_264 = %scan3A_92 to %scan3A_94 step %scan3A_95  : i32 {
      %mul3A_265 = arith.constant 8 : i32
      %mul3A_266 = arith.muli %scan3A_264, %mul3A_265 : i32
      %add3A_267 = arith.constant 0 : i32
      %add3A_268 = arith.addi %mul3A_266, %add3A_267 : i32
      %dma_wait3A_269 = arith.constant 0 : i32
      %dma_wait3A_270 = arith.constant 0 : i32
      %dma_wait3A_271 = arith.constant 0 : i32
      %dma_wait3A_272 = arith.constant 0 : i32
      %dma_wait3A_273 = tpu.memref_slice %arg8[%dma_wait3A_269, %dma_wait3A_271, %dma_wait3A_272] : memref<8x50x64xf32, #tpu.memory_space<vmem>> -> memref<1x50x64xf32, #tpu.memory_space<vmem>>
      %dma_wait3A_274 = tpu.memref_squeeze %dma_wait3A_273 : memref<1x50x64xf32, #tpu.memory_space<vmem>> -> memref<50x64xf32, #tpu.memory_space<vmem>>
      %dma_wait3A_275 = arith.constant 0 : i32
      %dma_wait3A_276 = tpu.memref_slice %arg6[%add3A_268, %dma_wait3A_275] : memref<128x50xi32, #tpu.memory_space<vmem>> -> memref<1x50xi32, #tpu.memory_space<vmem>>
      %dma_wait3A_277 = tpu.memref_squeeze %dma_wait3A_276 : memref<1x50xi32, #tpu.memory_space<vmem>> -> memref<50xi32, #tpu.memory_space<vmem>>
      %dma_wait3A_278 = arith.constant 0 : i32
      %dma_wait3A_279 = arith.constant 0 : i32
      %dma_wait3A_280 = tpu.memref_slice %arg3[%dma_wait3A_278, %dma_wait3A_279] : memref<1000000x64xf32, #tpu.memory_space<hbm>> -> memref<1000000x64xf32, #tpu.memory_space<hbm>>
      %dma_wait3A_281 = tpu.memref_slice %arg9[%dma_wait3A_270] : memref<8x!tpu.dma_semaphore, #tpu.memory_space<semaphore_mem>> -> memref<1x!tpu.dma_semaphore, #tpu.memory_space<semaphore_mem>>
      %dma_wait3A_282 = tpu.memref_squeeze %dma_wait3A_281 : memref<1x!tpu.dma_semaphore, #tpu.memory_space<semaphore_mem>> -> memref<!tpu.dma_semaphore, #tpu.memory_space<semaphore_mem>>
      tpu.wait_indirect_dma semaphore(%dma_wait3A_282 : memref<!tpu.dma_semaphore, #tpu.memory_space<semaphore_mem>>) src(%dma_wait3A_280 : memref<1000000x64xf32, #tpu.memory_space<hbm>>) dst(%dma_wait3A_274 : memref<50x64xf32, #tpu.memory_space<vmem>>)
      %scan3A_283 = arith.constant 0 : i32
      %scan3A_284 = arith.constant 0 : i32
      %scan3A_285 = arith.constant 50 : i32
      %scan3A_286 = arith.addi %scan3A_284, %scan3A_285 : i32
      %scan3A_287 = arith.constant 1 : i32
      scf.for %scan3A_678 = %scan3A_284 to %scan3A_286 step %scan3A_287  : i32 {
        %get3A = arith.constant 0 : i32
        %get3A_679 = arith.index_cast %get3A : i32 to index
        %get3A_680 = arith.index_cast %scan3A_678 : i32 to index
        %get3A_681 = arith.constant 0 : index
        %get3A_682 = tpu.vector_load %arg8[%get3A_679, %get3A_680, %get3A_681] {strides = array<i32>} : memref<8x50x64xf32, #tpu.memory_space<vmem>>, vector<1x1x16xf32>,
        %get3A_683 = vector.shape_cast %get3A_682 : vector<1x1x16xf32> to vector<16xf32>
        %get3A_684 = arith.index_cast %scan3A_678 : i32 to index
        %get3A_685 = arith.constant 0 : index
        %get3A_686 = tpu.vector_load %arg7[%get3A_684, %get3A_685] {strides = array<i32>} : memref<64x64xf32, #tpu.memory_space<vmem>>, vector<1x16xf32>,
        %get3A_687 = vector.shape_cast %get3A_686 : vector<1x16xf32> to vector<16xf32>
        %add3A_688 = arith.addf %get3A_683, %get3A_687 : vector<16xf32>
        %swap3A = arith.constant 0 : i32
        %swap3A_689 = arith.index_cast %swap3A : i32 to index
        %swap3A_690 = arith.index_cast %scan3A_678 : i32 to index
        %swap3A_691 = arith.constant 0 : index
        %swap3A_692 = tpu.vector_load %arg8[%swap3A_689, %swap3A_690, %swap3A_691] {strides = array<i32>} : memref<8x50x64xf32, #tpu.memory_space<vmem>>, vector<1x1x16xf32>,
        %swap3A_693 = vector.shape_cast %swap3A_692 : vector<1x1x16xf32> to vector<16xf32>
        %swap3A_694 = vector.shape_cast %add3A_688 : vector<16xf32> to vector<1x1x16xf32>
        tpu.vector_store %arg8[%swap3A_689, %swap3A_690, %swap3A_691], %swap3A_694 {strides = array<i32>} : memref<8x50x64xf32, #tpu.memory_space<vmem>>, vector<1x1x16xf32>,
        %get3A_695 = arith.constant 0 : i32
        %get3A_696 = arith.index_cast %get3A_695 : i32 to index
        %get3A_697 = arith.index_cast %scan3A_678 : i32 to index
        %get3A_698 = arith.constant 16 : index
        %get3A_699 = tpu.vector_load %arg8[%get3A_696, %get3A_697, %get3A_698] {strides = array<i32>} : memref<8x50x64xf32, #tpu.memory_space<vmem>>, vector<1x1x16xf32>,
        %get3A_700 = vector.shape_cast %get3A_699 : vector<1x1x16xf32> to vector<16xf32>
        %get3A_701 = arith.index_cast %scan3A_678 : i32 to index
        %get3A_702 = arith.constant 16 : index
        %get3A_703 = tpu.vector_load %arg7[%get3A_701, %get3A_702] {strides = array<i32>} : memref<64x64xf32, #tpu.memory_space<vmem>>, vector<1x16xf32>,
        %get3A_704 = vector.shape_cast %get3A_703 : vector<1x16xf32> to vector<16xf32>
        %add3A_705 = arith.addf %get3A_700, %get3A_704 : vector<16xf32>
        %swap3A_706 = arith.constant 0 : i32
        %swap3A_707 = arith.index_cast %swap3A_706 : i32 to index
        %swap3A_708 = arith.index_cast %scan3A_678 : i32 to index
        %swap3A_709 = arith.constant 16 : index
        %swap3A_710 = tpu.vector_load %arg8[%swap3A_707, %swap3A_708, %swap3A_709] {strides = array<i32>} : memref<8x50x64xf32, #tpu.memory_space<vmem>>, vector<1x1x16xf32>,
        %swap3A_711 = vector.shape_cast %swap3A_710 : vector<1x1x16xf32> to vector<16xf32>
        %swap3A_712 = vector.shape_cast %add3A_705 : vector<16xf32> to vector<1x1x16xf32>
        tpu.vector_store %arg8[%swap3A_707, %swap3A_708, %swap3A_709], %swap3A_712 {strides = array<i32>} : memref<8x50x64xf32, #tpu.memory_space<vmem>>, vector<1x1x16xf32>,
        %get3A_713 = arith.constant 0 : i32
        %get3A_714 = arith.index_cast %get3A_713 : i32 to index
        %get3A_715 = arith.index_cast %scan3A_678 : i32 to index
        %get3A_716 = arith.constant 32 : index
        %get3A_717 = tpu.vector_load %arg8[%get3A_714, %get3A_715, %get3A_716] {strides = array<i32>} : memref<8x50x64xf32, #tpu.memory_space<vmem>>, vector<1x1x16xf32>,
        %get3A_718 = vector.shape_cast %get3A_717 : vector<1x1x16xf32> to vector<16xf32>
        %get3A_719 = arith.index_cast %scan3A_678 : i32 to index
        %get3A_720 = arith.constant 32 : index
        %get3A_721 = tpu.vector_load %arg7[%get3A_719, %get3A_720] {strides = array<i32>} : memref<64x64xf32, #tpu.memory_space<vmem>>, vector<1x16xf32>,
        %get3A_722 = vector.shape_cast %get3A_721 : vector<1x16xf32> to vector<16xf32>
        %add3A_723 = arith.addf %get3A_718, %get3A_722 : vector<16xf32>
        %swap3A_724 = arith.constant 0 : i32
        %swap3A_725 = arith.index_cast %swap3A_724 : i32 to index
        %swap3A_726 = arith.index_cast %scan3A_678 : i32 to index
        %swap3A_727 = arith.constant 32 : index
        %swap3A_728 = tpu.vector_load %arg8[%swap3A_725, %swap3A_726, %swap3A_727] {strides = array<i32>} : memref<8x50x64xf32, #tpu.memory_space<vmem>>, vector<1x1x16xf32>,
        %swap3A_729 = vector.shape_cast %swap3A_728 : vector<1x1x16xf32> to vector<16xf32>
        %swap3A_730 = vector.shape_cast %add3A_723 : vector<16xf32> to vector<1x1x16xf32>
        tpu.vector_store %arg8[%swap3A_725, %swap3A_726, %swap3A_727], %swap3A_730 {strides = array<i32>} : memref<8x50x64xf32, #tpu.memory_space<vmem>>, vector<1x1x16xf32>,
        %get3A_731 = arith.constant 0 : i32
        %get3A_732 = arith.index_cast %get3A_731 : i32 to index
        %get3A_733 = arith.index_cast %scan3A_678 : i32 to index
        %get3A_734 = arith.constant 48 : index
        %get3A_735 = tpu.vector_load %arg8[%get3A_732, %get3A_733, %get3A_734] {strides = array<i32>} : memref<8x50x64xf32, #tpu.memory_space<vmem>>, vector<1x1x16xf32>,
        %get3A_736 = vector.shape_cast %get3A_735 : vector<1x1x16xf32> to vector<16xf32>
        %get3A_737 = arith.index_cast %scan3A_678 : i32 to index
        %get3A_738 = arith.constant 48 : index
        %get3A_739 = tpu.vector_load %arg7[%get3A_737, %get3A_738] {strides = array<i32>} : memref<64x64xf32, #tpu.memory_space<vmem>>, vector<1x16xf32>,
        %get3A_740 = vector.shape_cast %get3A_739 : vector<1x16xf32> to vector<16xf32>
        %add3A_741 = arith.addf %get3A_736, %get3A_740 : vector<16xf32>
        %swap3A_742 = arith.constant 0 : i32
        %swap3A_743 = arith.index_cast %swap3A_742 : i32 to index
        %swap3A_744 = arith.index_cast %scan3A_678 : i32 to index
        %swap3A_745 = arith.constant 48 : index
        %swap3A_746 = tpu.vector_load %arg8[%swap3A_743, %swap3A_744, %swap3A_745] {strides = array<i32>} : memref<8x50x64xf32, #tpu.memory_space<vmem>>, vector<1x1x16xf32>,
        %swap3A_747 = vector.shape_cast %swap3A_746 : vector<1x1x16xf32> to vector<16xf32>
        %swap3A_748 = vector.shape_cast %add3A_741 : vector<16xf32> to vector<1x1x16xf32>
        tpu.vector_store %arg8[%swap3A_743, %swap3A_744, %swap3A_745], %swap3A_748 {strides = array<i32>} : memref<8x50x64xf32, #tpu.memory_space<vmem>>, vector<1x1x16xf32>,
      }
      %scan3A_288 = arith.constant 50 : i32
      %add3A_289 = arith.addi %mul3A_2, %add3A_268 : i32
      %dma_start3A_290 = arith.constant 0 : i32
      %dma_start3A_291 = arith.constant 0 : i32
      %dma_start3A_292 = arith.constant 0 : i32
      %dma_start3A_293 = arith.constant 0 : i32
      %dma_start3A_294 = tpu.memref_slice %arg8[%dma_start3A_290, %dma_start3A_292, %dma_start3A_293] : memref<8x50x64xf32, #tpu.memory_space<vmem>> -> memref<1x50x64xf32, #tpu.memory_space<vmem>>
      %dma_start3A_295 = tpu.memref_squeeze %dma_start3A_294 : memref<1x50x64xf32, #tpu.memory_space<vmem>> -> memref<50x64xf32, #tpu.memory_space<vmem>>
      %dma_start3A_296 = arith.constant 0 : i32
      %dma_start3A_297 = arith.constant 0 : i32
      %dma_start3A_298 = tpu.memref_slice %arg5[%add3A_289, %dma_start3A_296, %dma_start3A_297] : memref<4096x50x64xf32, #tpu.memory_space<hbm>> -> memref<1x50x64xf32, #tpu.memory_space<hbm>>
      %dma_start3A_299 = tpu.memref_squeeze %dma_start3A_298 : memref<1x50x64xf32, #tpu.memory_space<hbm>> -> memref<50x64xf32, #tpu.memory_space<hbm>>
      %dma_start3A_300 = tpu.memref_slice %arg10[%dma_start3A_291] : memref<8x!tpu.dma_semaphore, #tpu.memory_space<semaphore_mem>> -> memref<1x!tpu.dma_semaphore, #tpu.memory_space<semaphore_mem>>
      %dma_start3A_301 = tpu.memref_squeeze %dma_start3A_300 : memref<1x!tpu.dma_semaphore, #tpu.memory_space<semaphore_mem>> -> memref<!tpu.dma_semaphore, #tpu.memory_space<semaphore_mem>>
      %dma_start3A_302 = arith.constant 0 : i32
      %dma_start3A_303 = arith.constant 0 : i32
      %dma_start3A_304 = tpu.memref_slice %arg5[%add3A_289, %dma_start3A_302, %dma_start3A_303] : memref<4096x50x64xf32, #tpu.memory_space<hbm>> -> memref<1x50x64xf32, #tpu.memory_space<hbm>>
      %dma_start3A_305 = tpu.memref_squeeze %dma_start3A_304 : memref<1x50x64xf32, #tpu.memory_space<hbm>> -> memref<50x64xf32, #tpu.memory_space<hbm>>
      %dma_start3A_306 = arith.constant 0 : i32
      %dma_start3A_307 = arith.constant 0 : i32
      %dma_start3A_308 = tpu.memref_slice %arg8[%dma_start3A_290, %dma_start3A_306, %dma_start3A_307] : memref<8x50x64xf32, #tpu.memory_space<vmem>> -> memref<1x50x64xf32, #tpu.memory_space<vmem>>
      %dma_start3A_309 = tpu.memref_squeeze %dma_start3A_308 : memref<1x50x64xf32, #tpu.memory_space<vmem>> -> memref<50x64xf32, #tpu.memory_space<vmem>>
      tpu.enqueue_dma source(%dma_start3A_309 : memref<50x64xf32, #tpu.memory_space<vmem>>) target(%dma_start3A_305 : memref<50x64xf32, #tpu.memory_space<hbm>>) target_semaphore(%dma_start3A_301 : memref<!tpu.dma_semaphore, #tpu.memory_space<semaphore_mem>>)
      %add3A_310 = arith.constant 6 : i32
      %add3A_311 = arith.addi %add3A_268, %add3A_310 : i32
      %lt3A = arith.constant 128 : i32
      %lt3A_312 = arith.cmpi slt, %add3A_311, %lt3A : i32
      %convert_element_type3A = arith.extui %lt3A_312 : i1 to i32
      %cond3A = arith.constant 0 : i32
      %cond3A_313 = arith.cmpi ne, %convert_element_type3A, %cond3A : i32
      scf.if %cond3A_313 {
        %ge3A = arith.constant 2 : i32
        %ge3A_678 = arith.cmpi sge, %add3A_268, %ge3A : i32
        %convert_element_type3A_679 = arith.extui %ge3A_678 : i1 to i32
        %cond3A_680 = arith.constant 0 : i32
        %cond3A_681 = arith.cmpi ne, %convert_element_type3A_679, %cond3A_680 : i32
        scf.if %cond3A_681 {
          %dma_wait3A_698 = arith.constant 6 : i32
          %dma_wait3A_699 = arith.constant 0 : i32
          %dma_wait3A_700 = arith.constant 6 : i32
          %dma_wait3A_701 = arith.constant 0 : i32
          %dma_wait3A_702 = arith.constant 0 : i32
          %dma_wait3A_703 = tpu.memref_slice %arg8[%dma_wait3A_698, %dma_wait3A_701, %dma_wait3A_702] : memref<8x50x64xf32, #tpu.memory_space<vmem>> -> memref<1x50x64xf32, #tpu.memory_space<vmem>>
          %dma_wait3A_704 = tpu.memref_squeeze %dma_wait3A_703 : memref<1x50x64xf32, #tpu.memory_space<vmem>> -> memref<50x64xf32, #tpu.memory_space<vmem>>
          %dma_wait3A_705 = arith.constant 0 : i32
          %dma_wait3A_706 = arith.constant 0 : i32
          %dma_wait3A_707 = tpu.memref_slice %arg5[%dma_wait3A_699, %dma_wait3A_705, %dma_wait3A_706] : memref<4096x50x64xf32, #tpu.memory_space<hbm>> -> memref<1x50x64xf32, #tpu.memory_space<hbm>>
          %dma_wait3A_708 = tpu.memref_squeeze %dma_wait3A_707 : memref<1x50x64xf32, #tpu.memory_space<hbm>> -> memref<50x64xf32, #tpu.memory_space<hbm>>
          %dma_wait3A_709 = tpu.memref_slice %arg10[%dma_wait3A_700] : memref<8x!tpu.dma_semaphore, #tpu.memory_space<semaphore_mem>> -> memref<1x!tpu.dma_semaphore, #tpu.memory_space<semaphore_mem>>
          %dma_wait3A_710 = tpu.memref_squeeze %dma_wait3A_709 : memref<1x!tpu.dma_semaphore, #tpu.memory_space<semaphore_mem>> -> memref<!tpu.dma_semaphore, #tpu.memory_space<semaphore_mem>>
          %dma_wait3A_711 = arith.constant 0 : i32
          %dma_wait3A_712 = arith.constant 0 : i32
          %dma_wait3A_713 = tpu.memref_slice %arg5[%dma_wait3A_699, %dma_wait3A_711, %dma_wait3A_712] : memref<4096x50x64xf32, #tpu.memory_space<hbm>> -> memref<1x50x64xf32, #tpu.memory_space<hbm>>
          %dma_wait3A_714 = tpu.memref_squeeze %dma_wait3A_713 : memref<1x50x64xf32, #tpu.memory_space<hbm>> -> memref<50x64xf32, #tpu.memory_space<hbm>>
          %dma_wait3A_715 = arith.constant 0 : i32
          %dma_wait3A_716 = arith.constant 0 : i32
          %dma_wait3A_717 = tpu.memref_slice %arg8[%dma_wait3A_698, %dma_wait3A_715, %dma_wait3A_716] : memref<8x50x64xf32, #tpu.memory_space<vmem>> -> memref<1x50x64xf32, #tpu.memory_space<vmem>>
          %dma_wait3A_718 = tpu.memref_squeeze %dma_wait3A_717 : memref<1x50x64xf32, #tpu.memory_space<vmem>> -> memref<50x64xf32, #tpu.memory_space<vmem>>
          tpu.wait_dma2 semaphore(%dma_wait3A_710 : memref<!tpu.dma_semaphore, #tpu.memory_space<semaphore_mem>>) src(%dma_wait3A_718 : memref<50x64xf32, #tpu.memory_space<vmem>>) dst(%dma_wait3A_714 : memref<50x64xf32, #tpu.memory_space<hbm>>)
        } else {
        }
        %add3A_682 = arith.constant 6 : i32
        %add3A_683 = arith.addi %add3A_268, %add3A_682 : i32
        %dma_start3A_684 = arith.constant 6 : i32
        %dma_start3A_685 = arith.constant 6 : i32
        %dma_start3A_686 = arith.constant 0 : i32
        %dma_start3A_687 = arith.constant 0 : i32
        %dma_start3A_688 = tpu.memref_slice %arg8[%dma_start3A_684, %dma_start3A_686, %dma_start3A_687] : memref<8x50x64xf32, #tpu.memory_space<vmem>> -> memref<1x50x64xf32, #tpu.memory_space<vmem>>
        %dma_start3A_689 = tpu.memref_squeeze %dma_start3A_688 : memref<1x50x64xf32, #tpu.memory_space<vmem>> -> memref<50x64xf32, #tpu.memory_space<vmem>>
        %dma_start3A_690 = arith.constant 0 : i32
        %dma_start3A_691 = tpu.memref_slice %arg6[%add3A_683, %dma_start3A_690] : memref<128x50xi32, #tpu.memory_space<vmem>> -> memref<1x50xi32, #tpu.memory_space<vmem>>
        %dma_start3A_692 = tpu.memref_squeeze %dma_start3A_691 : memref<1x50xi32, #tpu.memory_space<vmem>> -> memref<50xi32, #tpu.memory_space<vmem>>
        %dma_start3A_693 = arith.constant 0 : i32
        %dma_start3A_694 = arith.constant 0 : i32
        %dma_start3A_695 = tpu.memref_slice %arg3[%dma_start3A_693, %dma_start3A_694] : memref<1000000x64xf32, #tpu.memory_space<hbm>> -> memref<1000000x64xf32, #tpu.memory_space<hbm>>
        %dma_start3A_696 = tpu.memref_slice %arg9[%dma_start3A_685] : memref<8x!tpu.dma_semaphore, #tpu.memory_space<semaphore_mem>> -> memref<1x!tpu.dma_semaphore, #tpu.memory_space<semaphore_mem>>
        %dma_start3A_697 = tpu.memref_squeeze %dma_start3A_696 : memref<1x!tpu.dma_semaphore, #tpu.memory_space<semaphore_mem>> -> memref<!tpu.dma_semaphore, #tpu.memory_space<semaphore_mem>>
        tpu.enqueue_indirect_dma source(%dma_start3A_695 : memref<1000000x64xf32, #tpu.memory_space<hbm>>) target(%dma_start3A_689 : memref<50x64xf32, #tpu.memory_space<vmem>>) offsets(%dma_start3A_692 : memref<50xi32, #tpu.memory_space<vmem>>) semaphore(%dma_start3A_697 : memref<!tpu.dma_semaphore, #tpu.memory_space<semaphore_mem>>)
      } else {
      }
      %mul3A_314 = arith.constant 8 : i32
      %mul3A_315 = arith.muli %scan3A_264, %mul3A_314 : i32
      %add3A_316 = arith.constant 1 : i32
      %add3A_317 = arith.addi %mul3A_315, %add3A_316 : i32
      %dma_wait3A_318 = arith.constant 1 : i32
      %dma_wait3A_319 = arith.constant 1 : i32
      %dma_wait3A_320 = arith.constant 0 : i32
      %dma_wait3A_321 = arith.constant 0 : i32
      %dma_wait3A_322 = tpu.memref_slice %arg8[%dma_wait3A_318, %dma_wait3A_320, %dma_wait3A_321] : memref<8x50x64xf32, #tpu.memory_space<vmem>> -> memref<1x50x64xf32, #tpu.memory_space<vmem>>
      %dma_wait3A_323 = tpu.memref_squeeze %dma_wait3A_322 : memref<1x50x64xf32, #tpu.memory_space<vmem>> -> memref<50x64xf32, #tpu.memory_space<vmem>>
      %dma_wait3A_324 = arith.constant 0 : i32
      %dma_wait3A_325 = tpu.memref_slice %arg6[%add3A_317, %dma_wait3A_324] : memref<128x50xi32, #tpu.memory_space<vmem>> -> memref<1x50xi32, #tpu.memory_space<vmem>>
      %dma_wait3A_326 = tpu.memref_squeeze %dma_wait3A_325 : memref<1x50xi32, #tpu.memory_space<vmem>> -> memref<50xi32, #tpu.memory_space<vmem>>
      %dma_wait3A_327 = arith.constant 0 : i32
      %dma_wait3A_328 = arith.constant 0 : i32
      %dma_wait3A_329 = tpu.memref_slice %arg3[%dma_wait3A_327, %dma_wait3A_328] : memref<1000000x64xf32, #tpu.memory_space<hbm>> -> memref<1000000x64xf32, #tpu.memory_space<hbm>>
      %dma_wait3A_330 = tpu.memref_slice %arg9[%dma_wait3A_319] : memref<8x!tpu.dma_semaphore, #tpu.memory_space<semaphore_mem>> -> memref<1x!tpu.dma_semaphore, #tpu.memory_space<semaphore_mem>>
      %dma_wait3A_331 = tpu.memref_squeeze %dma_wait3A_330 : memref<1x!tpu.dma_semaphore, #tpu.memory_space<semaphore_mem>> -> memref<!tpu.dma_semaphore, #tpu.memory_space<semaphore_mem>>
      tpu.wait_indirect_dma semaphore(%dma_wait3A_331 : memref<!tpu.dma_semaphore, #tpu.memory_space<semaphore_mem>>) src(%dma_wait3A_329 : memref<1000000x64xf32, #tpu.memory_space<hbm>>) dst(%dma_wait3A_323 : memref<50x64xf32, #tpu.memory_space<vmem>>)
      %scan3A_332 = arith.constant 0 : i32
      %scan3A_333 = arith.constant 0 : i32
      %scan3A_334 = arith.constant 50 : i32
      %scan3A_335 = arith.addi %scan3A_333, %scan3A_334 : i32
      %scan3A_336 = arith.constant 1 : i32
      scf.for %scan3A_678 = %scan3A_333 to %scan3A_335 step %scan3A_336  : i32 {
        %get3A = arith.constant 1 : i32
        %get3A_679 = arith.index_cast %get3A : i32 to index
        %get3A_680 = arith.index_cast %scan3A_678 : i32 to index
        %get3A_681 = arith.constant 0 : index
        %get3A_682 = tpu.vector_load %arg8[%get3A_679, %get3A_680, %get3A_681] {strides = array<i32>} : memref<8x50x64xf32, #tpu.memory_space<vmem>>, vector<1x1x16xf32>,
        %get3A_683 = vector.shape_cast %get3A_682 : vector<1x1x16xf32> to vector<16xf32>
        %get3A_684 = arith.index_cast %scan3A_678 : i32 to index
        %get3A_685 = arith.constant 0 : index
        %get3A_686 = tpu.vector_load %arg7[%get3A_684, %get3A_685] {strides = array<i32>} : memref<64x64xf32, #tpu.memory_space<vmem>>, vector<1x16xf32>,
        %get3A_687 = vector.shape_cast %get3A_686 : vector<1x16xf32> to vector<16xf32>
        %add3A_688 = arith.addf %get3A_683, %get3A_687 : vector<16xf32>
        %swap3A = arith.constant 1 : i32
        %swap3A_689 = arith.index_cast %swap3A : i32 to index
        %swap3A_690 = arith.index_cast %scan3A_678 : i32 to index
        %swap3A_691 = arith.constant 0 : index
        %swap3A_692 = tpu.vector_load %arg8[%swap3A_689, %swap3A_690, %swap3A_691] {strides = array<i32>} : memref<8x50x64xf32, #tpu.memory_space<vmem>>, vector<1x1x16xf32>,
        %swap3A_693 = vector.shape_cast %swap3A_692 : vector<1x1x16xf32> to vector<16xf32>
        %swap3A_694 = vector.shape_cast %add3A_688 : vector<16xf32> to vector<1x1x16xf32>
        tpu.vector_store %arg8[%swap3A_689, %swap3A_690, %swap3A_691], %swap3A_694 {strides = array<i32>} : memref<8x50x64xf32, #tpu.memory_space<vmem>>, vector<1x1x16xf32>,
        %get3A_695 = arith.constant 1 : i32
        %get3A_696 = arith.index_cast %get3A_695 : i32 to index
        %get3A_697 = arith.index_cast %scan3A_678 : i32 to index
        %get3A_698 = arith.constant 16 : index
        %get3A_699 = tpu.vector_load %arg8[%get3A_696, %get3A_697, %get3A_698] {strides = array<i32>} : memref<8x50x64xf32, #tpu.memory_space<vmem>>, vector<1x1x16xf32>,
        %get3A_700 = vector.shape_cast %get3A_699 : vector<1x1x16xf32> to vector<16xf32>
        %get3A_701 = arith.index_cast %scan3A_678 : i32 to index
        %get3A_702 = arith.constant 16 : index
        %get3A_703 = tpu.vector_load %arg7[%get3A_701, %get3A_702] {strides = array<i32>} : memref<64x64xf32, #tpu.memory_space<vmem>>, vector<1x16xf32>,
        %get3A_704 = vector.shape_cast %get3A_703 : vector<1x16xf32> to vector<16xf32>
        %add3A_705 = arith.addf %get3A_700, %get3A_704 : vector<16xf32>
        %swap3A_706 = arith.constant 1 : i32
        %swap3A_707 = arith.index_cast %swap3A_706 : i32 to index
        %swap3A_708 = arith.index_cast %scan3A_678 : i32 to index
        %swap3A_709 = arith.constant 16 : index
        %swap3A_710 = tpu.vector_load %arg8[%swap3A_707, %swap3A_708, %swap3A_709] {strides = array<i32>} : memref<8x50x64xf32, #tpu.memory_space<vmem>>, vector<1x1x16xf32>,
        %swap3A_711 = vector.shape_cast %swap3A_710 : vector<1x1x16xf32> to vector<16xf32>
        %swap3A_712 = vector.shape_cast %add3A_705 : vector<16xf32> to vector<1x1x16xf32>
        tpu.vector_store %arg8[%swap3A_707, %swap3A_708, %swap3A_709], %swap3A_712 {strides = array<i32>} : memref<8x50x64xf32, #tpu.memory_space<vmem>>, vector<1x1x16xf32>,
        %get3A_713 = arith.constant 1 : i32
        %get3A_714 = arith.index_cast %get3A_713 : i32 to index
        %get3A_715 = arith.index_cast %scan3A_678 : i32 to index
        %get3A_716 = arith.constant 32 : index
        %get3A_717 = tpu.vector_load %arg8[%get3A_714, %get3A_715, %get3A_716] {strides = array<i32>} : memref<8x50x64xf32, #tpu.memory_space<vmem>>, vector<1x1x16xf32>,
        %get3A_718 = vector.shape_cast %get3A_717 : vector<1x1x16xf32> to vector<16xf32>
        %get3A_719 = arith.index_cast %scan3A_678 : i32 to index
        %get3A_720 = arith.constant 32 : index
        %get3A_721 = tpu.vector_load %arg7[%get3A_719, %get3A_720] {strides = array<i32>} : memref<64x64xf32, #tpu.memory_space<vmem>>, vector<1x16xf32>,
        %get3A_722 = vector.shape_cast %get3A_721 : vector<1x16xf32> to vector<16xf32>
        %add3A_723 = arith.addf %get3A_718, %get3A_722 : vector<16xf32>
        %swap3A_724 = arith.constant 1 : i32
        %swap3A_725 = arith.index_cast %swap3A_724 : i32 to index
        %swap3A_726 = arith.index_cast %scan3A_678 : i32 to index
        %swap3A_727 = arith.constant 32 : index
        %swap3A_728 = tpu.vector_load %arg8[%swap3A_725, %swap3A_726, %swap3A_727] {strides = array<i32>} : memref<8x50x64xf32, #tpu.memory_space<vmem>>, vector<1x1x16xf32>,
        %swap3A_729 = vector.shape_cast %swap3A_728 : vector<1x1x16xf32> to vector<16xf32>
        %swap3A_730 = vector.shape_cast %add3A_723 : vector<16xf32> to vector<1x1x16xf32>
        tpu.vector_store %arg8[%swap3A_725, %swap3A_726, %swap3A_727], %swap3A_730 {strides = array<i32>} : memref<8x50x64xf32, #tpu.memory_space<vmem>>, vector<1x1x16xf32>,
        %get3A_731 = arith.constant 1 : i32
        %get3A_732 = arith.index_cast %get3A_731 : i32 to index
        %get3A_733 = arith.index_cast %scan3A_678 : i32 to index
        %get3A_734 = arith.constant 48 : index
        %get3A_735 = tpu.vector_load %arg8[%get3A_732, %get3A_733, %get3A_734] {strides = array<i32>} : memref<8x50x64xf32, #tpu.memory_space<vmem>>, vector<1x1x16xf32>,
        %get3A_736 = vector.shape_cast %get3A_735 : vector<1x1x16xf32> to vector<16xf32>
        %get3A_737 = arith.index_cast %scan3A_678 : i32 to index
        %get3A_738 = arith.constant 48 : index
        %get3A_739 = tpu.vector_load %arg7[%get3A_737, %get3A_738] {strides = array<i32>} : memref<64x64xf32, #tpu.memory_space<vmem>>, vector<1x16xf32>,
        %get3A_740 = vector.shape_cast %get3A_739 : vector<1x16xf32> to vector<16xf32>
        %add3A_741 = arith.addf %get3A_736, %get3A_740 : vector<16xf32>
        %swap3A_742 = arith.constant 1 : i32
        %swap3A_743 = arith.index_cast %swap3A_742 : i32 to index
        %swap3A_744 = arith.index_cast %scan3A_678 : i32 to index
        %swap3A_745 = arith.constant 48 : index
        %swap3A_746 = tpu.vector_load %arg8[%swap3A_743, %swap3A_744, %swap3A_745] {strides = array<i32>} : memref<8x50x64xf32, #tpu.memory_space<vmem>>, vector<1x1x16xf32>,
        %swap3A_747 = vector.shape_cast %swap3A_746 : vector<1x1x16xf32> to vector<16xf32>
        %swap3A_748 = vector.shape_cast %add3A_741 : vector<16xf32> to vector<1x1x16xf32>
        tpu.vector_store %arg8[%swap3A_743, %swap3A_744, %swap3A_745], %swap3A_748 {strides = array<i32>} : memref<8x50x64xf32, #tpu.memory_space<vmem>>, vector<1x1x16xf32>,
      }
      %scan3A_337 = arith.constant 50 : i32
      %add3A_338 = arith.addi %mul3A_2, %add3A_317 : i32
      %dma_start3A_339 = arith.constant 1 : i32
      %dma_start3A_340 = arith.constant 1 : i32
      %dma_start3A_341 = arith.constant 0 : i32
      %dma_start3A_342 = arith.constant 0 : i32
      %dma_start3A_343 = tpu.memref_slice %arg8[%dma_start3A_339, %dma_start3A_341, %dma_start3A_342] : memref<8x50x64xf32, #tpu.memory_space<vmem>> -> memref<1x50x64xf32, #tpu.memory_space<vmem>>
      %dma_start3A_344 = tpu.memref_squeeze %dma_start3A_343 : memref<1x50x64xf32, #tpu.memory_space<vmem>> -> memref<50x64xf32, #tpu.memory_space<vmem>>
      %dma_start3A_345 = arith.constant 0 : i32
      %dma_start3A_346 = arith.constant 0 : i32
      %dma_start3A_347 = tpu.memref_slice %arg5[%add3A_338, %dma_start3A_345, %dma_start3A_346] : memref<4096x50x64xf32, #tpu.memory_space<hbm>> -> memref<1x50x64xf32, #tpu.memory_space<hbm>>
      %dma_start3A_348 = tpu.memref_squeeze %dma_start3A_347 : memref<1x50x64xf32, #tpu.memory_space<hbm>> -> memref<50x64xf32, #tpu.memory_space<hbm>>
      %dma_start3A_349 = tpu.memref_slice %arg10[%dma_start3A_340] : memref<8x!tpu.dma_semaphore, #tpu.memory_space<semaphore_mem>> -> memref<1x!tpu.dma_semaphore, #tpu.memory_space<semaphore_mem>>
      %dma_start3A_350 = tpu.memref_squeeze %dma_start3A_349 : memref<1x!tpu.dma_semaphore, #tpu.memory_space<semaphore_mem>> -> memref<!tpu.dma_semaphore, #tpu.memory_space<semaphore_mem>>
      %dma_start3A_351 = arith.constant 0 : i32
      %dma_start3A_352 = arith.constant 0 : i32
      %dma_start3A_353 = tpu.memref_slice %arg5[%add3A_338, %dma_start3A_351, %dma_start3A_352] : memref<4096x50x64xf32, #tpu.memory_space<hbm>> -> memref<1x50x64xf32, #tpu.memory_space<hbm>>
      %dma_start3A_354 = tpu.memref_squeeze %dma_start3A_353 : memref<1x50x64xf32, #tpu.memory_space<hbm>> -> memref<50x64xf32, #tpu.memory_space<hbm>>
      %dma_start3A_355 = arith.constant 0 : i32
      %dma_start3A_356 = arith.constant 0 : i32
      %dma_start3A_357 = tpu.memref_slice %arg8[%dma_start3A_339, %dma_start3A_355, %dma_start3A_356] : memref<8x50x64xf32, #tpu.memory_space<vmem>> -> memref<1x50x64xf32, #tpu.memory_space<vmem>>
      %dma_start3A_358 = tpu.memref_squeeze %dma_start3A_357 : memref<1x50x64xf32, #tpu.memory_space<vmem>> -> memref<50x64xf32, #tpu.memory_space<vmem>>
      tpu.enqueue_dma source(%dma_start3A_358 : memref<50x64xf32, #tpu.memory_space<vmem>>) target(%dma_start3A_354 : memref<50x64xf32, #tpu.memory_space<hbm>>) target_semaphore(%dma_start3A_350 : memref<!tpu.dma_semaphore, #tpu.memory_space<semaphore_mem>>)
      %add3A_359 = arith.constant 6 : i32
      %add3A_360 = arith.addi %add3A_317, %add3A_359 : i32
      %lt3A_361 = arith.constant 128 : i32
      %lt3A_362 = arith.cmpi slt, %add3A_360, %lt3A_361 : i32
      %convert_element_type3A_363 = arith.extui %lt3A_362 : i1 to i32
      %cond3A_364 = arith.constant 0 : i32
      %cond3A_365 = arith.cmpi ne, %convert_element_type3A_363, %cond3A_364 : i32
      scf.if %cond3A_365 {
        %ge3A = arith.constant 2 : i32
        %ge3A_678 = arith.cmpi sge, %add3A_317, %ge3A : i32
        %convert_element_type3A_679 = arith.extui %ge3A_678 : i1 to i32
        %cond3A_680 = arith.constant 0 : i32
        %cond3A_681 = arith.cmpi ne, %convert_element_type3A_679, %cond3A_680 : i32
        scf.if %cond3A_681 {
          %dma_wait3A_698 = arith.constant 7 : i32
          %dma_wait3A_699 = arith.constant 0 : i32
          %dma_wait3A_700 = arith.constant 7 : i32
          %dma_wait3A_701 = arith.constant 0 : i32
          %dma_wait3A_702 = arith.constant 0 : i32
          %dma_wait3A_703 = tpu.memref_slice %arg8[%dma_wait3A_698, %dma_wait3A_701, %dma_wait3A_702] : memref<8x50x64xf32, #tpu.memory_space<vmem>> -> memref<1x50x64xf32, #tpu.memory_space<vmem>>
          %dma_wait3A_704 = tpu.memref_squeeze %dma_wait3A_703 : memref<1x50x64xf32, #tpu.memory_space<vmem>> -> memref<50x64xf32, #tpu.memory_space<vmem>>
          %dma_wait3A_705 = arith.constant 0 : i32
          %dma_wait3A_706 = arith.constant 0 : i32
          %dma_wait3A_707 = tpu.memref_slice %arg5[%dma_wait3A_699, %dma_wait3A_705, %dma_wait3A_706] : memref<4096x50x64xf32, #tpu.memory_space<hbm>> -> memref<1x50x64xf32, #tpu.memory_space<hbm>>
          %dma_wait3A_708 = tpu.memref_squeeze %dma_wait3A_707 : memref<1x50x64xf32, #tpu.memory_space<hbm>> -> memref<50x64xf32, #tpu.memory_space<hbm>>
          %dma_wait3A_709 = tpu.memref_slice %arg10[%dma_wait3A_700] : memref<8x!tpu.dma_semaphore, #tpu.memory_space<semaphore_mem>> -> memref<1x!tpu.dma_semaphore, #tpu.memory_space<semaphore_mem>>
          %dma_wait3A_710 = tpu.memref_squeeze %dma_wait3A_709 : memref<1x!tpu.dma_semaphore, #tpu.memory_space<semaphore_mem>> -> memref<!tpu.dma_semaphore, #tpu.memory_space<semaphore_mem>>
          %dma_wait3A_711 = arith.constant 0 : i32
          %dma_wait3A_712 = arith.constant 0 : i32
          %dma_wait3A_713 = tpu.memref_slice %arg5[%dma_wait3A_699, %dma_wait3A_711, %dma_wait3A_712] : memref<4096x50x64xf32, #tpu.memory_space<hbm>> -> memref<1x50x64xf32, #tpu.memory_space<hbm>>
          %dma_wait3A_714 = tpu.memref_squeeze %dma_wait3A_713 : memref<1x50x64xf32, #tpu.memory_space<hbm>> -> memref<50x64xf32, #tpu.memory_space<hbm>>
          %dma_wait3A_715 = arith.constant 0 : i32
          %dma_wait3A_716 = arith.constant 0 : i32
          %dma_wait3A_717 = tpu.memref_slice %arg8[%dma_wait3A_698, %dma_wait3A_715, %dma_wait3A_716] : memref<8x50x64xf32, #tpu.memory_space<vmem>> -> memref<1x50x64xf32, #tpu.memory_space<vmem>>
          %dma_wait3A_718 = tpu.memref_squeeze %dma_wait3A_717 : memref<1x50x64xf32, #tpu.memory_space<vmem>> -> memref<50x64xf32, #tpu.memory_space<vmem>>
          tpu.wait_dma2 semaphore(%dma_wait3A_710 : memref<!tpu.dma_semaphore, #tpu.memory_space<semaphore_mem>>) src(%dma_wait3A_718 : memref<50x64xf32, #tpu.memory_space<vmem>>) dst(%dma_wait3A_714 : memref<50x64xf32, #tpu.memory_space<hbm>>)
        } else {
        }
        %add3A_682 = arith.constant 6 : i32
        %add3A_683 = arith.addi %add3A_317, %add3A_682 : i32
        %dma_start3A_684 = arith.constant 7 : i32
        %dma_start3A_685 = arith.constant 7 : i32
        %dma_start3A_686 = arith.constant 0 : i32
        %dma_start3A_687 = arith.constant 0 : i32
        %dma_start3A_688 = tpu.memref_slice %arg8[%dma_start3A_684, %dma_start3A_686, %dma_start3A_687] : memref<8x50x64xf32, #tpu.memory_space<vmem>> -> memref<1x50x64xf32, #tpu.memory_space<vmem>>
        %dma_start3A_689 = tpu.memref_squeeze %dma_start3A_688 : memref<1x50x64xf32, #tpu.memory_space<vmem>> -> memref<50x64xf32, #tpu.memory_space<vmem>>
        %dma_start3A_690 = arith.constant 0 : i32
        %dma_start3A_691 = tpu.memref_slice %arg6[%add3A_683, %dma_start3A_690] : memref<128x50xi32, #tpu.memory_space<vmem>> -> memref<1x50xi32, #tpu.memory_space<vmem>>
        %dma_start3A_692 = tpu.memref_squeeze %dma_start3A_691 : memref<1x50xi32, #tpu.memory_space<vmem>> -> memref<50xi32, #tpu.memory_space<vmem>>
        %dma_start3A_693 = arith.constant 0 : i32
        %dma_start3A_694 = arith.constant 0 : i32
        %dma_start3A_695 = tpu.memref_slice %arg3[%dma_start3A_693, %dma_start3A_694] : memref<1000000x64xf32, #tpu.memory_space<hbm>> -> memref<1000000x64xf32, #tpu.memory_space<hbm>>
        %dma_start3A_696 = tpu.memref_slice %arg9[%dma_start3A_685] : memref<8x!tpu.dma_semaphore, #tpu.memory_space<semaphore_mem>> -> memref<1x!tpu.dma_semaphore, #tpu.memory_space<semaphore_mem>>
        %dma_start3A_697 = tpu.memref_squeeze %dma_start3A_696 : memref<1x!tpu.dma_semaphore, #tpu.memory_space<semaphore_mem>> -> memref<!tpu.dma_semaphore, #tpu.memory_space<semaphore_mem>>
        tpu.enqueue_indirect_dma source(%dma_start3A_695 : memref<1000000x64xf32, #tpu.memory_space<hbm>>) target(%dma_start3A_689 : memref<50x64xf32, #tpu.memory_space<vmem>>) offsets(%dma_start3A_692 : memref<50xi32, #tpu.memory_space<vmem>>) semaphore(%dma_start3A_697 : memref<!tpu.dma_semaphore, #tpu.memory_space<semaphore_mem>>)
      } else {
      }
      %mul3A_366 = arith.constant 8 : i32
      %mul3A_367 = arith.muli %scan3A_264, %mul3A_366 : i32
      %add3A_368 = arith.constant 2 : i32
      %add3A_369 = arith.addi %mul3A_367, %add3A_368 : i32
      %dma_wait3A_370 = arith.constant 2 : i32
      %dma_wait3A_371 = arith.constant 2 : i32
      %dma_wait3A_372 = arith.constant 0 : i32
      %dma_wait3A_373 = arith.constant 0 : i32
      %dma_wait3A_374 = tpu.memref_slice %arg8[%dma_wait3A_370, %dma_wait3A_372, %dma_wait3A_373] : memref<8x50x64xf32, #tpu.memory_space<vmem>> -> memref<1x50x64xf32, #tpu.memory_space<vmem>>
      %dma_wait3A_375 = tpu.memref_squeeze %dma_wait3A_374 : memref<1x50x64xf32, #tpu.memory_space<vmem>> -> memref<50x64xf32, #tpu.memory_space<vmem>>
      %dma_wait3A_376 = arith.constant 0 : i32
      %dma_wait3A_377 = tpu.memref_slice %arg6[%add3A_369, %dma_wait3A_376] : memref<128x50xi32, #tpu.memory_space<vmem>> -> memref<1x50xi32, #tpu.memory_space<vmem>>
      %dma_wait3A_378 = tpu.memref_squeeze %dma_wait3A_377 : memref<1x50xi32, #tpu.memory_space<vmem>> -> memref<50xi32, #tpu.memory_space<vmem>>
      %dma_wait3A_379 = arith.constant 0 : i32
      %dma_wait3A_380 = arith.constant 0 : i32
      %dma_wait3A_381 = tpu.memref_slice %arg3[%dma_wait3A_379, %dma_wait3A_380] : memref<1000000x64xf32, #tpu.memory_space<hbm>> -> memref<1000000x64xf32, #tpu.memory_space<hbm>>
      %dma_wait3A_382 = tpu.memref_slice %arg9[%dma_wait3A_371] : memref<8x!tpu.dma_semaphore, #tpu.memory_space<semaphore_mem>> -> memref<1x!tpu.dma_semaphore, #tpu.memory_space<semaphore_mem>>
      %dma_wait3A_383 = tpu.memref_squeeze %dma_wait3A_382 : memref<1x!tpu.dma_semaphore, #tpu.memory_space<semaphore_mem>> -> memref<!tpu.dma_semaphore, #tpu.memory_space<semaphore_mem>>
      tpu.wait_indirect_dma semaphore(%dma_wait3A_383 : memref<!tpu.dma_semaphore, #tpu.memory_space<semaphore_mem>>) src(%dma_wait3A_381 : memref<1000000x64xf32, #tpu.memory_space<hbm>>) dst(%dma_wait3A_375 : memref<50x64xf32, #tpu.memory_space<vmem>>)
      %scan3A_384 = arith.constant 0 : i32
      %scan3A_385 = arith.constant 0 : i32
      %scan3A_386 = arith.constant 50 : i32
      %scan3A_387 = arith.addi %scan3A_385, %scan3A_386 : i32
      %scan3A_388 = arith.constant 1 : i32
      scf.for %scan3A_678 = %scan3A_385 to %scan3A_387 step %scan3A_388  : i32 {
        %get3A = arith.constant 2 : i32
        %get3A_679 = arith.index_cast %get3A : i32 to index
        %get3A_680 = arith.index_cast %scan3A_678 : i32 to index
        %get3A_681 = arith.constant 0 : index
        %get3A_682 = tpu.vector_load %arg8[%get3A_679, %get3A_680, %get3A_681] {strides = array<i32>} : memref<8x50x64xf32, #tpu.memory_space<vmem>>, vector<1x1x16xf32>,
        %get3A_683 = vector.shape_cast %get3A_682 : vector<1x1x16xf32> to vector<16xf32>
        %get3A_684 = arith.index_cast %scan3A_678 : i32 to index
        %get3A_685 = arith.constant 0 : index
        %get3A_686 = tpu.vector_load %arg7[%get3A_684, %get3A_685] {strides = array<i32>} : memref<64x64xf32, #tpu.memory_space<vmem>>, vector<1x16xf32>,
        %get3A_687 = vector.shape_cast %get3A_686 : vector<1x16xf32> to vector<16xf32>
        %add3A_688 = arith.addf %get3A_683, %get3A_687 : vector<16xf32>
        %swap3A = arith.constant 2 : i32
        %swap3A_689 = arith.index_cast %swap3A : i32 to index
        %swap3A_690 = arith.index_cast %scan3A_678 : i32 to index
        %swap3A_691 = arith.constant 0 : index
        %swap3A_692 = tpu.vector_load %arg8[%swap3A_689, %swap3A_690, %swap3A_691] {strides = array<i32>} : memref<8x50x64xf32, #tpu.memory_space<vmem>>, vector<1x1x16xf32>,
        %swap3A_693 = vector.shape_cast %swap3A_692 : vector<1x1x16xf32> to vector<16xf32>
        %swap3A_694 = vector.shape_cast %add3A_688 : vector<16xf32> to vector<1x1x16xf32>
        tpu.vector_store %arg8[%swap3A_689, %swap3A_690, %swap3A_691], %swap3A_694 {strides = array<i32>} : memref<8x50x64xf32, #tpu.memory_space<vmem>>, vector<1x1x16xf32>,
        %get3A_695 = arith.constant 2 : i32
        %get3A_696 = arith.index_cast %get3A_695 : i32 to index
        %get3A_697 = arith.index_cast %scan3A_678 : i32 to index
        %get3A_698 = arith.constant 16 : index
        %get3A_699 = tpu.vector_load %arg8[%get3A_696, %get3A_697, %get3A_698] {strides = array<i32>} : memref<8x50x64xf32, #tpu.memory_space<vmem>>, vector<1x1x16xf32>,
        %get3A_700 = vector.shape_cast %get3A_699 : vector<1x1x16xf32> to vector<16xf32>
        %get3A_701 = arith.index_cast %scan3A_678 : i32 to index
        %get3A_702 = arith.constant 16 : index
        %get3A_703 = tpu.vector_load %arg7[%get3A_701, %get3A_702] {strides = array<i32>} : memref<64x64xf32, #tpu.memory_space<vmem>>, vector<1x16xf32>,
        %get3A_704 = vector.shape_cast %get3A_703 : vector<1x16xf32> to vector<16xf32>
        %add3A_705 = arith.addf %get3A_700, %get3A_704 : vector<16xf32>
        %swap3A_706 = arith.constant 2 : i32
        %swap3A_707 = arith.index_cast %swap3A_706 : i32 to index
        %swap3A_708 = arith.index_cast %scan3A_678 : i32 to index
        %swap3A_709 = arith.constant 16 : index
        %swap3A_710 = tpu.vector_load %arg8[%swap3A_707, %swap3A_708, %swap3A_709] {strides = array<i32>} : memref<8x50x64xf32, #tpu.memory_space<vmem>>, vector<1x1x16xf32>,
        %swap3A_711 = vector.shape_cast %swap3A_710 : vector<1x1x16xf32> to vector<16xf32>
        %swap3A_712 = vector.shape_cast %add3A_705 : vector<16xf32> to vector<1x1x16xf32>
        tpu.vector_store %arg8[%swap3A_707, %swap3A_708, %swap3A_709], %swap3A_712 {strides = array<i32>} : memref<8x50x64xf32, #tpu.memory_space<vmem>>, vector<1x1x16xf32>,
        %get3A_713 = arith.constant 2 : i32
        %get3A_714 = arith.index_cast %get3A_713 : i32 to index
        %get3A_715 = arith.index_cast %scan3A_678 : i32 to index
        %get3A_716 = arith.constant 32 : index
        %get3A_717 = tpu.vector_load %arg8[%get3A_714, %get3A_715, %get3A_716] {strides = array<i32>} : memref<8x50x64xf32, #tpu.memory_space<vmem>>, vector<1x1x16xf32>,
        %get3A_718 = vector.shape_cast %get3A_717 : vector<1x1x16xf32> to vector<16xf32>
        %get3A_719 = arith.index_cast %scan3A_678 : i32 to index
        %get3A_720 = arith.constant 32 : index
        %get3A_721 = tpu.vector_load %arg7[%get3A_719, %get3A_720] {strides = array<i32>} : memref<64x64xf32, #tpu.memory_space<vmem>>, vector<1x16xf32>,
        %get3A_722 = vector.shape_cast %get3A_721 : vector<1x16xf32> to vector<16xf32>
        %add3A_723 = arith.addf %get3A_718, %get3A_722 : vector<16xf32>
        %swap3A_724 = arith.constant 2 : i32
        %swap3A_725 = arith.index_cast %swap3A_724 : i32 to index
        %swap3A_726 = arith.index_cast %scan3A_678 : i32 to index
        %swap3A_727 = arith.constant 32 : index
        %swap3A_728 = tpu.vector_load %arg8[%swap3A_725, %swap3A_726, %swap3A_727] {strides = array<i32>} : memref<8x50x64xf32, #tpu.memory_space<vmem>>, vector<1x1x16xf32>,
        %swap3A_729 = vector.shape_cast %swap3A_728 : vector<1x1x16xf32> to vector<16xf32>
        %swap3A_730 = vector.shape_cast %add3A_723 : vector<16xf32> to vector<1x1x16xf32>
        tpu.vector_store %arg8[%swap3A_725, %swap3A_726, %swap3A_727], %swap3A_730 {strides = array<i32>} : memref<8x50x64xf32, #tpu.memory_space<vmem>>, vector<1x1x16xf32>,
        %get3A_731 = arith.constant 2 : i32
        %get3A_732 = arith.index_cast %get3A_731 : i32 to index
        %get3A_733 = arith.index_cast %scan3A_678 : i32 to index
        %get3A_734 = arith.constant 48 : index
        %get3A_735 = tpu.vector_load %arg8[%get3A_732, %get3A_733, %get3A_734] {strides = array<i32>} : memref<8x50x64xf32, #tpu.memory_space<vmem>>, vector<1x1x16xf32>,
        %get3A_736 = vector.shape_cast %get3A_735 : vector<1x1x16xf32> to vector<16xf32>
        %get3A_737 = arith.index_cast %scan3A_678 : i32 to index
        %get3A_738 = arith.constant 48 : index
        %get3A_739 = tpu.vector_load %arg7[%get3A_737, %get3A_738] {strides = array<i32>} : memref<64x64xf32, #tpu.memory_space<vmem>>, vector<1x16xf32>,
        %get3A_740 = vector.shape_cast %get3A_739 : vector<1x16xf32> to vector<16xf32>
        %add3A_741 = arith.addf %get3A_736, %get3A_740 : vector<16xf32>
        %swap3A_742 = arith.constant 2 : i32
        %swap3A_743 = arith.index_cast %swap3A_742 : i32 to index
        %swap3A_744 = arith.index_cast %scan3A_678 : i32 to index
        %swap3A_745 = arith.constant 48 : index
        %swap3A_746 = tpu.vector_load %arg8[%swap3A_743, %swap3A_744, %swap3A_745] {strides = array<i32>} : memref<8x50x64xf32, #tpu.memory_space<vmem>>, vector<1x1x16xf32>,
        %swap3A_747 = vector.shape_cast %swap3A_746 : vector<1x1x16xf32> to vector<16xf32>
        %swap3A_748 = vector.shape_cast %add3A_741 : vector<16xf32> to vector<1x1x16xf32>
        tpu.vector_store %arg8[%swap3A_743, %swap3A_744, %swap3A_745], %swap3A_748 {strides = array<i32>} : memref<8x50x64xf32, #tpu.memory_space<vmem>>, vector<1x1x16xf32>,
      }
      %scan3A_389 = arith.constant 50 : i32
      %add3A_390 = arith.addi %mul3A_2, %add3A_369 : i32
      %dma_start3A_391 = arith.constant 2 : i32
      %dma_start3A_392 = arith.constant 2 : i32
      %dma_start3A_393 = arith.constant 0 : i32
      %dma_start3A_394 = arith.constant 0 : i32
      %dma_start3A_395 = tpu.memref_slice %arg8[%dma_start3A_391, %dma_start3A_393, %dma_start3A_394] : memref<8x50x64xf32, #tpu.memory_space<vmem>> -> memref<1x50x64xf32, #tpu.memory_space<vmem>>
      %dma_start3A_396 = tpu.memref_squeeze %dma_start3A_395 : memref<1x50x64xf32, #tpu.memory_space<vmem>> -> memref<50x64xf32, #tpu.memory_space<vmem>>
      %dma_start3A_397 = arith.constant 0 : i32
      %dma_start3A_398 = arith.constant 0 : i32
      %dma_start3A_399 = tpu.memref_slice %arg5[%add3A_390, %dma_start3A_397, %dma_start3A_398] : memref<4096x50x64xf32, #tpu.memory_space<hbm>> -> memref<1x50x64xf32, #tpu.memory_space<hbm>>
      %dma_start3A_400 = tpu.memref_squeeze %dma_start3A_399 : memref<1x50x64xf32, #tpu.memory_space<hbm>> -> memref<50x64xf32, #tpu.memory_space<hbm>>
      %dma_start3A_401 = tpu.memref_slice %arg10[%dma_start3A_392] : memref<8x!tpu.dma_semaphore, #tpu.memory_space<semaphore_mem>> -> memref<1x!tpu.dma_semaphore, #tpu.memory_space<semaphore_mem>>
      %dma_start3A_402 = tpu.memref_squeeze %dma_start3A_401 : memref<1x!tpu.dma_semaphore, #tpu.memory_space<semaphore_mem>> -> memref<!tpu.dma_semaphore, #tpu.memory_space<semaphore_mem>>
      %dma_start3A_403 = arith.constant 0 : i32
      %dma_start3A_404 = arith.constant 0 : i32
      %dma_start3A_405 = tpu.memref_slice %arg5[%add3A_390, %dma_start3A_403, %dma_start3A_404] : memref<4096x50x64xf32, #tpu.memory_space<hbm>> -> memref<1x50x64xf32, #tpu.memory_space<hbm>>
      %dma_start3A_406 = tpu.memref_squeeze %dma_start3A_405 : memref<1x50x64xf32, #tpu.memory_space<hbm>> -> memref<50x64xf32, #tpu.memory_space<hbm>>
      %dma_start3A_407 = arith.constant 0 : i32
      %dma_start3A_408 = arith.constant 0 : i32
      %dma_start3A_409 = tpu.memref_slice %arg8[%dma_start3A_391, %dma_start3A_407, %dma_start3A_408] : memref<8x50x64xf32, #tpu.memory_space<vmem>> -> memref<1x50x64xf32, #tpu.memory_space<vmem>>
      %dma_start3A_410 = tpu.memref_squeeze %dma_start3A_409 : memref<1x50x64xf32, #tpu.memory_space<vmem>> -> memref<50x64xf32, #tpu.memory_space<vmem>>
      tpu.enqueue_dma source(%dma_start3A_410 : memref<50x64xf32, #tpu.memory_space<vmem>>) target(%dma_start3A_406 : memref<50x64xf32, #tpu.memory_space<hbm>>) target_semaphore(%dma_start3A_402 : memref<!tpu.dma_semaphore, #tpu.memory_space<semaphore_mem>>)
      %add3A_411 = arith.constant 6 : i32
      %add3A_412 = arith.addi %add3A_369, %add3A_411 : i32
      %lt3A_413 = arith.constant 128 : i32
      %lt3A_414 = arith.cmpi slt, %add3A_412, %lt3A_413 : i32
      %convert_element_type3A_415 = arith.extui %lt3A_414 : i1 to i32
      %cond3A_416 = arith.constant 0 : i32
      %cond3A_417 = arith.cmpi ne, %convert_element_type3A_415, %cond3A_416 : i32
      scf.if %cond3A_417 {
        %ge3A = arith.constant 2 : i32
        %ge3A_678 = arith.cmpi sge, %add3A_369, %ge3A : i32
        %convert_element_type3A_679 = arith.extui %ge3A_678 : i1 to i32
        %cond3A_680 = arith.constant 0 : i32
        %cond3A_681 = arith.cmpi ne, %convert_element_type3A_679, %cond3A_680 : i32
        scf.if %cond3A_681 {
          %dma_wait3A_698 = arith.constant 0 : i32
          %dma_wait3A_699 = arith.constant 0 : i32
          %dma_wait3A_700 = arith.constant 0 : i32
          %dma_wait3A_701 = arith.constant 0 : i32
          %dma_wait3A_702 = arith.constant 0 : i32
          %dma_wait3A_703 = tpu.memref_slice %arg8[%dma_wait3A_698, %dma_wait3A_701, %dma_wait3A_702] : memref<8x50x64xf32, #tpu.memory_space<vmem>> -> memref<1x50x64xf32, #tpu.memory_space<vmem>>
          %dma_wait3A_704 = tpu.memref_squeeze %dma_wait3A_703 : memref<1x50x64xf32, #tpu.memory_space<vmem>> -> memref<50x64xf32, #tpu.memory_space<vmem>>
          %dma_wait3A_705 = arith.constant 0 : i32
          %dma_wait3A_706 = arith.constant 0 : i32
          %dma_wait3A_707 = tpu.memref_slice %arg5[%dma_wait3A_699, %dma_wait3A_705, %dma_wait3A_706] : memref<4096x50x64xf32, #tpu.memory_space<hbm>> -> memref<1x50x64xf32, #tpu.memory_space<hbm>>
          %dma_wait3A_708 = tpu.memref_squeeze %dma_wait3A_707 : memref<1x50x64xf32, #tpu.memory_space<hbm>> -> memref<50x64xf32, #tpu.memory_space<hbm>>
          %dma_wait3A_709 = tpu.memref_slice %arg10[%dma_wait3A_700] : memref<8x!tpu.dma_semaphore, #tpu.memory_space<semaphore_mem>> -> memref<1x!tpu.dma_semaphore, #tpu.memory_space<semaphore_mem>>
          %dma_wait3A_710 = tpu.memref_squeeze %dma_wait3A_709 : memref<1x!tpu.dma_semaphore, #tpu.memory_space<semaphore_mem>> -> memref<!tpu.dma_semaphore, #tpu.memory_space<semaphore_mem>>
          %dma_wait3A_711 = arith.constant 0 : i32
          %dma_wait3A_712 = arith.constant 0 : i32
          %dma_wait3A_713 = tpu.memref_slice %arg5[%dma_wait3A_699, %dma_wait3A_711, %dma_wait3A_712] : memref<4096x50x64xf32, #tpu.memory_space<hbm>> -> memref<1x50x64xf32, #tpu.memory_space<hbm>>
          %dma_wait3A_714 = tpu.memref_squeeze %dma_wait3A_713 : memref<1x50x64xf32, #tpu.memory_space<hbm>> -> memref<50x64xf32, #tpu.memory_space<hbm>>
          %dma_wait3A_715 = arith.constant 0 : i32
          %dma_wait3A_716 = arith.constant 0 : i32
          %dma_wait3A_717 = tpu.memref_slice %arg8[%dma_wait3A_698, %dma_wait3A_715, %dma_wait3A_716] : memref<8x50x64xf32, #tpu.memory_space<vmem>> -> memref<1x50x64xf32, #tpu.memory_space<vmem>>
          %dma_wait3A_718 = tpu.memref_squeeze %dma_wait3A_717 : memref<1x50x64xf32, #tpu.memory_space<vmem>> -> memref<50x64xf32, #tpu.memory_space<vmem>>
          tpu.wait_dma2 semaphore(%dma_wait3A_710 : memref<!tpu.dma_semaphore, #tpu.memory_space<semaphore_mem>>) src(%dma_wait3A_718 : memref<50x64xf32, #tpu.memory_space<vmem>>) dst(%dma_wait3A_714 : memref<50x64xf32, #tpu.memory_space<hbm>>)
        } else {
        }
        %add3A_682 = arith.constant 6 : i32
        %add3A_683 = arith.addi %add3A_369, %add3A_682 : i32
        %dma_start3A_684 = arith.constant 0 : i32
        %dma_start3A_685 = arith.constant 0 : i32
        %dma_start3A_686 = arith.constant 0 : i32
        %dma_start3A_687 = arith.constant 0 : i32
        %dma_start3A_688 = tpu.memref_slice %arg8[%dma_start3A_684, %dma_start3A_686, %dma_start3A_687] : memref<8x50x64xf32, #tpu.memory_space<vmem>> -> memref<1x50x64xf32, #tpu.memory_space<vmem>>
        %dma_start3A_689 = tpu.memref_squeeze %dma_start3A_688 : memref<1x50x64xf32, #tpu.memory_space<vmem>> -> memref<50x64xf32, #tpu.memory_space<vmem>>
        %dma_start3A_690 = arith.constant 0 : i32
        %dma_start3A_691 = tpu.memref_slice %arg6[%add3A_683, %dma_start3A_690] : memref<128x50xi32, #tpu.memory_space<vmem>> -> memref<1x50xi32, #tpu.memory_space<vmem>>
        %dma_start3A_692 = tpu.memref_squeeze %dma_start3A_691 : memref<1x50xi32, #tpu.memory_space<vmem>> -> memref<50xi32, #tpu.memory_space<vmem>>
        %dma_start3A_693 = arith.constant 0 : i32
        %dma_start3A_694 = arith.constant 0 : i32
        %dma_start3A_695 = tpu.memref_slice %arg3[%dma_start3A_693, %dma_start3A_694] : memref<1000000x64xf32, #tpu.memory_space<hbm>> -> memref<1000000x64xf32, #tpu.memory_space<hbm>>
        %dma_start3A_696 = tpu.memref_slice %arg9[%dma_start3A_685] : memref<8x!tpu.dma_semaphore, #tpu.memory_space<semaphore_mem>> -> memref<1x!tpu.dma_semaphore, #tpu.memory_space<semaphore_mem>>
        %dma_start3A_697 = tpu.memref_squeeze %dma_start3A_696 : memref<1x!tpu.dma_semaphore, #tpu.memory_space<semaphore_mem>> -> memref<!tpu.dma_semaphore, #tpu.memory_space<semaphore_mem>>
        tpu.enqueue_indirect_dma source(%dma_start3A_695 : memref<1000000x64xf32, #tpu.memory_space<hbm>>) target(%dma_start3A_689 : memref<50x64xf32, #tpu.memory_space<vmem>>) offsets(%dma_start3A_692 : memref<50xi32, #tpu.memory_space<vmem>>) semaphore(%dma_start3A_697 : memref<!tpu.dma_semaphore, #tpu.memory_space<semaphore_mem>>)
      } else {
      }
      %mul3A_418 = arith.constant 8 : i32
      %mul3A_419 = arith.muli %scan3A_264, %mul3A_418 : i32
      %add3A_420 = arith.constant 3 : i32
      %add3A_421 = arith.addi %mul3A_419, %add3A_420 : i32
      %dma_wait3A_422 = arith.constant 3 : i32
      %dma_wait3A_423 = arith.constant 3 : i32
      %dma_wait3A_424 = arith.constant 0 : i32
      %dma_wait3A_425 = arith.constant 0 : i32
      %dma_wait3A_426 = tpu.memref_slice %arg8[%dma_wait3A_422, %dma_wait3A_424, %dma_wait3A_425] : memref<8x50x64xf32, #tpu.memory_space<vmem>> -> memref<1x50x64xf32, #tpu.memory_space<vmem>>
      %dma_wait3A_427 = tpu.memref_squeeze %dma_wait3A_426 : memref<1x50x64xf32, #tpu.memory_space<vmem>> -> memref<50x64xf32, #tpu.memory_space<vmem>>
      %dma_wait3A_428 = arith.constant 0 : i32
      %dma_wait3A_429 = tpu.memref_slice %arg6[%add3A_421, %dma_wait3A_428] : memref<128x50xi32, #tpu.memory_space<vmem>> -> memref<1x50xi32, #tpu.memory_space<vmem>>
      %dma_wait3A_430 = tpu.memref_squeeze %dma_wait3A_429 : memref<1x50xi32, #tpu.memory_space<vmem>> -> memref<50xi32, #tpu.memory_space<vmem>>
      %dma_wait3A_431 = arith.constant 0 : i32
      %dma_wait3A_432 = arith.constant 0 : i32
      %dma_wait3A_433 = tpu.memref_slice %arg3[%dma_wait3A_431, %dma_wait3A_432] : memref<1000000x64xf32, #tpu.memory_space<hbm>> -> memref<1000000x64xf32, #tpu.memory_space<hbm>>
      %dma_wait3A_434 = tpu.memref_slice %arg9[%dma_wait3A_423] : memref<8x!tpu.dma_semaphore, #tpu.memory_space<semaphore_mem>> -> memref<1x!tpu.dma_semaphore, #tpu.memory_space<semaphore_mem>>
      %dma_wait3A_435 = tpu.memref_squeeze %dma_wait3A_434 : memref<1x!tpu.dma_semaphore, #tpu.memory_space<semaphore_mem>> -> memref<!tpu.dma_semaphore, #tpu.memory_space<semaphore_mem>>
      tpu.wait_indirect_dma semaphore(%dma_wait3A_435 : memref<!tpu.dma_semaphore, #tpu.memory_space<semaphore_mem>>) src(%dma_wait3A_433 : memref<1000000x64xf32, #tpu.memory_space<hbm>>) dst(%dma_wait3A_427 : memref<50x64xf32, #tpu.memory_space<vmem>>)
      %scan3A_436 = arith.constant 0 : i32
      %scan3A_437 = arith.constant 0 : i32
      %scan3A_438 = arith.constant 50 : i32
      %scan3A_439 = arith.addi %scan3A_437, %scan3A_438 : i32
      %scan3A_440 = arith.constant 1 : i32
      scf.for %scan3A_678 = %scan3A_437 to %scan3A_439 step %scan3A_440  : i32 {
        %get3A = arith.constant 3 : i32
        %get3A_679 = arith.index_cast %get3A : i32 to index
        %get3A_680 = arith.index_cast %scan3A_678 : i32 to index
        %get3A_681 = arith.constant 0 : index
        %get3A_682 = tpu.vector_load %arg8[%get3A_679, %get3A_680, %get3A_681] {strides = array<i32>} : memref<8x50x64xf32, #tpu.memory_space<vmem>>, vector<1x1x16xf32>,
        %get3A_683 = vector.shape_cast %get3A_682 : vector<1x1x16xf32> to vector<16xf32>
        %get3A_684 = arith.index_cast %scan3A_678 : i32 to index
        %get3A_685 = arith.constant 0 : index
        %get3A_686 = tpu.vector_load %arg7[%get3A_684, %get3A_685] {strides = array<i32>} : memref<64x64xf32, #tpu.memory_space<vmem>>, vector<1x16xf32>,
        %get3A_687 = vector.shape_cast %get3A_686 : vector<1x16xf32> to vector<16xf32>
        %add3A_688 = arith.addf %get3A_683, %get3A_687 : vector<16xf32>
        %swap3A = arith.constant 3 : i32
        %swap3A_689 = arith.index_cast %swap3A : i32 to index
        %swap3A_690 = arith.index_cast %scan3A_678 : i32 to index
        %swap3A_691 = arith.constant 0 : index
        %swap3A_692 = tpu.vector_load %arg8[%swap3A_689, %swap3A_690, %swap3A_691] {strides = array<i32>} : memref<8x50x64xf32, #tpu.memory_space<vmem>>, vector<1x1x16xf32>,
        %swap3A_693 = vector.shape_cast %swap3A_692 : vector<1x1x16xf32> to vector<16xf32>
        %swap3A_694 = vector.shape_cast %add3A_688 : vector<16xf32> to vector<1x1x16xf32>
        tpu.vector_store %arg8[%swap3A_689, %swap3A_690, %swap3A_691], %swap3A_694 {strides = array<i32>} : memref<8x50x64xf32, #tpu.memory_space<vmem>>, vector<1x1x16xf32>,
        %get3A_695 = arith.constant 3 : i32
        %get3A_696 = arith.index_cast %get3A_695 : i32 to index
        %get3A_697 = arith.index_cast %scan3A_678 : i32 to index
        %get3A_698 = arith.constant 16 : index
        %get3A_699 = tpu.vector_load %arg8[%get3A_696, %get3A_697, %get3A_698] {strides = array<i32>} : memref<8x50x64xf32, #tpu.memory_space<vmem>>, vector<1x1x16xf32>,
        %get3A_700 = vector.shape_cast %get3A_699 : vector<1x1x16xf32> to vector<16xf32>
        %get3A_701 = arith.index_cast %scan3A_678 : i32 to index
        %get3A_702 = arith.constant 16 : index
        %get3A_703 = tpu.vector_load %arg7[%get3A_701, %get3A_702] {strides = array<i32>} : memref<64x64xf32, #tpu.memory_space<vmem>>, vector<1x16xf32>,
        %get3A_704 = vector.shape_cast %get3A_703 : vector<1x16xf32> to vector<16xf32>
        %add3A_705 = arith.addf %get3A_700, %get3A_704 : vector<16xf32>
        %swap3A_706 = arith.constant 3 : i32
        %swap3A_707 = arith.index_cast %swap3A_706 : i32 to index
        %swap3A_708 = arith.index_cast %scan3A_678 : i32 to index
        %swap3A_709 = arith.constant 16 : index
        %swap3A_710 = tpu.vector_load %arg8[%swap3A_707, %swap3A_708, %swap3A_709] {strides = array<i32>} : memref<8x50x64xf32, #tpu.memory_space<vmem>>, vector<1x1x16xf32>,
        %swap3A_711 = vector.shape_cast %swap3A_710 : vector<1x1x16xf32> to vector<16xf32>
        %swap3A_712 = vector.shape_cast %add3A_705 : vector<16xf32> to vector<1x1x16xf32>
        tpu.vector_store %arg8[%swap3A_707, %swap3A_708, %swap3A_709], %swap3A_712 {strides = array<i32>} : memref<8x50x64xf32, #tpu.memory_space<vmem>>, vector<1x1x16xf32>,
        %get3A_713 = arith.constant 3 : i32
        %get3A_714 = arith.index_cast %get3A_713 : i32 to index
        %get3A_715 = arith.index_cast %scan3A_678 : i32 to index
        %get3A_716 = arith.constant 32 : index
        %get3A_717 = tpu.vector_load %arg8[%get3A_714, %get3A_715, %get3A_716] {strides = array<i32>} : memref<8x50x64xf32, #tpu.memory_space<vmem>>, vector<1x1x16xf32>,
        %get3A_718 = vector.shape_cast %get3A_717 : vector<1x1x16xf32> to vector<16xf32>
        %get3A_719 = arith.index_cast %scan3A_678 : i32 to index
        %get3A_720 = arith.constant 32 : index
        %get3A_721 = tpu.vector_load %arg7[%get3A_719, %get3A_720] {strides = array<i32>} : memref<64x64xf32, #tpu.memory_space<vmem>>, vector<1x16xf32>,
        %get3A_722 = vector.shape_cast %get3A_721 : vector<1x16xf32> to vector<16xf32>
        %add3A_723 = arith.addf %get3A_718, %get3A_722 : vector<16xf32>
        %swap3A_724 = arith.constant 3 : i32
        %swap3A_725 = arith.index_cast %swap3A_724 : i32 to index
        %swap3A_726 = arith.index_cast %scan3A_678 : i32 to index
        %swap3A_727 = arith.constant 32 : index
        %swap3A_728 = tpu.vector_load %arg8[%swap3A_725, %swap3A_726, %swap3A_727] {strides = array<i32>} : memref<8x50x64xf32, #tpu.memory_space<vmem>>, vector<1x1x16xf32>,
        %swap3A_729 = vector.shape_cast %swap3A_728 : vector<1x1x16xf32> to vector<16xf32>
        %swap3A_730 = vector.shape_cast %add3A_723 : vector<16xf32> to vector<1x1x16xf32>
        tpu.vector_store %arg8[%swap3A_725, %swap3A_726, %swap3A_727], %swap3A_730 {strides = array<i32>} : memref<8x50x64xf32, #tpu.memory_space<vmem>>, vector<1x1x16xf32>,
        %get3A_731 = arith.constant 3 : i32
        %get3A_732 = arith.index_cast %get3A_731 : i32 to index
        %get3A_733 = arith.index_cast %scan3A_678 : i32 to index
        %get3A_734 = arith.constant 48 : index
        %get3A_735 = tpu.vector_load %arg8[%get3A_732, %get3A_733, %get3A_734] {strides = array<i32>} : memref<8x50x64xf32, #tpu.memory_space<vmem>>, vector<1x1x16xf32>,
        %get3A_736 = vector.shape_cast %get3A_735 : vector<1x1x16xf32> to vector<16xf32>
        %get3A_737 = arith.index_cast %scan3A_678 : i32 to index
        %get3A_738 = arith.constant 48 : index
        %get3A_739 = tpu.vector_load %arg7[%get3A_737, %get3A_738] {strides = array<i32>} : memref<64x64xf32, #tpu.memory_space<vmem>>, vector<1x16xf32>,
        %get3A_740 = vector.shape_cast %get3A_739 : vector<1x16xf32> to vector<16xf32>
        %add3A_741 = arith.addf %get3A_736, %get3A_740 : vector<16xf32>
        %swap3A_742 = arith.constant 3 : i32
        %swap3A_743 = arith.index_cast %swap3A_742 : i32 to index
        %swap3A_744 = arith.index_cast %scan3A_678 : i32 to index
        %swap3A_745 = arith.constant 48 : index
        %swap3A_746 = tpu.vector_load %arg8[%swap3A_743, %swap3A_744, %swap3A_745] {strides = array<i32>} : memref<8x50x64xf32, #tpu.memory_space<vmem>>, vector<1x1x16xf32>,
        %swap3A_747 = vector.shape_cast %swap3A_746 : vector<1x1x16xf32> to vector<16xf32>
        %swap3A_748 = vector.shape_cast %add3A_741 : vector<16xf32> to vector<1x1x16xf32>
        tpu.vector_store %arg8[%swap3A_743, %swap3A_744, %swap3A_745], %swap3A_748 {strides = array<i32>} : memref<8x50x64xf32, #tpu.memory_space<vmem>>, vector<1x1x16xf32>,
      }
      %scan3A_441 = arith.constant 50 : i32
      %add3A_442 = arith.addi %mul3A_2, %add3A_421 : i32
      %dma_start3A_443 = arith.constant 3 : i32
      %dma_start3A_444 = arith.constant 3 : i32
      %dma_start3A_445 = arith.constant 0 : i32
      %dma_start3A_446 = arith.constant 0 : i32
      %dma_start3A_447 = tpu.memref_slice %arg8[%dma_start3A_443, %dma_start3A_445, %dma_start3A_446] : memref<8x50x64xf32, #tpu.memory_space<vmem>> -> memref<1x50x64xf32, #tpu.memory_space<vmem>>
      %dma_start3A_448 = tpu.memref_squeeze %dma_start3A_447 : memref<1x50x64xf32, #tpu.memory_space<vmem>> -> memref<50x64xf32, #tpu.memory_space<vmem>>
      %dma_start3A_449 = arith.constant 0 : i32
      %dma_start3A_450 = arith.constant 0 : i32
      %dma_start3A_451 = tpu.memref_slice %arg5[%add3A_442, %dma_start3A_449, %dma_start3A_450] : memref<4096x50x64xf32, #tpu.memory_space<hbm>> -> memref<1x50x64xf32, #tpu.memory_space<hbm>>
      %dma_start3A_452 = tpu.memref_squeeze %dma_start3A_451 : memref<1x50x64xf32, #tpu.memory_space<hbm>> -> memref<50x64xf32, #tpu.memory_space<hbm>>
      %dma_start3A_453 = tpu.memref_slice %arg10[%dma_start3A_444] : memref<8x!tpu.dma_semaphore, #tpu.memory_space<semaphore_mem>> -> memref<1x!tpu.dma_semaphore, #tpu.memory_space<semaphore_mem>>
      %dma_start3A_454 = tpu.memref_squeeze %dma_start3A_453 : memref<1x!tpu.dma_semaphore, #tpu.memory_space<semaphore_mem>> -> memref<!tpu.dma_semaphore, #tpu.memory_space<semaphore_mem>>
      %dma_start3A_455 = arith.constant 0 : i32
      %dma_start3A_456 = arith.constant 0 : i32
      %dma_start3A_457 = tpu.memref_slice %arg5[%add3A_442, %dma_start3A_455, %dma_start3A_456] : memref<4096x50x64xf32, #tpu.memory_space<hbm>> -> memref<1x50x64xf32, #tpu.memory_space<hbm>>
      %dma_start3A_458 = tpu.memref_squeeze %dma_start3A_457 : memref<1x50x64xf32, #tpu.memory_space<hbm>> -> memref<50x64xf32, #tpu.memory_space<hbm>>
      %dma_start3A_459 = arith.constant 0 : i32
      %dma_start3A_460 = arith.constant 0 : i32
      %dma_start3A_461 = tpu.memref_slice %arg8[%dma_start3A_443, %dma_start3A_459, %dma_start3A_460] : memref<8x50x64xf32, #tpu.memory_space<vmem>> -> memref<1x50x64xf32, #tpu.memory_space<vmem>>
      %dma_start3A_462 = tpu.memref_squeeze %dma_start3A_461 : memref<1x50x64xf32, #tpu.memory_space<vmem>> -> memref<50x64xf32, #tpu.memory_space<vmem>>
      tpu.enqueue_dma source(%dma_start3A_462 : memref<50x64xf32, #tpu.memory_space<vmem>>) target(%dma_start3A_458 : memref<50x64xf32, #tpu.memory_space<hbm>>) target_semaphore(%dma_start3A_454 : memref<!tpu.dma_semaphore, #tpu.memory_space<semaphore_mem>>)
      %add3A_463 = arith.constant 6 : i32
      %add3A_464 = arith.addi %add3A_421, %add3A_463 : i32
      %lt3A_465 = arith.constant 128 : i32
      %lt3A_466 = arith.cmpi slt, %add3A_464, %lt3A_465 : i32
      %convert_element_type3A_467 = arith.extui %lt3A_466 : i1 to i32
      %cond3A_468 = arith.constant 0 : i32
      %cond3A_469 = arith.cmpi ne, %convert_element_type3A_467, %cond3A_468 : i32
      scf.if %cond3A_469 {
        %ge3A = arith.constant 2 : i32
        %ge3A_678 = arith.cmpi sge, %add3A_421, %ge3A : i32
        %convert_element_type3A_679 = arith.extui %ge3A_678 : i1 to i32
        %cond3A_680 = arith.constant 0 : i32
        %cond3A_681 = arith.cmpi ne, %convert_element_type3A_679, %cond3A_680 : i32
        scf.if %cond3A_681 {
          %dma_wait3A_698 = arith.constant 1 : i32
          %dma_wait3A_699 = arith.constant 0 : i32
          %dma_wait3A_700 = arith.constant 1 : i32
          %dma_wait3A_701 = arith.constant 0 : i32
          %dma_wait3A_702 = arith.constant 0 : i32
          %dma_wait3A_703 = tpu.memref_slice %arg8[%dma_wait3A_698, %dma_wait3A_701, %dma_wait3A_702] : memref<8x50x64xf32, #tpu.memory_space<vmem>> -> memref<1x50x64xf32, #tpu.memory_space<vmem>>
          %dma_wait3A_704 = tpu.memref_squeeze %dma_wait3A_703 : memref<1x50x64xf32, #tpu.memory_space<vmem>> -> memref<50x64xf32, #tpu.memory_space<vmem>>
          %dma_wait3A_705 = arith.constant 0 : i32
          %dma_wait3A_706 = arith.constant 0 : i32
          %dma_wait3A_707 = tpu.memref_slice %arg5[%dma_wait3A_699, %dma_wait3A_705, %dma_wait3A_706] : memref<4096x50x64xf32, #tpu.memory_space<hbm>> -> memref<1x50x64xf32, #tpu.memory_space<hbm>>
          %dma_wait3A_708 = tpu.memref_squeeze %dma_wait3A_707 : memref<1x50x64xf32, #tpu.memory_space<hbm>> -> memref<50x64xf32, #tpu.memory_space<hbm>>
          %dma_wait3A_709 = tpu.memref_slice %arg10[%dma_wait3A_700] : memref<8x!tpu.dma_semaphore, #tpu.memory_space<semaphore_mem>> -> memref<1x!tpu.dma_semaphore, #tpu.memory_space<semaphore_mem>>
          %dma_wait3A_710 = tpu.memref_squeeze %dma_wait3A_709 : memref<1x!tpu.dma_semaphore, #tpu.memory_space<semaphore_mem>> -> memref<!tpu.dma_semaphore, #tpu.memory_space<semaphore_mem>>
          %dma_wait3A_711 = arith.constant 0 : i32
          %dma_wait3A_712 = arith.constant 0 : i32
          %dma_wait3A_713 = tpu.memref_slice %arg5[%dma_wait3A_699, %dma_wait3A_711, %dma_wait3A_712] : memref<4096x50x64xf32, #tpu.memory_space<hbm>> -> memref<1x50x64xf32, #tpu.memory_space<hbm>>
          %dma_wait3A_714 = tpu.memref_squeeze %dma_wait3A_713 : memref<1x50x64xf32, #tpu.memory_space<hbm>> -> memref<50x64xf32, #tpu.memory_space<hbm>>
          %dma_wait3A_715 = arith.constant 0 : i32
          %dma_wait3A_716 = arith.constant 0 : i32
          %dma_wait3A_717 = tpu.memref_slice %arg8[%dma_wait3A_698, %dma_wait3A_715, %dma_wait3A_716] : memref<8x50x64xf32, #tpu.memory_space<vmem>> -> memref<1x50x64xf32, #tpu.memory_space<vmem>>
          %dma_wait3A_718 = tpu.memref_squeeze %dma_wait3A_717 : memref<1x50x64xf32, #tpu.memory_space<vmem>> -> memref<50x64xf32, #tpu.memory_space<vmem>>
          tpu.wait_dma2 semaphore(%dma_wait3A_710 : memref<!tpu.dma_semaphore, #tpu.memory_space<semaphore_mem>>) src(%dma_wait3A_718 : memref<50x64xf32, #tpu.memory_space<vmem>>) dst(%dma_wait3A_714 : memref<50x64xf32, #tpu.memory_space<hbm>>)
        } else {
        }
        %add3A_682 = arith.constant 6 : i32
        %add3A_683 = arith.addi %add3A_421, %add3A_682 : i32
        %dma_start3A_684 = arith.constant 1 : i32
        %dma_start3A_685 = arith.constant 1 : i32
        %dma_start3A_686 = arith.constant 0 : i32
        %dma_start3A_687 = arith.constant 0 : i32
        %dma_start3A_688 = tpu.memref_slice %arg8[%dma_start3A_684, %dma_start3A_686, %dma_start3A_687] : memref<8x50x64xf32, #tpu.memory_space<vmem>> -> memref<1x50x64xf32, #tpu.memory_space<vmem>>
        %dma_start3A_689 = tpu.memref_squeeze %dma_start3A_688 : memref<1x50x64xf32, #tpu.memory_space<vmem>> -> memref<50x64xf32, #tpu.memory_space<vmem>>
        %dma_start3A_690 = arith.constant 0 : i32
        %dma_start3A_691 = tpu.memref_slice %arg6[%add3A_683, %dma_start3A_690] : memref<128x50xi32, #tpu.memory_space<vmem>> -> memref<1x50xi32, #tpu.memory_space<vmem>>
        %dma_start3A_692 = tpu.memref_squeeze %dma_start3A_691 : memref<1x50xi32, #tpu.memory_space<vmem>> -> memref<50xi32, #tpu.memory_space<vmem>>
        %dma_start3A_693 = arith.constant 0 : i32
        %dma_start3A_694 = arith.constant 0 : i32
        %dma_start3A_695 = tpu.memref_slice %arg3[%dma_start3A_693, %dma_start3A_694] : memref<1000000x64xf32, #tpu.memory_space<hbm>> -> memref<1000000x64xf32, #tpu.memory_space<hbm>>
        %dma_start3A_696 = tpu.memref_slice %arg9[%dma_start3A_685] : memref<8x!tpu.dma_semaphore, #tpu.memory_space<semaphore_mem>> -> memref<1x!tpu.dma_semaphore, #tpu.memory_space<semaphore_mem>>
        %dma_start3A_697 = tpu.memref_squeeze %dma_start3A_696 : memref<1x!tpu.dma_semaphore, #tpu.memory_space<semaphore_mem>> -> memref<!tpu.dma_semaphore, #tpu.memory_space<semaphore_mem>>
        tpu.enqueue_indirect_dma source(%dma_start3A_695 : memref<1000000x64xf32, #tpu.memory_space<hbm>>) target(%dma_start3A_689 : memref<50x64xf32, #tpu.memory_space<vmem>>) offsets(%dma_start3A_692 : memref<50xi32, #tpu.memory_space<vmem>>) semaphore(%dma_start3A_697 : memref<!tpu.dma_semaphore, #tpu.memory_space<semaphore_mem>>)
      } else {
      }
      %mul3A_470 = arith.constant 8 : i32
      %mul3A_471 = arith.muli %scan3A_264, %mul3A_470 : i32
      %add3A_472 = arith.constant 4 : i32
      %add3A_473 = arith.addi %mul3A_471, %add3A_472 : i32
      %dma_wait3A_474 = arith.constant 4 : i32
      %dma_wait3A_475 = arith.constant 4 : i32
      %dma_wait3A_476 = arith.constant 0 : i32
      %dma_wait3A_477 = arith.constant 0 : i32
      %dma_wait3A_478 = tpu.memref_slice %arg8[%dma_wait3A_474, %dma_wait3A_476, %dma_wait3A_477] : memref<8x50x64xf32, #tpu.memory_space<vmem>> -> memref<1x50x64xf32, #tpu.memory_space<vmem>>
      %dma_wait3A_479 = tpu.memref_squeeze %dma_wait3A_478 : memref<1x50x64xf32, #tpu.memory_space<vmem>> -> memref<50x64xf32, #tpu.memory_space<vmem>>
      %dma_wait3A_480 = arith.constant 0 : i32
      %dma_wait3A_481 = tpu.memref_slice %arg6[%add3A_473, %dma_wait3A_480] : memref<128x50xi32, #tpu.memory_space<vmem>> -> memref<1x50xi32, #tpu.memory_space<vmem>>
      %dma_wait3A_482 = tpu.memref_squeeze %dma_wait3A_481 : memref<1x50xi32, #tpu.memory_space<vmem>> -> memref<50xi32, #tpu.memory_space<vmem>>
      %dma_wait3A_483 = arith.constant 0 : i32
      %dma_wait3A_484 = arith.constant 0 : i32
      %dma_wait3A_485 = tpu.memref_slice %arg3[%dma_wait3A_483, %dma_wait3A_484] : memref<1000000x64xf32, #tpu.memory_space<hbm>> -> memref<1000000x64xf32, #tpu.memory_space<hbm>>
      %dma_wait3A_486 = tpu.memref_slice %arg9[%dma_wait3A_475] : memref<8x!tpu.dma_semaphore, #tpu.memory_space<semaphore_mem>> -> memref<1x!tpu.dma_semaphore, #tpu.memory_space<semaphore_mem>>
      %dma_wait3A_487 = tpu.memref_squeeze %dma_wait3A_486 : memref<1x!tpu.dma_semaphore, #tpu.memory_space<semaphore_mem>> -> memref<!tpu.dma_semaphore, #tpu.memory_space<semaphore_mem>>
      tpu.wait_indirect_dma semaphore(%dma_wait3A_487 : memref<!tpu.dma_semaphore, #tpu.memory_space<semaphore_mem>>) src(%dma_wait3A_485 : memref<1000000x64xf32, #tpu.memory_space<hbm>>) dst(%dma_wait3A_479 : memref<50x64xf32, #tpu.memory_space<vmem>>)
      %scan3A_488 = arith.constant 0 : i32
      %scan3A_489 = arith.constant 0 : i32
      %scan3A_490 = arith.constant 50 : i32
      %scan3A_491 = arith.addi %scan3A_489, %scan3A_490 : i32
      %scan3A_492 = arith.constant 1 : i32
      scf.for %scan3A_678 = %scan3A_489 to %scan3A_491 step %scan3A_492  : i32 {
        %get3A = arith.constant 4 : i32
        %get3A_679 = arith.index_cast %get3A : i32 to index
        %get3A_680 = arith.index_cast %scan3A_678 : i32 to index
        %get3A_681 = arith.constant 0 : index
        %get3A_682 = tpu.vector_load %arg8[%get3A_679, %get3A_680, %get3A_681] {strides = array<i32>} : memref<8x50x64xf32, #tpu.memory_space<vmem>>, vector<1x1x16xf32>,
        %get3A_683 = vector.shape_cast %get3A_682 : vector<1x1x16xf32> to vector<16xf32>
        %get3A_684 = arith.index_cast %scan3A_678 : i32 to index
        %get3A_685 = arith.constant 0 : index
        %get3A_686 = tpu.vector_load %arg7[%get3A_684, %get3A_685] {strides = array<i32>} : memref<64x64xf32, #tpu.memory_space<vmem>>, vector<1x16xf32>,
        %get3A_687 = vector.shape_cast %get3A_686 : vector<1x16xf32> to vector<16xf32>
        %add3A_688 = arith.addf %get3A_683, %get3A_687 : vector<16xf32>
        %swap3A = arith.constant 4 : i32
        %swap3A_689 = arith.index_cast %swap3A : i32 to index
        %swap3A_690 = arith.index_cast %scan3A_678 : i32 to index
        %swap3A_691 = arith.constant 0 : index
        %swap3A_692 = tpu.vector_load %arg8[%swap3A_689, %swap3A_690, %swap3A_691] {strides = array<i32>} : memref<8x50x64xf32, #tpu.memory_space<vmem>>, vector<1x1x16xf32>,
        %swap3A_693 = vector.shape_cast %swap3A_692 : vector<1x1x16xf32> to vector<16xf32>
        %swap3A_694 = vector.shape_cast %add3A_688 : vector<16xf32> to vector<1x1x16xf32>
        tpu.vector_store %arg8[%swap3A_689, %swap3A_690, %swap3A_691], %swap3A_694 {strides = array<i32>} : memref<8x50x64xf32, #tpu.memory_space<vmem>>, vector<1x1x16xf32>,
        %get3A_695 = arith.constant 4 : i32
        %get3A_696 = arith.index_cast %get3A_695 : i32 to index
        %get3A_697 = arith.index_cast %scan3A_678 : i32 to index
        %get3A_698 = arith.constant 16 : index
        %get3A_699 = tpu.vector_load %arg8[%get3A_696, %get3A_697, %get3A_698] {strides = array<i32>} : memref<8x50x64xf32, #tpu.memory_space<vmem>>, vector<1x1x16xf32>,
        %get3A_700 = vector.shape_cast %get3A_699 : vector<1x1x16xf32> to vector<16xf32>
        %get3A_701 = arith.index_cast %scan3A_678 : i32 to index
        %get3A_702 = arith.constant 16 : index
        %get3A_703 = tpu.vector_load %arg7[%get3A_701, %get3A_702] {strides = array<i32>} : memref<64x64xf32, #tpu.memory_space<vmem>>, vector<1x16xf32>,
        %get3A_704 = vector.shape_cast %get3A_703 : vector<1x16xf32> to vector<16xf32>
        %add3A_705 = arith.addf %get3A_700, %get3A_704 : vector<16xf32>
        %swap3A_706 = arith.constant 4 : i32
        %swap3A_707 = arith.index_cast %swap3A_706 : i32 to index
        %swap3A_708 = arith.index_cast %scan3A_678 : i32 to index
        %swap3A_709 = arith.constant 16 : index
        %swap3A_710 = tpu.vector_load %arg8[%swap3A_707, %swap3A_708, %swap3A_709] {strides = array<i32>} : memref<8x50x64xf32, #tpu.memory_space<vmem>>, vector<1x1x16xf32>,
        %swap3A_711 = vector.shape_cast %swap3A_710 : vector<1x1x16xf32> to vector<16xf32>
        %swap3A_712 = vector.shape_cast %add3A_705 : vector<16xf32> to vector<1x1x16xf32>
        tpu.vector_store %arg8[%swap3A_707, %swap3A_708, %swap3A_709], %swap3A_712 {strides = array<i32>} : memref<8x50x64xf32, #tpu.memory_space<vmem>>, vector<1x1x16xf32>,
        %get3A_713 = arith.constant 4 : i32
        %get3A_714 = arith.index_cast %get3A_713 : i32 to index
        %get3A_715 = arith.index_cast %scan3A_678 : i32 to index
        %get3A_716 = arith.constant 32 : index
        %get3A_717 = tpu.vector_load %arg8[%get3A_714, %get3A_715, %get3A_716] {strides = array<i32>} : memref<8x50x64xf32, #tpu.memory_space<vmem>>, vector<1x1x16xf32>,
        %get3A_718 = vector.shape_cast %get3A_717 : vector<1x1x16xf32> to vector<16xf32>
        %get3A_719 = arith.index_cast %scan3A_678 : i32 to index
        %get3A_720 = arith.constant 32 : index
        %get3A_721 = tpu.vector_load %arg7[%get3A_719, %get3A_720] {strides = array<i32>} : memref<64x64xf32, #tpu.memory_space<vmem>>, vector<1x16xf32>,
        %get3A_722 = vector.shape_cast %get3A_721 : vector<1x16xf32> to vector<16xf32>
        %add3A_723 = arith.addf %get3A_718, %get3A_722 : vector<16xf32>
        %swap3A_724 = arith.constant 4 : i32
        %swap3A_725 = arith.index_cast %swap3A_724 : i32 to index
        %swap3A_726 = arith.index_cast %scan3A_678 : i32 to index
        %swap3A_727 = arith.constant 32 : index
        %swap3A_728 = tpu.vector_load %arg8[%swap3A_725, %swap3A_726, %swap3A_727] {strides = array<i32>} : memref<8x50x64xf32, #tpu.memory_space<vmem>>, vector<1x1x16xf32>,
        %swap3A_729 = vector.shape_cast %swap3A_728 : vector<1x1x16xf32> to vector<16xf32>
        %swap3A_730 = vector.shape_cast %add3A_723 : vector<16xf32> to vector<1x1x16xf32>
        tpu.vector_store %arg8[%swap3A_725, %swap3A_726, %swap3A_727], %swap3A_730 {strides = array<i32>} : memref<8x50x64xf32, #tpu.memory_space<vmem>>, vector<1x1x16xf32>,
        %get3A_731 = arith.constant 4 : i32
        %get3A_732 = arith.index_cast %get3A_731 : i32 to index
        %get3A_733 = arith.index_cast %scan3A_678 : i32 to index
        %get3A_734 = arith.constant 48 : index
        %get3A_735 = tpu.vector_load %arg8[%get3A_732, %get3A_733, %get3A_734] {strides = array<i32>} : memref<8x50x64xf32, #tpu.memory_space<vmem>>, vector<1x1x16xf32>,
        %get3A_736 = vector.shape_cast %get3A_735 : vector<1x1x16xf32> to vector<16xf32>
        %get3A_737 = arith.index_cast %scan3A_678 : i32 to index
        %get3A_738 = arith.constant 48 : index
        %get3A_739 = tpu.vector_load %arg7[%get3A_737, %get3A_738] {strides = array<i32>} : memref<64x64xf32, #tpu.memory_space<vmem>>, vector<1x16xf32>,
        %get3A_740 = vector.shape_cast %get3A_739 : vector<1x16xf32> to vector<16xf32>
        %add3A_741 = arith.addf %get3A_736, %get3A_740 : vector<16xf32>
        %swap3A_742 = arith.constant 4 : i32
        %swap3A_743 = arith.index_cast %swap3A_742 : i32 to index
        %swap3A_744 = arith.index_cast %scan3A_678 : i32 to index
        %swap3A_745 = arith.constant 48 : index
        %swap3A_746 = tpu.vector_load %arg8[%swap3A_743, %swap3A_744, %swap3A_745] {strides = array<i32>} : memref<8x50x64xf32, #tpu.memory_space<vmem>>, vector<1x1x16xf32>,
        %swap3A_747 = vector.shape_cast %swap3A_746 : vector<1x1x16xf32> to vector<16xf32>
        %swap3A_748 = vector.shape_cast %add3A_741 : vector<16xf32> to vector<1x1x16xf32>
        tpu.vector_store %arg8[%swap3A_743, %swap3A_744, %swap3A_745], %swap3A_748 {strides = array<i32>} : memref<8x50x64xf32, #tpu.memory_space<vmem>>, vector<1x1x16xf32>,
      }
      %scan3A_493 = arith.constant 50 : i32
      %add3A_494 = arith.addi %mul3A_2, %add3A_473 : i32
      %dma_start3A_495 = arith.constant 4 : i32
      %dma_start3A_496 = arith.constant 4 : i32
      %dma_start3A_497 = arith.constant 0 : i32
      %dma_start3A_498 = arith.constant 0 : i32
      %dma_start3A_499 = tpu.memref_slice %arg8[%dma_start3A_495, %dma_start3A_497, %dma_start3A_498] : memref<8x50x64xf32, #tpu.memory_space<vmem>> -> memref<1x50x64xf32, #tpu.memory_space<vmem>>
      %dma_start3A_500 = tpu.memref_squeeze %dma_start3A_499 : memref<1x50x64xf32, #tpu.memory_space<vmem>> -> memref<50x64xf32, #tpu.memory_space<vmem>>
      %dma_start3A_501 = arith.constant 0 : i32
      %dma_start3A_502 = arith.constant 0 : i32
      %dma_start3A_503 = tpu.memref_slice %arg5[%add3A_494, %dma_start3A_501, %dma_start3A_502] : memref<4096x50x64xf32, #tpu.memory_space<hbm>> -> memref<1x50x64xf32, #tpu.memory_space<hbm>>
      %dma_start3A_504 = tpu.memref_squeeze %dma_start3A_503 : memref<1x50x64xf32, #tpu.memory_space<hbm>> -> memref<50x64xf32, #tpu.memory_space<hbm>>
      %dma_start3A_505 = tpu.memref_slice %arg10[%dma_start3A_496] : memref<8x!tpu.dma_semaphore, #tpu.memory_space<semaphore_mem>> -> memref<1x!tpu.dma_semaphore, #tpu.memory_space<semaphore_mem>>
      %dma_start3A_506 = tpu.memref_squeeze %dma_start3A_505 : memref<1x!tpu.dma_semaphore, #tpu.memory_space<semaphore_mem>> -> memref<!tpu.dma_semaphore, #tpu.memory_space<semaphore_mem>>
      %dma_start3A_507 = arith.constant 0 : i32
      %dma_start3A_508 = arith.constant 0 : i32
      %dma_start3A_509 = tpu.memref_slice %arg5[%add3A_494, %dma_start3A_507, %dma_start3A_508] : memref<4096x50x64xf32, #tpu.memory_space<hbm>> -> memref<1x50x64xf32, #tpu.memory_space<hbm>>
      %dma_start3A_510 = tpu.memref_squeeze %dma_start3A_509 : memref<1x50x64xf32, #tpu.memory_space<hbm>> -> memref<50x64xf32, #tpu.memory_space<hbm>>
      %dma_start3A_511 = arith.constant 0 : i32
      %dma_start3A_512 = arith.constant 0 : i32
      %dma_start3A_513 = tpu.memref_slice %arg8[%dma_start3A_495, %dma_start3A_511, %dma_start3A_512] : memref<8x50x64xf32, #tpu.memory_space<vmem>> -> memref<1x50x64xf32, #tpu.memory_space<vmem>>
      %dma_start3A_514 = tpu.memref_squeeze %dma_start3A_513 : memref<1x50x64xf32, #tpu.memory_space<vmem>> -> memref<50x64xf32, #tpu.memory_space<vmem>>
      tpu.enqueue_dma source(%dma_start3A_514 : memref<50x64xf32, #tpu.memory_space<vmem>>) target(%dma_start3A_510 : memref<50x64xf32, #tpu.memory_space<hbm>>) target_semaphore(%dma_start3A_506 : memref<!tpu.dma_semaphore, #tpu.memory_space<semaphore_mem>>)
      %add3A_515 = arith.constant 6 : i32
      %add3A_516 = arith.addi %add3A_473, %add3A_515 : i32
      %lt3A_517 = arith.constant 128 : i32
      %lt3A_518 = arith.cmpi slt, %add3A_516, %lt3A_517 : i32
      %convert_element_type3A_519 = arith.extui %lt3A_518 : i1 to i32
      %cond3A_520 = arith.constant 0 : i32
      %cond3A_521 = arith.cmpi ne, %convert_element_type3A_519, %cond3A_520 : i32
      scf.if %cond3A_521 {
        %ge3A = arith.constant 2 : i32
        %ge3A_678 = arith.cmpi sge, %add3A_473, %ge3A : i32
        %convert_element_type3A_679 = arith.extui %ge3A_678 : i1 to i32
        %cond3A_680 = arith.constant 0 : i32
        %cond3A_681 = arith.cmpi ne, %convert_element_type3A_679, %cond3A_680 : i32
        scf.if %cond3A_681 {
          %dma_wait3A_698 = arith.constant 2 : i32
          %dma_wait3A_699 = arith.constant 0 : i32
          %dma_wait3A_700 = arith.constant 2 : i32
          %dma_wait3A_701 = arith.constant 0 : i32
          %dma_wait3A_702 = arith.constant 0 : i32
          %dma_wait3A_703 = tpu.memref_slice %arg8[%dma_wait3A_698, %dma_wait3A_701, %dma_wait3A_702] : memref<8x50x64xf32, #tpu.memory_space<vmem>> -> memref<1x50x64xf32, #tpu.memory_space<vmem>>
          %dma_wait3A_704 = tpu.memref_squeeze %dma_wait3A_703 : memref<1x50x64xf32, #tpu.memory_space<vmem>> -> memref<50x64xf32, #tpu.memory_space<vmem>>
          %dma_wait3A_705 = arith.constant 0 : i32
          %dma_wait3A_706 = arith.constant 0 : i32
          %dma_wait3A_707 = tpu.memref_slice %arg5[%dma_wait3A_699, %dma_wait3A_705, %dma_wait3A_706] : memref<4096x50x64xf32, #tpu.memory_space<hbm>> -> memref<1x50x64xf32, #tpu.memory_space<hbm>>
          %dma_wait3A_708 = tpu.memref_squeeze %dma_wait3A_707 : memref<1x50x64xf32, #tpu.memory_space<hbm>> -> memref<50x64xf32, #tpu.memory_space<hbm>>
          %dma_wait3A_709 = tpu.memref_slice %arg10[%dma_wait3A_700] : memref<8x!tpu.dma_semaphore, #tpu.memory_space<semaphore_mem>> -> memref<1x!tpu.dma_semaphore, #tpu.memory_space<semaphore_mem>>
          %dma_wait3A_710 = tpu.memref_squeeze %dma_wait3A_709 : memref<1x!tpu.dma_semaphore, #tpu.memory_space<semaphore_mem>> -> memref<!tpu.dma_semaphore, #tpu.memory_space<semaphore_mem>>
          %dma_wait3A_711 = arith.constant 0 : i32
          %dma_wait3A_712 = arith.constant 0 : i32
          %dma_wait3A_713 = tpu.memref_slice %arg5[%dma_wait3A_699, %dma_wait3A_711, %dma_wait3A_712] : memref<4096x50x64xf32, #tpu.memory_space<hbm>> -> memref<1x50x64xf32, #tpu.memory_space<hbm>>
          %dma_wait3A_714 = tpu.memref_squeeze %dma_wait3A_713 : memref<1x50x64xf32, #tpu.memory_space<hbm>> -> memref<50x64xf32, #tpu.memory_space<hbm>>
          %dma_wait3A_715 = arith.constant 0 : i32
          %dma_wait3A_716 = arith.constant 0 : i32
          %dma_wait3A_717 = tpu.memref_slice %arg8[%dma_wait3A_698, %dma_wait3A_715, %dma_wait3A_716] : memref<8x50x64xf32, #tpu.memory_space<vmem>> -> memref<1x50x64xf32, #tpu.memory_space<vmem>>
          %dma_wait3A_718 = tpu.memref_squeeze %dma_wait3A_717 : memref<1x50x64xf32, #tpu.memory_space<vmem>> -> memref<50x64xf32, #tpu.memory_space<vmem>>
          tpu.wait_dma2 semaphore(%dma_wait3A_710 : memref<!tpu.dma_semaphore, #tpu.memory_space<semaphore_mem>>) src(%dma_wait3A_718 : memref<50x64xf32, #tpu.memory_space<vmem>>) dst(%dma_wait3A_714 : memref<50x64xf32, #tpu.memory_space<hbm>>)
        } else {
        }
        %add3A_682 = arith.constant 6 : i32
        %add3A_683 = arith.addi %add3A_473, %add3A_682 : i32
        %dma_start3A_684 = arith.constant 2 : i32
        %dma_start3A_685 = arith.constant 2 : i32
        %dma_start3A_686 = arith.constant 0 : i32
        %dma_start3A_687 = arith.constant 0 : i32
        %dma_start3A_688 = tpu.memref_slice %arg8[%dma_start3A_684, %dma_start3A_686, %dma_start3A_687] : memref<8x50x64xf32, #tpu.memory_space<vmem>> -> memref<1x50x64xf32, #tpu.memory_space<vmem>>
        %dma_start3A_689 = tpu.memref_squeeze %dma_start3A_688 : memref<1x50x64xf32, #tpu.memory_space<vmem>> -> memref<50x64xf32, #tpu.memory_space<vmem>>
        %dma_start3A_690 = arith.constant 0 : i32
        %dma_start3A_691 = tpu.memref_slice %arg6[%add3A_683, %dma_start3A_690] : memref<128x50xi32, #tpu.memory_space<vmem>> -> memref<1x50xi32, #tpu.memory_space<vmem>>
        %dma_start3A_692 = tpu.memref_squeeze %dma_start3A_691 : memref<1x50xi32, #tpu.memory_space<vmem>> -> memref<50xi32, #tpu.memory_space<vmem>>
        %dma_start3A_693 = arith.constant 0 : i32
        %dma_start3A_694 = arith.constant 0 : i32
        %dma_start3A_695 = tpu.memref_slice %arg3[%dma_start3A_693, %dma_start3A_694] : memref<1000000x64xf32, #tpu.memory_space<hbm>> -> memref<1000000x64xf32, #tpu.memory_space<hbm>>
        %dma_start3A_696 = tpu.memref_slice %arg9[%dma_start3A_685] : memref<8x!tpu.dma_semaphore, #tpu.memory_space<semaphore_mem>> -> memref<1x!tpu.dma_semaphore, #tpu.memory_space<semaphore_mem>>
        %dma_start3A_697 = tpu.memref_squeeze %dma_start3A_696 : memref<1x!tpu.dma_semaphore, #tpu.memory_space<semaphore_mem>> -> memref<!tpu.dma_semaphore, #tpu.memory_space<semaphore_mem>>
        tpu.enqueue_indirect_dma source(%dma_start3A_695 : memref<1000000x64xf32, #tpu.memory_space<hbm>>) target(%dma_start3A_689 : memref<50x64xf32, #tpu.memory_space<vmem>>) offsets(%dma_start3A_692 : memref<50xi32, #tpu.memory_space<vmem>>) semaphore(%dma_start3A_697 : memref<!tpu.dma_semaphore, #tpu.memory_space<semaphore_mem>>)
      } else {
      }
      %mul3A_522 = arith.constant 8 : i32
      %mul3A_523 = arith.muli %scan3A_264, %mul3A_522 : i32
      %add3A_524 = arith.constant 5 : i32
      %add3A_525 = arith.addi %mul3A_523, %add3A_524 : i32
      %dma_wait3A_526 = arith.constant 5 : i32
      %dma_wait3A_527 = arith.constant 5 : i32
      %dma_wait3A_528 = arith.constant 0 : i32
      %dma_wait3A_529 = arith.constant 0 : i32
      %dma_wait3A_530 = tpu.memref_slice %arg8[%dma_wait3A_526, %dma_wait3A_528, %dma_wait3A_529] : memref<8x50x64xf32, #tpu.memory_space<vmem>> -> memref<1x50x64xf32, #tpu.memory_space<vmem>>
      %dma_wait3A_531 = tpu.memref_squeeze %dma_wait3A_530 : memref<1x50x64xf32, #tpu.memory_space<vmem>> -> memref<50x64xf32, #tpu.memory_space<vmem>>
      %dma_wait3A_532 = arith.constant 0 : i32
      %dma_wait3A_533 = tpu.memref_slice %arg6[%add3A_525, %dma_wait3A_532] : memref<128x50xi32, #tpu.memory_space<vmem>> -> memref<1x50xi32, #tpu.memory_space<vmem>>
      %dma_wait3A_534 = tpu.memref_squeeze %dma_wait3A_533 : memref<1x50xi32, #tpu.memory_space<vmem>> -> memref<50xi32, #tpu.memory_space<vmem>>
      %dma_wait3A_535 = arith.constant 0 : i32
      %dma_wait3A_536 = arith.constant 0 : i32
      %dma_wait3A_537 = tpu.memref_slice %arg3[%dma_wait3A_535, %dma_wait3A_536] : memref<1000000x64xf32, #tpu.memory_space<hbm>> -> memref<1000000x64xf32, #tpu.memory_space<hbm>>
      %dma_wait3A_538 = tpu.memref_slice %arg9[%dma_wait3A_527] : memref<8x!tpu.dma_semaphore, #tpu.memory_space<semaphore_mem>> -> memref<1x!tpu.dma_semaphore, #tpu.memory_space<semaphore_mem>>
      %dma_wait3A_539 = tpu.memref_squeeze %dma_wait3A_538 : memref<1x!tpu.dma_semaphore, #tpu.memory_space<semaphore_mem>> -> memref<!tpu.dma_semaphore, #tpu.memory_space<semaphore_mem>>
      tpu.wait_indirect_dma semaphore(%dma_wait3A_539 : memref<!tpu.dma_semaphore, #tpu.memory_space<semaphore_mem>>) src(%dma_wait3A_537 : memref<1000000x64xf32, #tpu.memory_space<hbm>>) dst(%dma_wait3A_531 : memref<50x64xf32, #tpu.memory_space<vmem>>)
      %scan3A_540 = arith.constant 0 : i32
      %scan3A_541 = arith.constant 0 : i32
      %scan3A_542 = arith.constant 50 : i32
      %scan3A_543 = arith.addi %scan3A_541, %scan3A_542 : i32
      %scan3A_544 = arith.constant 1 : i32
      scf.for %scan3A_678 = %scan3A_541 to %scan3A_543 step %scan3A_544  : i32 {
        %get3A = arith.constant 5 : i32
        %get3A_679 = arith.index_cast %get3A : i32 to index
        %get3A_680 = arith.index_cast %scan3A_678 : i32 to index
        %get3A_681 = arith.constant 0 : index
        %get3A_682 = tpu.vector_load %arg8[%get3A_679, %get3A_680, %get3A_681] {strides = array<i32>} : memref<8x50x64xf32, #tpu.memory_space<vmem>>, vector<1x1x16xf32>,
        %get3A_683 = vector.shape_cast %get3A_682 : vector<1x1x16xf32> to vector<16xf32>
        %get3A_684 = arith.index_cast %scan3A_678 : i32 to index
        %get3A_685 = arith.constant 0 : index
        %get3A_686 = tpu.vector_load %arg7[%get3A_684, %get3A_685] {strides = array<i32>} : memref<64x64xf32, #tpu.memory_space<vmem>>, vector<1x16xf32>,
        %get3A_687 = vector.shape_cast %get3A_686 : vector<1x16xf32> to vector<16xf32>
        %add3A_688 = arith.addf %get3A_683, %get3A_687 : vector<16xf32>
        %swap3A = arith.constant 5 : i32
        %swap3A_689 = arith.index_cast %swap3A : i32 to index
        %swap3A_690 = arith.index_cast %scan3A_678 : i32 to index
        %swap3A_691 = arith.constant 0 : index
        %swap3A_692 = tpu.vector_load %arg8[%swap3A_689, %swap3A_690, %swap3A_691] {strides = array<i32>} : memref<8x50x64xf32, #tpu.memory_space<vmem>>, vector<1x1x16xf32>,
        %swap3A_693 = vector.shape_cast %swap3A_692 : vector<1x1x16xf32> to vector<16xf32>
        %swap3A_694 = vector.shape_cast %add3A_688 : vector<16xf32> to vector<1x1x16xf32>
        tpu.vector_store %arg8[%swap3A_689, %swap3A_690, %swap3A_691], %swap3A_694 {strides = array<i32>} : memref<8x50x64xf32, #tpu.memory_space<vmem>>, vector<1x1x16xf32>,
        %get3A_695 = arith.constant 5 : i32
        %get3A_696 = arith.index_cast %get3A_695 : i32 to index
        %get3A_697 = arith.index_cast %scan3A_678 : i32 to index
        %get3A_698 = arith.constant 16 : index
        %get3A_699 = tpu.vector_load %arg8[%get3A_696, %get3A_697, %get3A_698] {strides = array<i32>} : memref<8x50x64xf32, #tpu.memory_space<vmem>>, vector<1x1x16xf32>,
        %get3A_700 = vector.shape_cast %get3A_699 : vector<1x1x16xf32> to vector<16xf32>
        %get3A_701 = arith.index_cast %scan3A_678 : i32 to index
        %get3A_702 = arith.constant 16 : index
        %get3A_703 = tpu.vector_load %arg7[%get3A_701, %get3A_702] {strides = array<i32>} : memref<64x64xf32, #tpu.memory_space<vmem>>, vector<1x16xf32>,
        %get3A_704 = vector.shape_cast %get3A_703 : vector<1x16xf32> to vector<16xf32>
        %add3A_705 = arith.addf %get3A_700, %get3A_704 : vector<16xf32>
        %swap3A_706 = arith.constant 5 : i32
        %swap3A_707 = arith.index_cast %swap3A_706 : i32 to index
        %swap3A_708 = arith.index_cast %scan3A_678 : i32 to index
        %swap3A_709 = arith.constant 16 : index
        %swap3A_710 = tpu.vector_load %arg8[%swap3A_707, %swap3A_708, %swap3A_709] {strides = array<i32>} : memref<8x50x64xf32, #tpu.memory_space<vmem>>, vector<1x1x16xf32>,
        %swap3A_711 = vector.shape_cast %swap3A_710 : vector<1x1x16xf32> to vector<16xf32>
        %swap3A_712 = vector.shape_cast %add3A_705 : vector<16xf32> to vector<1x1x16xf32>
        tpu.vector_store %arg8[%swap3A_707, %swap3A_708, %swap3A_709], %swap3A_712 {strides = array<i32>} : memref<8x50x64xf32, #tpu.memory_space<vmem>>, vector<1x1x16xf32>,
        %get3A_713 = arith.constant 5 : i32
        %get3A_714 = arith.index_cast %get3A_713 : i32 to index
        %get3A_715 = arith.index_cast %scan3A_678 : i32 to index
        %get3A_716 = arith.constant 32 : index
        %get3A_717 = tpu.vector_load %arg8[%get3A_714, %get3A_715, %get3A_716] {strides = array<i32>} : memref<8x50x64xf32, #tpu.memory_space<vmem>>, vector<1x1x16xf32>,
        %get3A_718 = vector.shape_cast %get3A_717 : vector<1x1x16xf32> to vector<16xf32>
        %get3A_719 = arith.index_cast %scan3A_678 : i32 to index
        %get3A_720 = arith.constant 32 : index
        %get3A_721 = tpu.vector_load %arg7[%get3A_719, %get3A_720] {strides = array<i32>} : memref<64x64xf32, #tpu.memory_space<vmem>>, vector<1x16xf32>,
        %get3A_722 = vector.shape_cast %get3A_721 : vector<1x16xf32> to vector<16xf32>
        %add3A_723 = arith.addf %get3A_718, %get3A_722 : vector<16xf32>
        %swap3A_724 = arith.constant 5 : i32
        %swap3A_725 = arith.index_cast %swap3A_724 : i32 to index
        %swap3A_726 = arith.index_cast %scan3A_678 : i32 to index
        %swap3A_727 = arith.constant 32 : index
        %swap3A_728 = tpu.vector_load %arg8[%swap3A_725, %swap3A_726, %swap3A_727] {strides = array<i32>} : memref<8x50x64xf32, #tpu.memory_space<vmem>>, vector<1x1x16xf32>,
        %swap3A_729 = vector.shape_cast %swap3A_728 : vector<1x1x16xf32> to vector<16xf32>
        %swap3A_730 = vector.shape_cast %add3A_723 : vector<16xf32> to vector<1x1x16xf32>
        tpu.vector_store %arg8[%swap3A_725, %swap3A_726, %swap3A_727], %swap3A_730 {strides = array<i32>} : memref<8x50x64xf32, #tpu.memory_space<vmem>>, vector<1x1x16xf32>,
        %get3A_731 = arith.constant 5 : i32
        %get3A_732 = arith.index_cast %get3A_731 : i32 to index
        %get3A_733 = arith.index_cast %scan3A_678 : i32 to index
        %get3A_734 = arith.constant 48 : index
        %get3A_735 = tpu.vector_load %arg8[%get3A_732, %get3A_733, %get3A_734] {strides = array<i32>} : memref<8x50x64xf32, #tpu.memory_space<vmem>>, vector<1x1x16xf32>,
        %get3A_736 = vector.shape_cast %get3A_735 : vector<1x1x16xf32> to vector<16xf32>
        %get3A_737 = arith.index_cast %scan3A_678 : i32 to index
        %get3A_738 = arith.constant 48 : index
        %get3A_739 = tpu.vector_load %arg7[%get3A_737, %get3A_738] {strides = array<i32>} : memref<64x64xf32, #tpu.memory_space<vmem>>, vector<1x16xf32>,
        %get3A_740 = vector.shape_cast %get3A_739 : vector<1x16xf32> to vector<16xf32>
        %add3A_741 = arith.addf %get3A_736, %get3A_740 : vector<16xf32>
        %swap3A_742 = arith.constant 5 : i32
        %swap3A_743 = arith.index_cast %swap3A_742 : i32 to index
        %swap3A_744 = arith.index_cast %scan3A_678 : i32 to index
        %swap3A_745 = arith.constant 48 : index
        %swap3A_746 = tpu.vector_load %arg8[%swap3A_743, %swap3A_744, %swap3A_745] {strides = array<i32>} : memref<8x50x64xf32, #tpu.memory_space<vmem>>, vector<1x1x16xf32>,
        %swap3A_747 = vector.shape_cast %swap3A_746 : vector<1x1x16xf32> to vector<16xf32>
        %swap3A_748 = vector.shape_cast %add3A_741 : vector<16xf32> to vector<1x1x16xf32>
        tpu.vector_store %arg8[%swap3A_743, %swap3A_744, %swap3A_745], %swap3A_748 {strides = array<i32>} : memref<8x50x64xf32, #tpu.memory_space<vmem>>, vector<1x1x16xf32>,
      }
      %scan3A_545 = arith.constant 50 : i32
      %add3A_546 = arith.addi %mul3A_2, %add3A_525 : i32
      %dma_start3A_547 = arith.constant 5 : i32
      %dma_start3A_548 = arith.constant 5 : i32
      %dma_start3A_549 = arith.constant 0 : i32
      %dma_start3A_550 = arith.constant 0 : i32
      %dma_start3A_551 = tpu.memref_slice %arg8[%dma_start3A_547, %dma_start3A_549, %dma_start3A_550] : memref<8x50x64xf32, #tpu.memory_space<vmem>> -> memref<1x50x64xf32, #tpu.memory_space<vmem>>
      %dma_start3A_552 = tpu.memref_squeeze %dma_start3A_551 : memref<1x50x64xf32, #tpu.memory_space<vmem>> -> memref<50x64xf32, #tpu.memory_space<vmem>>
      %dma_start3A_553 = arith.constant 0 : i32
      %dma_start3A_554 = arith.constant 0 : i32
      %dma_start3A_555 = tpu.memref_slice %arg5[%add3A_546, %dma_start3A_553, %dma_start3A_554] : memref<4096x50x64xf32, #tpu.memory_space<hbm>> -> memref<1x50x64xf32, #tpu.memory_space<hbm>>
      %dma_start3A_556 = tpu.memref_squeeze %dma_start3A_555 : memref<1x50x64xf32, #tpu.memory_space<hbm>> -> memref<50x64xf32, #tpu.memory_space<hbm>>
      %dma_start3A_557 = tpu.memref_slice %arg10[%dma_start3A_548] : memref<8x!tpu.dma_semaphore, #tpu.memory_space<semaphore_mem>> -> memref<1x!tpu.dma_semaphore, #tpu.memory_space<semaphore_mem>>
      %dma_start3A_558 = tpu.memref_squeeze %dma_start3A_557 : memref<1x!tpu.dma_semaphore, #tpu.memory_space<semaphore_mem>> -> memref<!tpu.dma_semaphore, #tpu.memory_space<semaphore_mem>>
      %dma_start3A_559 = arith.constant 0 : i32
      %dma_start3A_560 = arith.constant 0 : i32
      %dma_start3A_561 = tpu.memref_slice %arg5[%add3A_546, %dma_start3A_559, %dma_start3A_560] : memref<4096x50x64xf32, #tpu.memory_space<hbm>> -> memref<1x50x64xf32, #tpu.memory_space<hbm>>
      %dma_start3A_562 = tpu.memref_squeeze %dma_start3A_561 : memref<1x50x64xf32, #tpu.memory_space<hbm>> -> memref<50x64xf32, #tpu.memory_space<hbm>>
      %dma_start3A_563 = arith.constant 0 : i32
      %dma_start3A_564 = arith.constant 0 : i32
      %dma_start3A_565 = tpu.memref_slice %arg8[%dma_start3A_547, %dma_start3A_563, %dma_start3A_564] : memref<8x50x64xf32, #tpu.memory_space<vmem>> -> memref<1x50x64xf32, #tpu.memory_space<vmem>>
      %dma_start3A_566 = tpu.memref_squeeze %dma_start3A_565 : memref<1x50x64xf32, #tpu.memory_space<vmem>> -> memref<50x64xf32, #tpu.memory_space<vmem>>
      tpu.enqueue_dma source(%dma_start3A_566 : memref<50x64xf32, #tpu.memory_space<vmem>>) target(%dma_start3A_562 : memref<50x64xf32, #tpu.memory_space<hbm>>) target_semaphore(%dma_start3A_558 : memref<!tpu.dma_semaphore, #tpu.memory_space<semaphore_mem>>)
      %add3A_567 = arith.constant 6 : i32
      %add3A_568 = arith.addi %add3A_525, %add3A_567 : i32
      %lt3A_569 = arith.constant 128 : i32
      %lt3A_570 = arith.cmpi slt, %add3A_568, %lt3A_569 : i32
      %convert_element_type3A_571 = arith.extui %lt3A_570 : i1 to i32
      %cond3A_572 = arith.constant 0 : i32
      %cond3A_573 = arith.cmpi ne, %convert_element_type3A_571, %cond3A_572 : i32
      scf.if %cond3A_573 {
        %ge3A = arith.constant 2 : i32
        %ge3A_678 = arith.cmpi sge, %add3A_525, %ge3A : i32
        %convert_element_type3A_679 = arith.extui %ge3A_678 : i1 to i32
        %cond3A_680 = arith.constant 0 : i32
        %cond3A_681 = arith.cmpi ne, %convert_element_type3A_679, %cond3A_680 : i32
        scf.if %cond3A_681 {
          %dma_wait3A_698 = arith.constant 3 : i32
          %dma_wait3A_699 = arith.constant 0 : i32
          %dma_wait3A_700 = arith.constant 3 : i32
          %dma_wait3A_701 = arith.constant 0 : i32
          %dma_wait3A_702 = arith.constant 0 : i32
          %dma_wait3A_703 = tpu.memref_slice %arg8[%dma_wait3A_698, %dma_wait3A_701, %dma_wait3A_702] : memref<8x50x64xf32, #tpu.memory_space<vmem>> -> memref<1x50x64xf32, #tpu.memory_space<vmem>>
          %dma_wait3A_704 = tpu.memref_squeeze %dma_wait3A_703 : memref<1x50x64xf32, #tpu.memory_space<vmem>> -> memref<50x64xf32, #tpu.memory_space<vmem>>
          %dma_wait3A_705 = arith.constant 0 : i32
          %dma_wait3A_706 = arith.constant 0 : i32
          %dma_wait3A_707 = tpu.memref_slice %arg5[%dma_wait3A_699, %dma_wait3A_705, %dma_wait3A_706] : memref<4096x50x64xf32, #tpu.memory_space<hbm>> -> memref<1x50x64xf32, #tpu.memory_space<hbm>>
          %dma_wait3A_708 = tpu.memref_squeeze %dma_wait3A_707 : memref<1x50x64xf32, #tpu.memory_space<hbm>> -> memref<50x64xf32, #tpu.memory_space<hbm>>
          %dma_wait3A_709 = tpu.memref_slice %arg10[%dma_wait3A_700] : memref<8x!tpu.dma_semaphore, #tpu.memory_space<semaphore_mem>> -> memref<1x!tpu.dma_semaphore, #tpu.memory_space<semaphore_mem>>
          %dma_wait3A_710 = tpu.memref_squeeze %dma_wait3A_709 : memref<1x!tpu.dma_semaphore, #tpu.memory_space<semaphore_mem>> -> memref<!tpu.dma_semaphore, #tpu.memory_space<semaphore_mem>>
          %dma_wait3A_711 = arith.constant 0 : i32
          %dma_wait3A_712 = arith.constant 0 : i32
          %dma_wait3A_713 = tpu.memref_slice %arg5[%dma_wait3A_699, %dma_wait3A_711, %dma_wait3A_712] : memref<4096x50x64xf32, #tpu.memory_space<hbm>> -> memref<1x50x64xf32, #tpu.memory_space<hbm>>
          %dma_wait3A_714 = tpu.memref_squeeze %dma_wait3A_713 : memref<1x50x64xf32, #tpu.memory_space<hbm>> -> memref<50x64xf32, #tpu.memory_space<hbm>>
          %dma_wait3A_715 = arith.constant 0 : i32
          %dma_wait3A_716 = arith.constant 0 : i32
          %dma_wait3A_717 = tpu.memref_slice %arg8[%dma_wait3A_698, %dma_wait3A_715, %dma_wait3A_716] : memref<8x50x64xf32, #tpu.memory_space<vmem>> -> memref<1x50x64xf32, #tpu.memory_space<vmem>>
          %dma_wait3A_718 = tpu.memref_squeeze %dma_wait3A_717 : memref<1x50x64xf32, #tpu.memory_space<vmem>> -> memref<50x64xf32, #tpu.memory_space<vmem>>
          tpu.wait_dma2 semaphore(%dma_wait3A_710 : memref<!tpu.dma_semaphore, #tpu.memory_space<semaphore_mem>>) src(%dma_wait3A_718 : memref<50x64xf32, #tpu.memory_space<vmem>>) dst(%dma_wait3A_714 : memref<50x64xf32, #tpu.memory_space<hbm>>)
        } else {
        }
        %add3A_682 = arith.constant 6 : i32
        %add3A_683 = arith.addi %add3A_525, %add3A_682 : i32
        %dma_start3A_684 = arith.constant 3 : i32
        %dma_start3A_685 = arith.constant 3 : i32
        %dma_start3A_686 = arith.constant 0 : i32
        %dma_start3A_687 = arith.constant 0 : i32
        %dma_start3A_688 = tpu.memref_slice %arg8[%dma_start3A_684, %dma_start3A_686, %dma_start3A_687] : memref<8x50x64xf32, #tpu.memory_space<vmem>> -> memref<1x50x64xf32, #tpu.memory_space<vmem>>
        %dma_start3A_689 = tpu.memref_squeeze %dma_start3A_688 : memref<1x50x64xf32, #tpu.memory_space<vmem>> -> memref<50x64xf32, #tpu.memory_space<vmem>>
        %dma_start3A_690 = arith.constant 0 : i32
        %dma_start3A_691 = tpu.memref_slice %arg6[%add3A_683, %dma_start3A_690] : memref<128x50xi32, #tpu.memory_space<vmem>> -> memref<1x50xi32, #tpu.memory_space<vmem>>
        %dma_start3A_692 = tpu.memref_squeeze %dma_start3A_691 : memref<1x50xi32, #tpu.memory_space<vmem>> -> memref<50xi32, #tpu.memory_space<vmem>>
        %dma_start3A_693 = arith.constant 0 : i32
        %dma_start3A_694 = arith.constant 0 : i32
        %dma_start3A_695 = tpu.memref_slice %arg3[%dma_start3A_693, %dma_start3A_694] : memref<1000000x64xf32, #tpu.memory_space<hbm>> -> memref<1000000x64xf32, #tpu.memory_space<hbm>>
        %dma_start3A_696 = tpu.memref_slice %arg9[%dma_start3A_685] : memref<8x!tpu.dma_semaphore, #tpu.memory_space<semaphore_mem>> -> memref<1x!tpu.dma_semaphore, #tpu.memory_space<semaphore_mem>>
        %dma_start3A_697 = tpu.memref_squeeze %dma_start3A_696 : memref<1x!tpu.dma_semaphore, #tpu.memory_space<semaphore_mem>> -> memref<!tpu.dma_semaphore, #tpu.memory_space<semaphore_mem>>
        tpu.enqueue_indirect_dma source(%dma_start3A_695 : memref<1000000x64xf32, #tpu.memory_space<hbm>>) target(%dma_start3A_689 : memref<50x64xf32, #tpu.memory_space<vmem>>) offsets(%dma_start3A_692 : memref<50xi32, #tpu.memory_space<vmem>>) semaphore(%dma_start3A_697 : memref<!tpu.dma_semaphore, #tpu.memory_space<semaphore_mem>>)
      } else {
      }
      %mul3A_574 = arith.constant 8 : i32
      %mul3A_575 = arith.muli %scan3A_264, %mul3A_574 : i32
      %add3A_576 = arith.constant 6 : i32
      %add3A_577 = arith.addi %mul3A_575, %add3A_576 : i32
      %dma_wait3A_578 = arith.constant 6 : i32
      %dma_wait3A_579 = arith.constant 6 : i32
      %dma_wait3A_580 = arith.constant 0 : i32
      %dma_wait3A_581 = arith.constant 0 : i32
      %dma_wait3A_582 = tpu.memref_slice %arg8[%dma_wait3A_578, %dma_wait3A_580, %dma_wait3A_581] : memref<8x50x64xf32, #tpu.memory_space<vmem>> -> memref<1x50x64xf32, #tpu.memory_space<vmem>>
      %dma_wait3A_583 = tpu.memref_squeeze %dma_wait3A_582 : memref<1x50x64xf32, #tpu.memory_space<vmem>> -> memref<50x64xf32, #tpu.memory_space<vmem>>
      %dma_wait3A_584 = arith.constant 0 : i32
      %dma_wait3A_585 = tpu.memref_slice %arg6[%add3A_577, %dma_wait3A_584] : memref<128x50xi32, #tpu.memory_space<vmem>> -> memref<1x50xi32, #tpu.memory_space<vmem>>
      %dma_wait3A_586 = tpu.memref_squeeze %dma_wait3A_585 : memref<1x50xi32, #tpu.memory_space<vmem>> -> memref<50xi32, #tpu.memory_space<vmem>>
      %dma_wait3A_587 = arith.constant 0 : i32
      %dma_wait3A_588 = arith.constant 0 : i32
      %dma_wait3A_589 = tpu.memref_slice %arg3[%dma_wait3A_587, %dma_wait3A_588] : memref<1000000x64xf32, #tpu.memory_space<hbm>> -> memref<1000000x64xf32, #tpu.memory_space<hbm>>
      %dma_wait3A_590 = tpu.memref_slice %arg9[%dma_wait3A_579] : memref<8x!tpu.dma_semaphore, #tpu.memory_space<semaphore_mem>> -> memref<1x!tpu.dma_semaphore, #tpu.memory_space<semaphore_mem>>
      %dma_wait3A_591 = tpu.memref_squeeze %dma_wait3A_590 : memref<1x!tpu.dma_semaphore, #tpu.memory_space<semaphore_mem>> -> memref<!tpu.dma_semaphore, #tpu.memory_space<semaphore_mem>>
      tpu.wait_indirect_dma semaphore(%dma_wait3A_591 : memref<!tpu.dma_semaphore, #tpu.memory_space<semaphore_mem>>) src(%dma_wait3A_589 : memref<1000000x64xf32, #tpu.memory_space<hbm>>) dst(%dma_wait3A_583 : memref<50x64xf32, #tpu.memory_space<vmem>>)
      %scan3A_592 = arith.constant 0 : i32
      %scan3A_593 = arith.constant 0 : i32
      %scan3A_594 = arith.constant 50 : i32
      %scan3A_595 = arith.addi %scan3A_593, %scan3A_594 : i32
      %scan3A_596 = arith.constant 1 : i32
      scf.for %scan3A_678 = %scan3A_593 to %scan3A_595 step %scan3A_596  : i32 {
        %get3A = arith.constant 6 : i32
        %get3A_679 = arith.index_cast %get3A : i32 to index
        %get3A_680 = arith.index_cast %scan3A_678 : i32 to index
        %get3A_681 = arith.constant 0 : index
        %get3A_682 = tpu.vector_load %arg8[%get3A_679, %get3A_680, %get3A_681] {strides = array<i32>} : memref<8x50x64xf32, #tpu.memory_space<vmem>>, vector<1x1x16xf32>,
        %get3A_683 = vector.shape_cast %get3A_682 : vector<1x1x16xf32> to vector<16xf32>
        %get3A_684 = arith.index_cast %scan3A_678 : i32 to index
        %get3A_685 = arith.constant 0 : index
        %get3A_686 = tpu.vector_load %arg7[%get3A_684, %get3A_685] {strides = array<i32>} : memref<64x64xf32, #tpu.memory_space<vmem>>, vector<1x16xf32>,
        %get3A_687 = vector.shape_cast %get3A_686 : vector<1x16xf32> to vector<16xf32>
        %add3A_688 = arith.addf %get3A_683, %get3A_687 : vector<16xf32>
        %swap3A = arith.constant 6 : i32
        %swap3A_689 = arith.index_cast %swap3A : i32 to index
        %swap3A_690 = arith.index_cast %scan3A_678 : i32 to index
        %swap3A_691 = arith.constant 0 : index
        %swap3A_692 = tpu.vector_load %arg8[%swap3A_689, %swap3A_690, %swap3A_691] {strides = array<i32>} : memref<8x50x64xf32, #tpu.memory_space<vmem>>, vector<1x1x16xf32>,
        %swap3A_693 = vector.shape_cast %swap3A_692 : vector<1x1x16xf32> to vector<16xf32>
        %swap3A_694 = vector.shape_cast %add3A_688 : vector<16xf32> to vector<1x1x16xf32>
        tpu.vector_store %arg8[%swap3A_689, %swap3A_690, %swap3A_691], %swap3A_694 {strides = array<i32>} : memref<8x50x64xf32, #tpu.memory_space<vmem>>, vector<1x1x16xf32>,
        %get3A_695 = arith.constant 6 : i32
        %get3A_696 = arith.index_cast %get3A_695 : i32 to index
        %get3A_697 = arith.index_cast %scan3A_678 : i32 to index
        %get3A_698 = arith.constant 16 : index
        %get3A_699 = tpu.vector_load %arg8[%get3A_696, %get3A_697, %get3A_698] {strides = array<i32>} : memref<8x50x64xf32, #tpu.memory_space<vmem>>, vector<1x1x16xf32>,
        %get3A_700 = vector.shape_cast %get3A_699 : vector<1x1x16xf32> to vector<16xf32>
        %get3A_701 = arith.index_cast %scan3A_678 : i32 to index
        %get3A_702 = arith.constant 16 : index
        %get3A_703 = tpu.vector_load %arg7[%get3A_701, %get3A_702] {strides = array<i32>} : memref<64x64xf32, #tpu.memory_space<vmem>>, vector<1x16xf32>,
        %get3A_704 = vector.shape_cast %get3A_703 : vector<1x16xf32> to vector<16xf32>
        %add3A_705 = arith.addf %get3A_700, %get3A_704 : vector<16xf32>
        %swap3A_706 = arith.constant 6 : i32
        %swap3A_707 = arith.index_cast %swap3A_706 : i32 to index
        %swap3A_708 = arith.index_cast %scan3A_678 : i32 to index
        %swap3A_709 = arith.constant 16 : index
        %swap3A_710 = tpu.vector_load %arg8[%swap3A_707, %swap3A_708, %swap3A_709] {strides = array<i32>} : memref<8x50x64xf32, #tpu.memory_space<vmem>>, vector<1x1x16xf32>,
        %swap3A_711 = vector.shape_cast %swap3A_710 : vector<1x1x16xf32> to vector<16xf32>
        %swap3A_712 = vector.shape_cast %add3A_705 : vector<16xf32> to vector<1x1x16xf32>
        tpu.vector_store %arg8[%swap3A_707, %swap3A_708, %swap3A_709], %swap3A_712 {strides = array<i32>} : memref<8x50x64xf32, #tpu.memory_space<vmem>>, vector<1x1x16xf32>,
        %get3A_713 = arith.constant 6 : i32
        %get3A_714 = arith.index_cast %get3A_713 : i32 to index
        %get3A_715 = arith.index_cast %scan3A_678 : i32 to index
        %get3A_716 = arith.constant 32 : index
        %get3A_717 = tpu.vector_load %arg8[%get3A_714, %get3A_715, %get3A_716] {strides = array<i32>} : memref<8x50x64xf32, #tpu.memory_space<vmem>>, vector<1x1x16xf32>,
        %get3A_718 = vector.shape_cast %get3A_717 : vector<1x1x16xf32> to vector<16xf32>
        %get3A_719 = arith.index_cast %scan3A_678 : i32 to index
        %get3A_720 = arith.constant 32 : index
        %get3A_721 = tpu.vector_load %arg7[%get3A_719, %get3A_720] {strides = array<i32>} : memref<64x64xf32, #tpu.memory_space<vmem>>, vector<1x16xf32>,
        %get3A_722 = vector.shape_cast %get3A_721 : vector<1x16xf32> to vector<16xf32>
        %add3A_723 = arith.addf %get3A_718, %get3A_722 : vector<16xf32>
        %swap3A_724 = arith.constant 6 : i32
        %swap3A_725 = arith.index_cast %swap3A_724 : i32 to index
        %swap3A_726 = arith.index_cast %scan3A_678 : i32 to index
        %swap3A_727 = arith.constant 32 : index
        %swap3A_728 = tpu.vector_load %arg8[%swap3A_725, %swap3A_726, %swap3A_727] {strides = array<i32>} : memref<8x50x64xf32, #tpu.memory_space<vmem>>, vector<1x1x16xf32>,
        %swap3A_729 = vector.shape_cast %swap3A_728 : vector<1x1x16xf32> to vector<16xf32>
        %swap3A_730 = vector.shape_cast %add3A_723 : vector<16xf32> to vector<1x1x16xf32>
        tpu.vector_store %arg8[%swap3A_725, %swap3A_726, %swap3A_727], %swap3A_730 {strides = array<i32>} : memref<8x50x64xf32, #tpu.memory_space<vmem>>, vector<1x1x16xf32>,
        %get3A_731 = arith.constant 6 : i32
        %get3A_732 = arith.index_cast %get3A_731 : i32 to index
        %get3A_733 = arith.index_cast %scan3A_678 : i32 to index
        %get3A_734 = arith.constant 48 : index
        %get3A_735 = tpu.vector_load %arg8[%get3A_732, %get3A_733, %get3A_734] {strides = array<i32>} : memref<8x50x64xf32, #tpu.memory_space<vmem>>, vector<1x1x16xf32>,
        %get3A_736 = vector.shape_cast %get3A_735 : vector<1x1x16xf32> to vector<16xf32>
        %get3A_737 = arith.index_cast %scan3A_678 : i32 to index
        %get3A_738 = arith.constant 48 : index
        %get3A_739 = tpu.vector_load %arg7[%get3A_737, %get3A_738] {strides = array<i32>} : memref<64x64xf32, #tpu.memory_space<vmem>>, vector<1x16xf32>,
        %get3A_740 = vector.shape_cast %get3A_739 : vector<1x16xf32> to vector<16xf32>
        %add3A_741 = arith.addf %get3A_736, %get3A_740 : vector<16xf32>
        %swap3A_742 = arith.constant 6 : i32
        %swap3A_743 = arith.index_cast %swap3A_742 : i32 to index
        %swap3A_744 = arith.index_cast %scan3A_678 : i32 to index
        %swap3A_745 = arith.constant 48 : index
        %swap3A_746 = tpu.vector_load %arg8[%swap3A_743, %swap3A_744, %swap3A_745] {strides = array<i32>} : memref<8x50x64xf32, #tpu.memory_space<vmem>>, vector<1x1x16xf32>,
        %swap3A_747 = vector.shape_cast %swap3A_746 : vector<1x1x16xf32> to vector<16xf32>
        %swap3A_748 = vector.shape_cast %add3A_741 : vector<16xf32> to vector<1x1x16xf32>
        tpu.vector_store %arg8[%swap3A_743, %swap3A_744, %swap3A_745], %swap3A_748 {strides = array<i32>} : memref<8x50x64xf32, #tpu.memory_space<vmem>>, vector<1x1x16xf32>,
      }
      %scan3A_597 = arith.constant 50 : i32
      %add3A_598 = arith.addi %mul3A_2, %add3A_577 : i32
      %dma_start3A_599 = arith.constant 6 : i32
      %dma_start3A_600 = arith.constant 6 : i32
      %dma_start3A_601 = arith.constant 0 : i32
      %dma_start3A_602 = arith.constant 0 : i32
      %dma_start3A_603 = tpu.memref_slice %arg8[%dma_start3A_599, %dma_start3A_601, %dma_start3A_602] : memref<8x50x64xf32, #tpu.memory_space<vmem>> -> memref<1x50x64xf32, #tpu.memory_space<vmem>>
      %dma_start3A_604 = tpu.memref_squeeze %dma_start3A_603 : memref<1x50x64xf32, #tpu.memory_space<vmem>> -> memref<50x64xf32, #tpu.memory_space<vmem>>
      %dma_start3A_605 = arith.constant 0 : i32
      %dma_start3A_606 = arith.constant 0 : i32
      %dma_start3A_607 = tpu.memref_slice %arg5[%add3A_598, %dma_start3A_605, %dma_start3A_606] : memref<4096x50x64xf32, #tpu.memory_space<hbm>> -> memref<1x50x64xf32, #tpu.memory_space<hbm>>
      %dma_start3A_608 = tpu.memref_squeeze %dma_start3A_607 : memref<1x50x64xf32, #tpu.memory_space<hbm>> -> memref<50x64xf32, #tpu.memory_space<hbm>>
      %dma_start3A_609 = tpu.memref_slice %arg10[%dma_start3A_600] : memref<8x!tpu.dma_semaphore, #tpu.memory_space<semaphore_mem>> -> memref<1x!tpu.dma_semaphore, #tpu.memory_space<semaphore_mem>>
      %dma_start3A_610 = tpu.memref_squeeze %dma_start3A_609 : memref<1x!tpu.dma_semaphore, #tpu.memory_space<semaphore_mem>> -> memref<!tpu.dma_semaphore, #tpu.memory_space<semaphore_mem>>
      %dma_start3A_611 = arith.constant 0 : i32
      %dma_start3A_612 = arith.constant 0 : i32
      %dma_start3A_613 = tpu.memref_slice %arg5[%add3A_598, %dma_start3A_611, %dma_start3A_612] : memref<4096x50x64xf32, #tpu.memory_space<hbm>> -> memref<1x50x64xf32, #tpu.memory_space<hbm>>
      %dma_start3A_614 = tpu.memref_squeeze %dma_start3A_613 : memref<1x50x64xf32, #tpu.memory_space<hbm>> -> memref<50x64xf32, #tpu.memory_space<hbm>>
      %dma_start3A_615 = arith.constant 0 : i32
      %dma_start3A_616 = arith.constant 0 : i32
      %dma_start3A_617 = tpu.memref_slice %arg8[%dma_start3A_599, %dma_start3A_615, %dma_start3A_616] : memref<8x50x64xf32, #tpu.memory_space<vmem>> -> memref<1x50x64xf32, #tpu.memory_space<vmem>>
      %dma_start3A_618 = tpu.memref_squeeze %dma_start3A_617 : memref<1x50x64xf32, #tpu.memory_space<vmem>> -> memref<50x64xf32, #tpu.memory_space<vmem>>
      tpu.enqueue_dma source(%dma_start3A_618 : memref<50x64xf32, #tpu.memory_space<vmem>>) target(%dma_start3A_614 : memref<50x64xf32, #tpu.memory_space<hbm>>) target_semaphore(%dma_start3A_610 : memref<!tpu.dma_semaphore, #tpu.memory_space<semaphore_mem>>)
      %add3A_619 = arith.constant 6 : i32
      %add3A_620 = arith.addi %add3A_577, %add3A_619 : i32
      %lt3A_621 = arith.constant 128 : i32
      %lt3A_622 = arith.cmpi slt, %add3A_620, %lt3A_621 : i32
      %convert_element_type3A_623 = arith.extui %lt3A_622 : i1 to i32
      %cond3A_624 = arith.constant 0 : i32
      %cond3A_625 = arith.cmpi ne, %convert_element_type3A_623, %cond3A_624 : i32
      scf.if %cond3A_625 {
        %ge3A = arith.constant 2 : i32
        %ge3A_678 = arith.cmpi sge, %add3A_577, %ge3A : i32
        %convert_element_type3A_679 = arith.extui %ge3A_678 : i1 to i32
        %cond3A_680 = arith.constant 0 : i32
        %cond3A_681 = arith.cmpi ne, %convert_element_type3A_679, %cond3A_680 : i32
        scf.if %cond3A_681 {
          %dma_wait3A_698 = arith.constant 4 : i32
          %dma_wait3A_699 = arith.constant 0 : i32
          %dma_wait3A_700 = arith.constant 4 : i32
          %dma_wait3A_701 = arith.constant 0 : i32
          %dma_wait3A_702 = arith.constant 0 : i32
          %dma_wait3A_703 = tpu.memref_slice %arg8[%dma_wait3A_698, %dma_wait3A_701, %dma_wait3A_702] : memref<8x50x64xf32, #tpu.memory_space<vmem>> -> memref<1x50x64xf32, #tpu.memory_space<vmem>>
          %dma_wait3A_704 = tpu.memref_squeeze %dma_wait3A_703 : memref<1x50x64xf32, #tpu.memory_space<vmem>> -> memref<50x64xf32, #tpu.memory_space<vmem>>
          %dma_wait3A_705 = arith.constant 0 : i32
          %dma_wait3A_706 = arith.constant 0 : i32
          %dma_wait3A_707 = tpu.memref_slice %arg5[%dma_wait3A_699, %dma_wait3A_705, %dma_wait3A_706] : memref<4096x50x64xf32, #tpu.memory_space<hbm>> -> memref<1x50x64xf32, #tpu.memory_space<hbm>>
          %dma_wait3A_708 = tpu.memref_squeeze %dma_wait3A_707 : memref<1x50x64xf32, #tpu.memory_space<hbm>> -> memref<50x64xf32, #tpu.memory_space<hbm>>
          %dma_wait3A_709 = tpu.memref_slice %arg10[%dma_wait3A_700] : memref<8x!tpu.dma_semaphore, #tpu.memory_space<semaphore_mem>> -> memref<1x!tpu.dma_semaphore, #tpu.memory_space<semaphore_mem>>
          %dma_wait3A_710 = tpu.memref_squeeze %dma_wait3A_709 : memref<1x!tpu.dma_semaphore, #tpu.memory_space<semaphore_mem>> -> memref<!tpu.dma_semaphore, #tpu.memory_space<semaphore_mem>>
          %dma_wait3A_711 = arith.constant 0 : i32
          %dma_wait3A_712 = arith.constant 0 : i32
          %dma_wait3A_713 = tpu.memref_slice %arg5[%dma_wait3A_699, %dma_wait3A_711, %dma_wait3A_712] : memref<4096x50x64xf32, #tpu.memory_space<hbm>> -> memref<1x50x64xf32, #tpu.memory_space<hbm>>
          %dma_wait3A_714 = tpu.memref_squeeze %dma_wait3A_713 : memref<1x50x64xf32, #tpu.memory_space<hbm>> -> memref<50x64xf32, #tpu.memory_space<hbm>>
          %dma_wait3A_715 = arith.constant 0 : i32
          %dma_wait3A_716 = arith.constant 0 : i32
          %dma_wait3A_717 = tpu.memref_slice %arg8[%dma_wait3A_698, %dma_wait3A_715, %dma_wait3A_716] : memref<8x50x64xf32, #tpu.memory_space<vmem>> -> memref<1x50x64xf32, #tpu.memory_space<vmem>>
          %dma_wait3A_718 = tpu.memref_squeeze %dma_wait3A_717 : memref<1x50x64xf32, #tpu.memory_space<vmem>> -> memref<50x64xf32, #tpu.memory_space<vmem>>
          tpu.wait_dma2 semaphore(%dma_wait3A_710 : memref<!tpu.dma_semaphore, #tpu.memory_space<semaphore_mem>>) src(%dma_wait3A_718 : memref<50x64xf32, #tpu.memory_space<vmem>>) dst(%dma_wait3A_714 : memref<50x64xf32, #tpu.memory_space<hbm>>)
        } else {
        }
        %add3A_682 = arith.constant 6 : i32
        %add3A_683 = arith.addi %add3A_577, %add3A_682 : i32
        %dma_start3A_684 = arith.constant 4 : i32
        %dma_start3A_685 = arith.constant 4 : i32
        %dma_start3A_686 = arith.constant 0 : i32
        %dma_start3A_687 = arith.constant 0 : i32
        %dma_start3A_688 = tpu.memref_slice %arg8[%dma_start3A_684, %dma_start3A_686, %dma_start3A_687] : memref<8x50x64xf32, #tpu.memory_space<vmem>> -> memref<1x50x64xf32, #tpu.memory_space<vmem>>
        %dma_start3A_689 = tpu.memref_squeeze %dma_start3A_688 : memref<1x50x64xf32, #tpu.memory_space<vmem>> -> memref<50x64xf32, #tpu.memory_space<vmem>>
        %dma_start3A_690 = arith.constant 0 : i32
        %dma_start3A_691 = tpu.memref_slice %arg6[%add3A_683, %dma_start3A_690] : memref<128x50xi32, #tpu.memory_space<vmem>> -> memref<1x50xi32, #tpu.memory_space<vmem>>
        %dma_start3A_692 = tpu.memref_squeeze %dma_start3A_691 : memref<1x50xi32, #tpu.memory_space<vmem>> -> memref<50xi32, #tpu.memory_space<vmem>>
        %dma_start3A_693 = arith.constant 0 : i32
        %dma_start3A_694 = arith.constant 0 : i32
        %dma_start3A_695 = tpu.memref_slice %arg3[%dma_start3A_693, %dma_start3A_694] : memref<1000000x64xf32, #tpu.memory_space<hbm>> -> memref<1000000x64xf32, #tpu.memory_space<hbm>>
        %dma_start3A_696 = tpu.memref_slice %arg9[%dma_start3A_685] : memref<8x!tpu.dma_semaphore, #tpu.memory_space<semaphore_mem>> -> memref<1x!tpu.dma_semaphore, #tpu.memory_space<semaphore_mem>>
        %dma_start3A_697 = tpu.memref_squeeze %dma_start3A_696 : memref<1x!tpu.dma_semaphore, #tpu.memory_space<semaphore_mem>> -> memref<!tpu.dma_semaphore, #tpu.memory_space<semaphore_mem>>
        tpu.enqueue_indirect_dma source(%dma_start3A_695 : memref<1000000x64xf32, #tpu.memory_space<hbm>>) target(%dma_start3A_689 : memref<50x64xf32, #tpu.memory_space<vmem>>) offsets(%dma_start3A_692 : memref<50xi32, #tpu.memory_space<vmem>>) semaphore(%dma_start3A_697 : memref<!tpu.dma_semaphore, #tpu.memory_space<semaphore_mem>>)
      } else {
      }
      %mul3A_626 = arith.constant 8 : i32
      %mul3A_627 = arith.muli %scan3A_264, %mul3A_626 : i32
      %add3A_628 = arith.constant 7 : i32
      %add3A_629 = arith.addi %mul3A_627, %add3A_628 : i32
      %dma_wait3A_630 = arith.constant 7 : i32
      %dma_wait3A_631 = arith.constant 7 : i32
      %dma_wait3A_632 = arith.constant 0 : i32
      %dma_wait3A_633 = arith.constant 0 : i32
      %dma_wait3A_634 = tpu.memref_slice %arg8[%dma_wait3A_630, %dma_wait3A_632, %dma_wait3A_633] : memref<8x50x64xf32, #tpu.memory_space<vmem>> -> memref<1x50x64xf32, #tpu.memory_space<vmem>>
      %dma_wait3A_635 = tpu.memref_squeeze %dma_wait3A_634 : memref<1x50x64xf32, #tpu.memory_space<vmem>> -> memref<50x64xf32, #tpu.memory_space<vmem>>
      %dma_wait3A_636 = arith.constant 0 : i32
      %dma_wait3A_637 = tpu.memref_slice %arg6[%add3A_629, %dma_wait3A_636] : memref<128x50xi32, #tpu.memory_space<vmem>> -> memref<1x50xi32, #tpu.memory_space<vmem>>
      %dma_wait3A_638 = tpu.memref_squeeze %dma_wait3A_637 : memref<1x50xi32, #tpu.memory_space<vmem>> -> memref<50xi32, #tpu.memory_space<vmem>>
      %dma_wait3A_639 = arith.constant 0 : i32
      %dma_wait3A_640 = arith.constant 0 : i32
      %dma_wait3A_641 = tpu.memref_slice %arg3[%dma_wait3A_639, %dma_wait3A_640] : memref<1000000x64xf32, #tpu.memory_space<hbm>> -> memref<1000000x64xf32, #tpu.memory_space<hbm>>
      %dma_wait3A_642 = tpu.memref_slice %arg9[%dma_wait3A_631] : memref<8x!tpu.dma_semaphore, #tpu.memory_space<semaphore_mem>> -> memref<1x!tpu.dma_semaphore, #tpu.memory_space<semaphore_mem>>
      %dma_wait3A_643 = tpu.memref_squeeze %dma_wait3A_642 : memref<1x!tpu.dma_semaphore, #tpu.memory_space<semaphore_mem>> -> memref<!tpu.dma_semaphore, #tpu.memory_space<semaphore_mem>>
      tpu.wait_indirect_dma semaphore(%dma_wait3A_643 : memref<!tpu.dma_semaphore, #tpu.memory_space<semaphore_mem>>) src(%dma_wait3A_641 : memref<1000000x64xf32, #tpu.memory_space<hbm>>) dst(%dma_wait3A_635 : memref<50x64xf32, #tpu.memory_space<vmem>>)
      %scan3A_644 = arith.constant 0 : i32
      %scan3A_645 = arith.constant 0 : i32
      %scan3A_646 = arith.constant 50 : i32
      %scan3A_647 = arith.addi %scan3A_645, %scan3A_646 : i32
      %scan3A_648 = arith.constant 1 : i32
      scf.for %scan3A_678 = %scan3A_645 to %scan3A_647 step %scan3A_648  : i32 {
        %get3A = arith.constant 7 : i32
        %get3A_679 = arith.index_cast %get3A : i32 to index
        %get3A_680 = arith.index_cast %scan3A_678 : i32 to index
        %get3A_681 = arith.constant 0 : index
        %get3A_682 = tpu.vector_load %arg8[%get3A_679, %get3A_680, %get3A_681] {strides = array<i32>} : memref<8x50x64xf32, #tpu.memory_space<vmem>>, vector<1x1x16xf32>,
        %get3A_683 = vector.shape_cast %get3A_682 : vector<1x1x16xf32> to vector<16xf32>
        %get3A_684 = arith.index_cast %scan3A_678 : i32 to index
        %get3A_685 = arith.constant 0 : index
        %get3A_686 = tpu.vector_load %arg7[%get3A_684, %get3A_685] {strides = array<i32>} : memref<64x64xf32, #tpu.memory_space<vmem>>, vector<1x16xf32>,
        %get3A_687 = vector.shape_cast %get3A_686 : vector<1x16xf32> to vector<16xf32>
        %add3A_688 = arith.addf %get3A_683, %get3A_687 : vector<16xf32>
        %swap3A = arith.constant 7 : i32
        %swap3A_689 = arith.index_cast %swap3A : i32 to index
        %swap3A_690 = arith.index_cast %scan3A_678 : i32 to index
        %swap3A_691 = arith.constant 0 : index
        %swap3A_692 = tpu.vector_load %arg8[%swap3A_689, %swap3A_690, %swap3A_691] {strides = array<i32>} : memref<8x50x64xf32, #tpu.memory_space<vmem>>, vector<1x1x16xf32>,
        %swap3A_693 = vector.shape_cast %swap3A_692 : vector<1x1x16xf32> to vector<16xf32>
        %swap3A_694 = vector.shape_cast %add3A_688 : vector<16xf32> to vector<1x1x16xf32>
        tpu.vector_store %arg8[%swap3A_689, %swap3A_690, %swap3A_691], %swap3A_694 {strides = array<i32>} : memref<8x50x64xf32, #tpu.memory_space<vmem>>, vector<1x1x16xf32>,
        %get3A_695 = arith.constant 7 : i32
        %get3A_696 = arith.index_cast %get3A_695 : i32 to index
        %get3A_697 = arith.index_cast %scan3A_678 : i32 to index
        %get3A_698 = arith.constant 16 : index
        %get3A_699 = tpu.vector_load %arg8[%get3A_696, %get3A_697, %get3A_698] {strides = array<i32>} : memref<8x50x64xf32, #tpu.memory_space<vmem>>, vector<1x1x16xf32>,
        %get3A_700 = vector.shape_cast %get3A_699 : vector<1x1x16xf32> to vector<16xf32>
        %get3A_701 = arith.index_cast %scan3A_678 : i32 to index
        %get3A_702 = arith.constant 16 : index
        %get3A_703 = tpu.vector_load %arg7[%get3A_701, %get3A_702] {strides = array<i32>} : memref<64x64xf32, #tpu.memory_space<vmem>>, vector<1x16xf32>,
        %get3A_704 = vector.shape_cast %get3A_703 : vector<1x16xf32> to vector<16xf32>
        %add3A_705 = arith.addf %get3A_700, %get3A_704 : vector<16xf32>
        %swap3A_706 = arith.constant 7 : i32
        %swap3A_707 = arith.index_cast %swap3A_706 : i32 to index
        %swap3A_708 = arith.index_cast %scan3A_678 : i32 to index
        %swap3A_709 = arith.constant 16 : index
        %swap3A_710 = tpu.vector_load %arg8[%swap3A_707, %swap3A_708, %swap3A_709] {strides = array<i32>} : memref<8x50x64xf32, #tpu.memory_space<vmem>>, vector<1x1x16xf32>,
        %swap3A_711 = vector.shape_cast %swap3A_710 : vector<1x1x16xf32> to vector<16xf32>
        %swap3A_712 = vector.shape_cast %add3A_705 : vector<16xf32> to vector<1x1x16xf32>
        tpu.vector_store %arg8[%swap3A_707, %swap3A_708, %swap3A_709], %swap3A_712 {strides = array<i32>} : memref<8x50x64xf32, #tpu.memory_space<vmem>>, vector<1x1x16xf32>,
        %get3A_713 = arith.constant 7 : i32
        %get3A_714 = arith.index_cast %get3A_713 : i32 to index
        %get3A_715 = arith.index_cast %scan3A_678 : i32 to index
        %get3A_716 = arith.constant 32 : index
        %get3A_717 = tpu.vector_load %arg8[%get3A_714, %get3A_715, %get3A_716] {strides = array<i32>} : memref<8x50x64xf32, #tpu.memory_space<vmem>>, vector<1x1x16xf32>,
        %get3A_718 = vector.shape_cast %get3A_717 : vector<1x1x16xf32> to vector<16xf32>
        %get3A_719 = arith.index_cast %scan3A_678 : i32 to index
        %get3A_720 = arith.constant 32 : index
        %get3A_721 = tpu.vector_load %arg7[%get3A_719, %get3A_720] {strides = array<i32>} : memref<64x64xf32, #tpu.memory_space<vmem>>, vector<1x16xf32>,
        %get3A_722 = vector.shape_cast %get3A_721 : vector<1x16xf32> to vector<16xf32>
        %add3A_723 = arith.addf %get3A_718, %get3A_722 : vector<16xf32>
        %swap3A_724 = arith.constant 7 : i32
        %swap3A_725 = arith.index_cast %swap3A_724 : i32 to index
        %swap3A_726 = arith.index_cast %scan3A_678 : i32 to index
        %swap3A_727 = arith.constant 32 : index
        %swap3A_728 = tpu.vector_load %arg8[%swap3A_725, %swap3A_726, %swap3A_727] {strides = array<i32>} : memref<8x50x64xf32, #tpu.memory_space<vmem>>, vector<1x1x16xf32>,
        %swap3A_729 = vector.shape_cast %swap3A_728 : vector<1x1x16xf32> to vector<16xf32>
        %swap3A_730 = vector.shape_cast %add3A_723 : vector<16xf32> to vector<1x1x16xf32>
        tpu.vector_store %arg8[%swap3A_725, %swap3A_726, %swap3A_727], %swap3A_730 {strides = array<i32>} : memref<8x50x64xf32, #tpu.memory_space<vmem>>, vector<1x1x16xf32>,
        %get3A_731 = arith.constant 7 : i32
        %get3A_732 = arith.index_cast %get3A_731 : i32 to index
        %get3A_733 = arith.index_cast %scan3A_678 : i32 to index
        %get3A_734 = arith.constant 48 : index
        %get3A_735 = tpu.vector_load %arg8[%get3A_732, %get3A_733, %get3A_734] {strides = array<i32>} : memref<8x50x64xf32, #tpu.memory_space<vmem>>, vector<1x1x16xf32>,
        %get3A_736 = vector.shape_cast %get3A_735 : vector<1x1x16xf32> to vector<16xf32>
        %get3A_737 = arith.index_cast %scan3A_678 : i32 to index
        %get3A_738 = arith.constant 48 : index
        %get3A_739 = tpu.vector_load %arg7[%get3A_737, %get3A_738] {strides = array<i32>} : memref<64x64xf32, #tpu.memory_space<vmem>>, vector<1x16xf32>,
        %get3A_740 = vector.shape_cast %get3A_739 : vector<1x16xf32> to vector<16xf32>
        %add3A_741 = arith.addf %get3A_736, %get3A_740 : vector<16xf32>
        %swap3A_742 = arith.constant 7 : i32
        %swap3A_743 = arith.index_cast %swap3A_742 : i32 to index
        %swap3A_744 = arith.index_cast %scan3A_678 : i32 to index
        %swap3A_745 = arith.constant 48 : index
        %swap3A_746 = tpu.vector_load %arg8[%swap3A_743, %swap3A_744, %swap3A_745] {strides = array<i32>} : memref<8x50x64xf32, #tpu.memory_space<vmem>>, vector<1x1x16xf32>,
        %swap3A_747 = vector.shape_cast %swap3A_746 : vector<1x1x16xf32> to vector<16xf32>
        %swap3A_748 = vector.shape_cast %add3A_741 : vector<16xf32> to vector<1x1x16xf32>
        tpu.vector_store %arg8[%swap3A_743, %swap3A_744, %swap3A_745], %swap3A_748 {strides = array<i32>} : memref<8x50x64xf32, #tpu.memory_space<vmem>>, vector<1x1x16xf32>,
      }
      %scan3A_649 = arith.constant 50 : i32
      %add3A_650 = arith.addi %mul3A_2, %add3A_629 : i32
      %dma_start3A_651 = arith.constant 7 : i32
      %dma_start3A_652 = arith.constant 7 : i32
      %dma_start3A_653 = arith.constant 0 : i32
      %dma_start3A_654 = arith.constant 0 : i32
      %dma_start3A_655 = tpu.memref_slice %arg8[%dma_start3A_651, %dma_start3A_653, %dma_start3A_654] : memref<8x50x64xf32, #tpu.memory_space<vmem>> -> memref<1x50x64xf32, #tpu.memory_space<vmem>>
      %dma_start3A_656 = tpu.memref_squeeze %dma_start3A_655 : memref<1x50x64xf32, #tpu.memory_space<vmem>> -> memref<50x64xf32, #tpu.memory_space<vmem>>
      %dma_start3A_657 = arith.constant 0 : i32
      %dma_start3A_658 = arith.constant 0 : i32
      %dma_start3A_659 = tpu.memref_slice %arg5[%add3A_650, %dma_start3A_657, %dma_start3A_658] : memref<4096x50x64xf32, #tpu.memory_space<hbm>> -> memref<1x50x64xf32, #tpu.memory_space<hbm>>
      %dma_start3A_660 = tpu.memref_squeeze %dma_start3A_659 : memref<1x50x64xf32, #tpu.memory_space<hbm>> -> memref<50x64xf32, #tpu.memory_space<hbm>>
      %dma_start3A_661 = tpu.memref_slice %arg10[%dma_start3A_652] : memref<8x!tpu.dma_semaphore, #tpu.memory_space<semaphore_mem>> -> memref<1x!tpu.dma_semaphore, #tpu.memory_space<semaphore_mem>>
      %dma_start3A_662 = tpu.memref_squeeze %dma_start3A_661 : memref<1x!tpu.dma_semaphore, #tpu.memory_space<semaphore_mem>> -> memref<!tpu.dma_semaphore, #tpu.memory_space<semaphore_mem>>
      %dma_start3A_663 = arith.constant 0 : i32
      %dma_start3A_664 = arith.constant 0 : i32
      %dma_start3A_665 = tpu.memref_slice %arg5[%add3A_650, %dma_start3A_663, %dma_start3A_664] : memref<4096x50x64xf32, #tpu.memory_space<hbm>> -> memref<1x50x64xf32, #tpu.memory_space<hbm>>
      %dma_start3A_666 = tpu.memref_squeeze %dma_start3A_665 : memref<1x50x64xf32, #tpu.memory_space<hbm>> -> memref<50x64xf32, #tpu.memory_space<hbm>>
      %dma_start3A_667 = arith.constant 0 : i32
      %dma_start3A_668 = arith.constant 0 : i32
      %dma_start3A_669 = tpu.memref_slice %arg8[%dma_start3A_651, %dma_start3A_667, %dma_start3A_668] : memref<8x50x64xf32, #tpu.memory_space<vmem>> -> memref<1x50x64xf32, #tpu.memory_space<vmem>>
      %dma_start3A_670 = tpu.memref_squeeze %dma_start3A_669 : memref<1x50x64xf32, #tpu.memory_space<vmem>> -> memref<50x64xf32, #tpu.memory_space<vmem>>
      tpu.enqueue_dma source(%dma_start3A_670 : memref<50x64xf32, #tpu.memory_space<vmem>>) target(%dma_start3A_666 : memref<50x64xf32, #tpu.memory_space<hbm>>) target_semaphore(%dma_start3A_662 : memref<!tpu.dma_semaphore, #tpu.memory_space<semaphore_mem>>)
      %add3A_671 = arith.constant 6 : i32
      %add3A_672 = arith.addi %add3A_629, %add3A_671 : i32
      %lt3A_673 = arith.constant 128 : i32
      %lt3A_674 = arith.cmpi slt, %add3A_672, %lt3A_673 : i32
      %convert_element_type3A_675 = arith.extui %lt3A_674 : i1 to i32
      %cond3A_676 = arith.constant 0 : i32
      %cond3A_677 = arith.cmpi ne, %convert_element_type3A_675, %cond3A_676 : i32
      scf.if %cond3A_677 {
        %ge3A = arith.constant 2 : i32
        %ge3A_678 = arith.cmpi sge, %add3A_629, %ge3A : i32
        %convert_element_type3A_679 = arith.extui %ge3A_678 : i1 to i32
        %cond3A_680 = arith.constant 0 : i32
        %cond3A_681 = arith.cmpi ne, %convert_element_type3A_679, %cond3A_680 : i32
        scf.if %cond3A_681 {
          %dma_wait3A_698 = arith.constant 5 : i32
          %dma_wait3A_699 = arith.constant 0 : i32
          %dma_wait3A_700 = arith.constant 5 : i32
          %dma_wait3A_701 = arith.constant 0 : i32
          %dma_wait3A_702 = arith.constant 0 : i32
          %dma_wait3A_703 = tpu.memref_slice %arg8[%dma_wait3A_698, %dma_wait3A_701, %dma_wait3A_702] : memref<8x50x64xf32, #tpu.memory_space<vmem>> -> memref<1x50x64xf32, #tpu.memory_space<vmem>>
          %dma_wait3A_704 = tpu.memref_squeeze %dma_wait3A_703 : memref<1x50x64xf32, #tpu.memory_space<vmem>> -> memref<50x64xf32, #tpu.memory_space<vmem>>
          %dma_wait3A_705 = arith.constant 0 : i32
          %dma_wait3A_706 = arith.constant 0 : i32
          %dma_wait3A_707 = tpu.memref_slice %arg5[%dma_wait3A_699, %dma_wait3A_705, %dma_wait3A_706] : memref<4096x50x64xf32, #tpu.memory_space<hbm>> -> memref<1x50x64xf32, #tpu.memory_space<hbm>>
          %dma_wait3A_708 = tpu.memref_squeeze %dma_wait3A_707 : memref<1x50x64xf32, #tpu.memory_space<hbm>> -> memref<50x64xf32, #tpu.memory_space<hbm>>
          %dma_wait3A_709 = tpu.memref_slice %arg10[%dma_wait3A_700] : memref<8x!tpu.dma_semaphore, #tpu.memory_space<semaphore_mem>> -> memref<1x!tpu.dma_semaphore, #tpu.memory_space<semaphore_mem>>
          %dma_wait3A_710 = tpu.memref_squeeze %dma_wait3A_709 : memref<1x!tpu.dma_semaphore, #tpu.memory_space<semaphore_mem>> -> memref<!tpu.dma_semaphore, #tpu.memory_space<semaphore_mem>>
          %dma_wait3A_711 = arith.constant 0 : i32
          %dma_wait3A_712 = arith.constant 0 : i32
          %dma_wait3A_713 = tpu.memref_slice %arg5[%dma_wait3A_699, %dma_wait3A_711, %dma_wait3A_712] : memref<4096x50x64xf32, #tpu.memory_space<hbm>> -> memref<1x50x64xf32, #tpu.memory_space<hbm>>
          %dma_wait3A_714 = tpu.memref_squeeze %dma_wait3A_713 : memref<1x50x64xf32, #tpu.memory_space<hbm>> -> memref<50x64xf32, #tpu.memory_space<hbm>>
          %dma_wait3A_715 = arith.constant 0 : i32
          %dma_wait3A_716 = arith.constant 0 : i32
          %dma_wait3A_717 = tpu.memref_slice %arg8[%dma_wait3A_698, %dma_wait3A_715, %dma_wait3A_716] : memref<8x50x64xf32, #tpu.memory_space<vmem>> -> memref<1x50x64xf32, #tpu.memory_space<vmem>>
          %dma_wait3A_718 = tpu.memref_squeeze %dma_wait3A_717 : memref<1x50x64xf32, #tpu.memory_space<vmem>> -> memref<50x64xf32, #tpu.memory_space<vmem>>
          tpu.wait_dma2 semaphore(%dma_wait3A_710 : memref<!tpu.dma_semaphore, #tpu.memory_space<semaphore_mem>>) src(%dma_wait3A_718 : memref<50x64xf32, #tpu.memory_space<vmem>>) dst(%dma_wait3A_714 : memref<50x64xf32, #tpu.memory_space<hbm>>)
        } else {
        }
        %add3A_682 = arith.constant 6 : i32
        %add3A_683 = arith.addi %add3A_629, %add3A_682 : i32
        %dma_start3A_684 = arith.constant 5 : i32
        %dma_start3A_685 = arith.constant 5 : i32
        %dma_start3A_686 = arith.constant 0 : i32
        %dma_start3A_687 = arith.constant 0 : i32
        %dma_start3A_688 = tpu.memref_slice %arg8[%dma_start3A_684, %dma_start3A_686, %dma_start3A_687] : memref<8x50x64xf32, #tpu.memory_space<vmem>> -> memref<1x50x64xf32, #tpu.memory_space<vmem>>
        %dma_start3A_689 = tpu.memref_squeeze %dma_start3A_688 : memref<1x50x64xf32, #tpu.memory_space<vmem>> -> memref<50x64xf32, #tpu.memory_space<vmem>>
        %dma_start3A_690 = arith.constant 0 : i32
        %dma_start3A_691 = tpu.memref_slice %arg6[%add3A_683, %dma_start3A_690] : memref<128x50xi32, #tpu.memory_space<vmem>> -> memref<1x50xi32, #tpu.memory_space<vmem>>
        %dma_start3A_692 = tpu.memref_squeeze %dma_start3A_691 : memref<1x50xi32, #tpu.memory_space<vmem>> -> memref<50xi32, #tpu.memory_space<vmem>>
        %dma_start3A_693 = arith.constant 0 : i32
        %dma_start3A_694 = arith.constant 0 : i32
        %dma_start3A_695 = tpu.memref_slice %arg3[%dma_start3A_693, %dma_start3A_694] : memref<1000000x64xf32, #tpu.memory_space<hbm>> -> memref<1000000x64xf32, #tpu.memory_space<hbm>>
        %dma_start3A_696 = tpu.memref_slice %arg9[%dma_start3A_685] : memref<8x!tpu.dma_semaphore, #tpu.memory_space<semaphore_mem>> -> memref<1x!tpu.dma_semaphore, #tpu.memory_space<semaphore_mem>>
        %dma_start3A_697 = tpu.memref_squeeze %dma_start3A_696 : memref<1x!tpu.dma_semaphore, #tpu.memory_space<semaphore_mem>> -> memref<!tpu.dma_semaphore, #tpu.memory_space<semaphore_mem>>
        tpu.enqueue_indirect_dma source(%dma_start3A_695 : memref<1000000x64xf32, #tpu.memory_space<hbm>>) target(%dma_start3A_689 : memref<50x64xf32, #tpu.memory_space<vmem>>) offsets(%dma_start3A_692 : memref<50xi32, #tpu.memory_space<vmem>>) semaphore(%dma_start3A_697 : memref<!tpu.dma_semaphore, #tpu.memory_space<semaphore_mem>>)
      } else {
      }
    }
    %scan3A_96 = arith.constant 16 : i32
    %dma_wait3A = arith.constant 0 : i32
    %dma_wait3A_97 = arith.constant 0 : i32
    %dma_wait3A_98 = arith.constant 0 : i32
    %dma_wait3A_99 = arith.constant 0 : i32
    %dma_wait3A_100 = arith.constant 0 : i32
    %dma_wait3A_101 = tpu.memref_slice %arg8[%dma_wait3A, %dma_wait3A_99, %dma_wait3A_100] : memref<8x50x64xf32, #tpu.memory_space<vmem>> -> memref<1x50x64xf32, #tpu.memory_space<vmem>>
    %dma_wait3A_102 = tpu.memref_squeeze %dma_wait3A_101 : memref<1x50x64xf32, #tpu.memory_space<vmem>> -> memref<50x64xf32, #tpu.memory_space<vmem>>
    %dma_wait3A_103 = arith.constant 0 : i32
    %dma_wait3A_104 = arith.constant 0 : i32
    %dma_wait3A_105 = tpu.memref_slice %arg5[%dma_wait3A_97, %dma_wait3A_103, %dma_wait3A_104] : memref<4096x50x64xf32, #tpu.memory_space<hbm>> -> memref<1x50x64xf32, #tpu.memory_space<hbm>>
    %dma_wait3A_106 = tpu.memref_squeeze %dma_wait3A_105 : memref<1x50x64xf32, #tpu.memory_space<hbm>> -> memref<50x64xf32, #tpu.memory_space<hbm>>
    %dma_wait3A_107 = tpu.memref_slice %arg10[%dma_wait3A_98] : memref<8x!tpu.dma_semaphore, #tpu.memory_space<semaphore_mem>> -> memref<1x!tpu.dma_semaphore, #tpu.memory_space<semaphore_mem>>
    %dma_wait3A_108 = tpu.memref_squeeze %dma_wait3A_107 : memref<1x!tpu.dma_semaphore, #tpu.memory_space<semaphore_mem>> -> memref<!tpu.dma_semaphore, #tpu.memory_space<semaphore_mem>>
    %dma_wait3A_109 = arith.constant 0 : i32
    %dma_wait3A_110 = arith.constant 0 : i32
    %dma_wait3A_111 = tpu.memref_slice %arg5[%dma_wait3A_97, %dma_wait3A_109, %dma_wait3A_110] : memref<4096x50x64xf32, #tpu.memory_space<hbm>> -> memref<1x50x64xf32, #tpu.memory_space<hbm>>
    %dma_wait3A_112 = tpu.memref_squeeze %dma_wait3A_111 : memref<1x50x64xf32, #tpu.memory_space<hbm>> -> memref<50x64xf32, #tpu.memory_space<hbm>>
    %dma_wait3A_113 = arith.constant 0 : i32
    %dma_wait3A_114 = arith.constant 0 : i32
    %dma_wait3A_115 = tpu.memref_slice %arg8[%dma_wait3A, %dma_wait3A_113, %dma_wait3A_114] : memref<8x50x64xf32, #tpu.memory_space<vmem>> -> memref<1x50x64xf32, #tpu.memory_space<vmem>>
    %dma_wait3A_116 = tpu.memref_squeeze %dma_wait3A_115 : memref<1x50x64xf32, #tpu.memory_space<vmem>> -> memref<50x64xf32, #tpu.memory_space<vmem>>
    tpu.wait_dma2 semaphore(%dma_wait3A_108 : memref<!tpu.dma_semaphore, #tpu.memory_space<semaphore_mem>>) src(%dma_wait3A_116 : memref<50x64xf32, #tpu.memory_space<vmem>>) dst(%dma_wait3A_112 : memref<50x64xf32, #tpu.memory_space<hbm>>)
    %dma_wait3A_117 = arith.constant 1 : i32
    %dma_wait3A_118 = arith.constant 0 : i32
    %dma_wait3A_119 = arith.constant 1 : i32
    %dma_wait3A_120 = arith.constant 0 : i32
    %dma_wait3A_121 = arith.constant 0 : i32
    %dma_wait3A_122 = tpu.memref_slice %arg8[%dma_wait3A_117, %dma_wait3A_120, %dma_wait3A_121] : memref<8x50x64xf32, #tpu.memory_space<vmem>> -> memref<1x50x64xf32, #tpu.memory_space<vmem>>
    %dma_wait3A_123 = tpu.memref_squeeze %dma_wait3A_122 : memref<1x50x64xf32, #tpu.memory_space<vmem>> -> memref<50x64xf32, #tpu.memory_space<vmem>>
    %dma_wait3A_124 = arith.constant 0 : i32
    %dma_wait3A_125 = arith.constant 0 : i32
    %dma_wait3A_126 = tpu.memref_slice %arg5[%dma_wait3A_118, %dma_wait3A_124, %dma_wait3A_125] : memref<4096x50x64xf32, #tpu.memory_space<hbm>> -> memref<1x50x64xf32, #tpu.memory_space<hbm>>
    %dma_wait3A_127 = tpu.memref_squeeze %dma_wait3A_126 : memref<1x50x64xf32, #tpu.memory_space<hbm>> -> memref<50x64xf32, #tpu.memory_space<hbm>>
    %dma_wait3A_128 = tpu.memref_slice %arg10[%dma_wait3A_119] : memref<8x!tpu.dma_semaphore, #tpu.memory_space<semaphore_mem>> -> memref<1x!tpu.dma_semaphore, #tpu.memory_space<semaphore_mem>>
    %dma_wait3A_129 = tpu.memref_squeeze %dma_wait3A_128 : memref<1x!tpu.dma_semaphore, #tpu.memory_space<semaphore_mem>> -> memref<!tpu.dma_semaphore, #tpu.memory_space<semaphore_mem>>
    %dma_wait3A_130 = arith.constant 0 : i32
    %dma_wait3A_131 = arith.constant 0 : i32
    %dma_wait3A_132 = tpu.memref_slice %arg5[%dma_wait3A_118, %dma_wait3A_130, %dma_wait3A_131] : memref<4096x50x64xf32, #tpu.memory_space<hbm>> -> memref<1x50x64xf32, #tpu.memory_space<hbm>>
    %dma_wait3A_133 = tpu.memref_squeeze %dma_wait3A_132 : memref<1x50x64xf32, #tpu.memory_space<hbm>> -> memref<50x64xf32, #tpu.memory_space<hbm>>
    %dma_wait3A_134 = arith.constant 0 : i32
    %dma_wait3A_135 = arith.constant 0 : i32
    %dma_wait3A_136 = tpu.memref_slice %arg8[%dma_wait3A_117, %dma_wait3A_134, %dma_wait3A_135] : memref<8x50x64xf32, #tpu.memory_space<vmem>> -> memref<1x50x64xf32, #tpu.memory_space<vmem>>
    %dma_wait3A_137 = tpu.memref_squeeze %dma_wait3A_136 : memref<1x50x64xf32, #tpu.memory_space<vmem>> -> memref<50x64xf32, #tpu.memory_space<vmem>>
    tpu.wait_dma2 semaphore(%dma_wait3A_129 : memref<!tpu.dma_semaphore, #tpu.memory_space<semaphore_mem>>) src(%dma_wait3A_137 : memref<50x64xf32, #tpu.memory_space<vmem>>) dst(%dma_wait3A_133 : memref<50x64xf32, #tpu.memory_space<hbm>>)
    %dma_wait3A_138 = arith.constant 2 : i32
    %dma_wait3A_139 = arith.constant 0 : i32
    %dma_wait3A_140 = arith.constant 2 : i32
    %dma_wait3A_141 = arith.constant 0 : i32
    %dma_wait3A_142 = arith.constant 0 : i32
    %dma_wait3A_143 = tpu.memref_slice %arg8[%dma_wait3A_138, %dma_wait3A_141, %dma_wait3A_142] : memref<8x50x64xf32, #tpu.memory_space<vmem>> -> memref<1x50x64xf32, #tpu.memory_space<vmem>>
    %dma_wait3A_144 = tpu.memref_squeeze %dma_wait3A_143 : memref<1x50x64xf32, #tpu.memory_space<vmem>> -> memref<50x64xf32, #tpu.memory_space<vmem>>
    %dma_wait3A_145 = arith.constant 0 : i32
    %dma_wait3A_146 = arith.constant 0 : i32
    %dma_wait3A_147 = tpu.memref_slice %arg5[%dma_wait3A_139, %dma_wait3A_145, %dma_wait3A_146] : memref<4096x50x64xf32, #tpu.memory_space<hbm>> -> memref<1x50x64xf32, #tpu.memory_space<hbm>>
    %dma_wait3A_148 = tpu.memref_squeeze %dma_wait3A_147 : memref<1x50x64xf32, #tpu.memory_space<hbm>> -> memref<50x64xf32, #tpu.memory_space<hbm>>
    %dma_wait3A_149 = tpu.memref_slice %arg10[%dma_wait3A_140] : memref<8x!tpu.dma_semaphore, #tpu.memory_space<semaphore_mem>> -> memref<1x!tpu.dma_semaphore, #tpu.memory_space<semaphore_mem>>
    %dma_wait3A_150 = tpu.memref_squeeze %dma_wait3A_149 : memref<1x!tpu.dma_semaphore, #tpu.memory_space<semaphore_mem>> -> memref<!tpu.dma_semaphore, #tpu.memory_space<semaphore_mem>>
    %dma_wait3A_151 = arith.constant 0 : i32
    %dma_wait3A_152 = arith.constant 0 : i32
    %dma_wait3A_153 = tpu.memref_slice %arg5[%dma_wait3A_139, %dma_wait3A_151, %dma_wait3A_152] : memref<4096x50x64xf32, #tpu.memory_space<hbm>> -> memref<1x50x64xf32, #tpu.memory_space<hbm>>
    %dma_wait3A_154 = tpu.memref_squeeze %dma_wait3A_153 : memref<1x50x64xf32, #tpu.memory_space<hbm>> -> memref<50x64xf32, #tpu.memory_space<hbm>>
    %dma_wait3A_155 = arith.constant 0 : i32
    %dma_wait3A_156 = arith.constant 0 : i32
    %dma_wait3A_157 = tpu.memref_slice %arg8[%dma_wait3A_138, %dma_wait3A_155, %dma_wait3A_156] : memref<8x50x64xf32, #tpu.memory_space<vmem>> -> memref<1x50x64xf32, #tpu.memory_space<vmem>>
    %dma_wait3A_158 = tpu.memref_squeeze %dma_wait3A_157 : memref<1x50x64xf32, #tpu.memory_space<vmem>> -> memref<50x64xf32, #tpu.memory_space<vmem>>
    tpu.wait_dma2 semaphore(%dma_wait3A_150 : memref<!tpu.dma_semaphore, #tpu.memory_space<semaphore_mem>>) src(%dma_wait3A_158 : memref<50x64xf32, #tpu.memory_space<vmem>>) dst(%dma_wait3A_154 : memref<50x64xf32, #tpu.memory_space<hbm>>)
    %dma_wait3A_159 = arith.constant 3 : i32
    %dma_wait3A_160 = arith.constant 0 : i32
    %dma_wait3A_161 = arith.constant 3 : i32
    %dma_wait3A_162 = arith.constant 0 : i32
    %dma_wait3A_163 = arith.constant 0 : i32
    %dma_wait3A_164 = tpu.memref_slice %arg8[%dma_wait3A_159, %dma_wait3A_162, %dma_wait3A_163] : memref<8x50x64xf32, #tpu.memory_space<vmem>> -> memref<1x50x64xf32, #tpu.memory_space<vmem>>
    %dma_wait3A_165 = tpu.memref_squeeze %dma_wait3A_164 : memref<1x50x64xf32, #tpu.memory_space<vmem>> -> memref<50x64xf32, #tpu.memory_space<vmem>>
    %dma_wait3A_166 = arith.constant 0 : i32
    %dma_wait3A_167 = arith.constant 0 : i32
    %dma_wait3A_168 = tpu.memref_slice %arg5[%dma_wait3A_160, %dma_wait3A_166, %dma_wait3A_167] : memref<4096x50x64xf32, #tpu.memory_space<hbm>> -> memref<1x50x64xf32, #tpu.memory_space<hbm>>
    %dma_wait3A_169 = tpu.memref_squeeze %dma_wait3A_168 : memref<1x50x64xf32, #tpu.memory_space<hbm>> -> memref<50x64xf32, #tpu.memory_space<hbm>>
    %dma_wait3A_170 = tpu.memref_slice %arg10[%dma_wait3A_161] : memref<8x!tpu.dma_semaphore, #tpu.memory_space<semaphore_mem>> -> memref<1x!tpu.dma_semaphore, #tpu.memory_space<semaphore_mem>>
    %dma_wait3A_171 = tpu.memref_squeeze %dma_wait3A_170 : memref<1x!tpu.dma_semaphore, #tpu.memory_space<semaphore_mem>> -> memref<!tpu.dma_semaphore, #tpu.memory_space<semaphore_mem>>
    %dma_wait3A_172 = arith.constant 0 : i32
    %dma_wait3A_173 = arith.constant 0 : i32
    %dma_wait3A_174 = tpu.memref_slice %arg5[%dma_wait3A_160, %dma_wait3A_172, %dma_wait3A_173] : memref<4096x50x64xf32, #tpu.memory_space<hbm>> -> memref<1x50x64xf32, #tpu.memory_space<hbm>>
    %dma_wait3A_175 = tpu.memref_squeeze %dma_wait3A_174 : memref<1x50x64xf32, #tpu.memory_space<hbm>> -> memref<50x64xf32, #tpu.memory_space<hbm>>
    %dma_wait3A_176 = arith.constant 0 : i32
    %dma_wait3A_177 = arith.constant 0 : i32
    %dma_wait3A_178 = tpu.memref_slice %arg8[%dma_wait3A_159, %dma_wait3A_176, %dma_wait3A_177] : memref<8x50x64xf32, #tpu.memory_space<vmem>> -> memref<1x50x64xf32, #tpu.memory_space<vmem>>
    %dma_wait3A_179 = tpu.memref_squeeze %dma_wait3A_178 : memref<1x50x64xf32, #tpu.memory_space<vmem>> -> memref<50x64xf32, #tpu.memory_space<vmem>>
    tpu.wait_dma2 semaphore(%dma_wait3A_171 : memref<!tpu.dma_semaphore, #tpu.memory_space<semaphore_mem>>) src(%dma_wait3A_179 : memref<50x64xf32, #tpu.memory_space<vmem>>) dst(%dma_wait3A_175 : memref<50x64xf32, #tpu.memory_space<hbm>>)
    %dma_wait3A_180 = arith.constant 4 : i32
    %dma_wait3A_181 = arith.constant 0 : i32
    %dma_wait3A_182 = arith.constant 4 : i32
    %dma_wait3A_183 = arith.constant 0 : i32
    %dma_wait3A_184 = arith.constant 0 : i32
    %dma_wait3A_185 = tpu.memref_slice %arg8[%dma_wait3A_180, %dma_wait3A_183, %dma_wait3A_184] : memref<8x50x64xf32, #tpu.memory_space<vmem>> -> memref<1x50x64xf32, #tpu.memory_space<vmem>>
    %dma_wait3A_186 = tpu.memref_squeeze %dma_wait3A_185 : memref<1x50x64xf32, #tpu.memory_space<vmem>> -> memref<50x64xf32, #tpu.memory_space<vmem>>
    %dma_wait3A_187 = arith.constant 0 : i32
    %dma_wait3A_188 = arith.constant 0 : i32
    %dma_wait3A_189 = tpu.memref_slice %arg5[%dma_wait3A_181, %dma_wait3A_187, %dma_wait3A_188] : memref<4096x50x64xf32, #tpu.memory_space<hbm>> -> memref<1x50x64xf32, #tpu.memory_space<hbm>>
    %dma_wait3A_190 = tpu.memref_squeeze %dma_wait3A_189 : memref<1x50x64xf32, #tpu.memory_space<hbm>> -> memref<50x64xf32, #tpu.memory_space<hbm>>
    %dma_wait3A_191 = tpu.memref_slice %arg10[%dma_wait3A_182] : memref<8x!tpu.dma_semaphore, #tpu.memory_space<semaphore_mem>> -> memref<1x!tpu.dma_semaphore, #tpu.memory_space<semaphore_mem>>
    %dma_wait3A_192 = tpu.memref_squeeze %dma_wait3A_191 : memref<1x!tpu.dma_semaphore, #tpu.memory_space<semaphore_mem>> -> memref<!tpu.dma_semaphore, #tpu.memory_space<semaphore_mem>>
    %dma_wait3A_193 = arith.constant 0 : i32
    %dma_wait3A_194 = arith.constant 0 : i32
    %dma_wait3A_195 = tpu.memref_slice %arg5[%dma_wait3A_181, %dma_wait3A_193, %dma_wait3A_194] : memref<4096x50x64xf32, #tpu.memory_space<hbm>> -> memref<1x50x64xf32, #tpu.memory_space<hbm>>
    %dma_wait3A_196 = tpu.memref_squeeze %dma_wait3A_195 : memref<1x50x64xf32, #tpu.memory_space<hbm>> -> memref<50x64xf32, #tpu.memory_space<hbm>>
    %dma_wait3A_197 = arith.constant 0 : i32
    %dma_wait3A_198 = arith.constant 0 : i32
    %dma_wait3A_199 = tpu.memref_slice %arg8[%dma_wait3A_180, %dma_wait3A_197, %dma_wait3A_198] : memref<8x50x64xf32, #tpu.memory_space<vmem>> -> memref<1x50x64xf32, #tpu.memory_space<vmem>>
    %dma_wait3A_200 = tpu.memref_squeeze %dma_wait3A_199 : memref<1x50x64xf32, #tpu.memory_space<vmem>> -> memref<50x64xf32, #tpu.memory_space<vmem>>
    tpu.wait_dma2 semaphore(%dma_wait3A_192 : memref<!tpu.dma_semaphore, #tpu.memory_space<semaphore_mem>>) src(%dma_wait3A_200 : memref<50x64xf32, #tpu.memory_space<vmem>>) dst(%dma_wait3A_196 : memref<50x64xf32, #tpu.memory_space<hbm>>)
    %dma_wait3A_201 = arith.constant 5 : i32
    %dma_wait3A_202 = arith.constant 0 : i32
    %dma_wait3A_203 = arith.constant 5 : i32
    %dma_wait3A_204 = arith.constant 0 : i32
    %dma_wait3A_205 = arith.constant 0 : i32
    %dma_wait3A_206 = tpu.memref_slice %arg8[%dma_wait3A_201, %dma_wait3A_204, %dma_wait3A_205] : memref<8x50x64xf32, #tpu.memory_space<vmem>> -> memref<1x50x64xf32, #tpu.memory_space<vmem>>
    %dma_wait3A_207 = tpu.memref_squeeze %dma_wait3A_206 : memref<1x50x64xf32, #tpu.memory_space<vmem>> -> memref<50x64xf32, #tpu.memory_space<vmem>>
    %dma_wait3A_208 = arith.constant 0 : i32
    %dma_wait3A_209 = arith.constant 0 : i32
    %dma_wait3A_210 = tpu.memref_slice %arg5[%dma_wait3A_202, %dma_wait3A_208, %dma_wait3A_209] : memref<4096x50x64xf32, #tpu.memory_space<hbm>> -> memref<1x50x64xf32, #tpu.memory_space<hbm>>
    %dma_wait3A_211 = tpu.memref_squeeze %dma_wait3A_210 : memref<1x50x64xf32, #tpu.memory_space<hbm>> -> memref<50x64xf32, #tpu.memory_space<hbm>>
    %dma_wait3A_212 = tpu.memref_slice %arg10[%dma_wait3A_203] : memref<8x!tpu.dma_semaphore, #tpu.memory_space<semaphore_mem>> -> memref<1x!tpu.dma_semaphore, #tpu.memory_space<semaphore_mem>>
    %dma_wait3A_213 = tpu.memref_squeeze %dma_wait3A_212 : memref<1x!tpu.dma_semaphore, #tpu.memory_space<semaphore_mem>> -> memref<!tpu.dma_semaphore, #tpu.memory_space<semaphore_mem>>
    %dma_wait3A_214 = arith.constant 0 : i32
    %dma_wait3A_215 = arith.constant 0 : i32
    %dma_wait3A_216 = tpu.memref_slice %arg5[%dma_wait3A_202, %dma_wait3A_214, %dma_wait3A_215] : memref<4096x50x64xf32, #tpu.memory_space<hbm>> -> memref<1x50x64xf32, #tpu.memory_space<hbm>>
    %dma_wait3A_217 = tpu.memref_squeeze %dma_wait3A_216 : memref<1x50x64xf32, #tpu.memory_space<hbm>> -> memref<50x64xf32, #tpu.memory_space<hbm>>
    %dma_wait3A_218 = arith.constant 0 : i32
    %dma_wait3A_219 = arith.constant 0 : i32
    %dma_wait3A_220 = tpu.memref_slice %arg8[%dma_wait3A_201, %dma_wait3A_218, %dma_wait3A_219] : memref<8x50x64xf32, #tpu.memory_space<vmem>> -> memref<1x50x64xf32, #tpu.memory_space<vmem>>
    %dma_wait3A_221 = tpu.memref_squeeze %dma_wait3A_220 : memref<1x50x64xf32, #tpu.memory_space<vmem>> -> memref<50x64xf32, #tpu.memory_space<vmem>>
    tpu.wait_dma2 semaphore(%dma_wait3A_213 : memref<!tpu.dma_semaphore, #tpu.memory_space<semaphore_mem>>) src(%dma_wait3A_221 : memref<50x64xf32, #tpu.memory_space<vmem>>) dst(%dma_wait3A_217 : memref<50x64xf32, #tpu.memory_space<hbm>>)
    %dma_wait3A_222 = arith.constant 6 : i32
    %dma_wait3A_223 = arith.constant 0 : i32
    %dma_wait3A_224 = arith.constant 6 : i32
    %dma_wait3A_225 = arith.constant 0 : i32
    %dma_wait3A_226 = arith.constant 0 : i32
    %dma_wait3A_227 = tpu.memref_slice %arg8[%dma_wait3A_222, %dma_wait3A_225, %dma_wait3A_226] : memref<8x50x64xf32, #tpu.memory_space<vmem>> -> memref<1x50x64xf32, #tpu.memory_space<vmem>>
    %dma_wait3A_228 = tpu.memref_squeeze %dma_wait3A_227 : memref<1x50x64xf32, #tpu.memory_space<vmem>> -> memref<50x64xf32, #tpu.memory_space<vmem>>
    %dma_wait3A_229 = arith.constant 0 : i32
    %dma_wait3A_230 = arith.constant 0 : i32
    %dma_wait3A_231 = tpu.memref_slice %arg5[%dma_wait3A_223, %dma_wait3A_229, %dma_wait3A_230] : memref<4096x50x64xf32, #tpu.memory_space<hbm>> -> memref<1x50x64xf32, #tpu.memory_space<hbm>>
    %dma_wait3A_232 = tpu.memref_squeeze %dma_wait3A_231 : memref<1x50x64xf32, #tpu.memory_space<hbm>> -> memref<50x64xf32, #tpu.memory_space<hbm>>
    %dma_wait3A_233 = tpu.memref_slice %arg10[%dma_wait3A_224] : memref<8x!tpu.dma_semaphore, #tpu.memory_space<semaphore_mem>> -> memref<1x!tpu.dma_semaphore, #tpu.memory_space<semaphore_mem>>
    %dma_wait3A_234 = tpu.memref_squeeze %dma_wait3A_233 : memref<1x!tpu.dma_semaphore, #tpu.memory_space<semaphore_mem>> -> memref<!tpu.dma_semaphore, #tpu.memory_space<semaphore_mem>>
    %dma_wait3A_235 = arith.constant 0 : i32
    %dma_wait3A_236 = arith.constant 0 : i32
    %dma_wait3A_237 = tpu.memref_slice %arg5[%dma_wait3A_223, %dma_wait3A_235, %dma_wait3A_236] : memref<4096x50x64xf32, #tpu.memory_space<hbm>> -> memref<1x50x64xf32, #tpu.memory_space<hbm>>
    %dma_wait3A_238 = tpu.memref_squeeze %dma_wait3A_237 : memref<1x50x64xf32, #tpu.memory_space<hbm>> -> memref<50x64xf32, #tpu.memory_space<hbm>>
    %dma_wait3A_239 = arith.constant 0 : i32
    %dma_wait3A_240 = arith.constant 0 : i32
    %dma_wait3A_241 = tpu.memref_slice %arg8[%dma_wait3A_222, %dma_wait3A_239, %dma_wait3A_240] : memref<8x50x64xf32, #tpu.memory_space<vmem>> -> memref<1x50x64xf32, #tpu.memory_space<vmem>>
    %dma_wait3A_242 = tpu.memref_squeeze %dma_wait3A_241 : memref<1x50x64xf32, #tpu.memory_space<vmem>> -> memref<50x64xf32, #tpu.memory_space<vmem>>
    tpu.wait_dma2 semaphore(%dma_wait3A_234 : memref<!tpu.dma_semaphore, #tpu.memory_space<semaphore_mem>>) src(%dma_wait3A_242 : memref<50x64xf32, #tpu.memory_space<vmem>>) dst(%dma_wait3A_238 : memref<50x64xf32, #tpu.memory_space<hbm>>)
    %dma_wait3A_243 = arith.constant 7 : i32
    %dma_wait3A_244 = arith.constant 0 : i32
    %dma_wait3A_245 = arith.constant 7 : i32
    %dma_wait3A_246 = arith.constant 0 : i32
    %dma_wait3A_247 = arith.constant 0 : i32
    %dma_wait3A_248 = tpu.memref_slice %arg8[%dma_wait3A_243, %dma_wait3A_246, %dma_wait3A_247] : memref<8x50x64xf32, #tpu.memory_space<vmem>> -> memref<1x50x64xf32, #tpu.memory_space<vmem>>
    %dma_wait3A_249 = tpu.memref_squeeze %dma_wait3A_248 : memref<1x50x64xf32, #tpu.memory_space<vmem>> -> memref<50x64xf32, #tpu.memory_space<vmem>>
    %dma_wait3A_250 = arith.constant 0 : i32
    %dma_wait3A_251 = arith.constant 0 : i32
    %dma_wait3A_252 = tpu.memref_slice %arg5[%dma_wait3A_244, %dma_wait3A_250, %dma_wait3A_251] : memref<4096x50x64xf32, #tpu.memory_space<hbm>> -> memref<1x50x64xf32, #tpu.memory_space<hbm>>
    %dma_wait3A_253 = tpu.memref_squeeze %dma_wait3A_252 : memref<1x50x64xf32, #tpu.memory_space<hbm>> -> memref<50x64xf32, #tpu.memory_space<hbm>>
    %dma_wait3A_254 = tpu.memref_slice %arg10[%dma_wait3A_245] : memref<8x!tpu.dma_semaphore, #tpu.memory_space<semaphore_mem>> -> memref<1x!tpu.dma_semaphore, #tpu.memory_space<semaphore_mem>>
    %dma_wait3A_255 = tpu.memref_squeeze %dma_wait3A_254 : memref<1x!tpu.dma_semaphore, #tpu.memory_space<semaphore_mem>> -> memref<!tpu.dma_semaphore, #tpu.memory_space<semaphore_mem>>
    %dma_wait3A_256 = arith.constant 0 : i32
    %dma_wait3A_257 = arith.constant 0 : i32
    %dma_wait3A_258 = tpu.memref_slice %arg5[%dma_wait3A_244, %dma_wait3A_256, %dma_wait3A_257] : memref<4096x50x64xf32, #tpu.memory_space<hbm>> -> memref<1x50x64xf32, #tpu.memory_space<hbm>>
    %dma_wait3A_259 = tpu.memref_squeeze %dma_wait3A_258 : memref<1x50x64xf32, #tpu.memory_space<hbm>> -> memref<50x64xf32, #tpu.memory_space<hbm>>
    %dma_wait3A_260 = arith.constant 0 : i32
    %dma_wait3A_261 = arith.constant 0 : i32
    %dma_wait3A_262 = tpu.memref_slice %arg8[%dma_wait3A_243, %dma_wait3A_260, %dma_wait3A_261] : memref<8x50x64xf32, #tpu.memory_space<vmem>> -> memref<1x50x64xf32, #tpu.memory_space<vmem>>
    %dma_wait3A_263 = tpu.memref_squeeze %dma_wait3A_262 : memref<1x50x64xf32, #tpu.memory_space<vmem>> -> memref<50x64xf32, #tpu.memory_space<vmem>>
    tpu.wait_dma2 semaphore(%dma_wait3A_255 : memref<!tpu.dma_semaphore, #tpu.memory_space<semaphore_mem>>) src(%dma_wait3A_263 : memref<50x64xf32, #tpu.memory_space<vmem>>) dst(%dma_wait3A_259 : memref<50x64xf32, #tpu.memory_space<hbm>>)
    return
  }
}

</mosaic_0001>

<sc_bundles>
// kernel: kernel.3.cloned.1.call-start
scs
__scs_entry_jumppad:
0x0: {  	(pc) =	sbr.rel $0x88, $3  }
0x1: {  	(tag) =	ssettag $0x0;
	lr =	simm.s32 $0x1  }
0x2: {  	[smem:$0x3F9E] =	sst lr;
	_ =	strace $0xD0000000  }
0x3: {  	_ = 	snop  }
0x4: {  	_ = 	snop  }
0x5: {  	_ = 	snop  }
0x6: {  	_ = 	snop  }
0x7: {  	_ = 	snop  }
__scs_overlays_trampoline_lowered:
0x8: {  	[smem:$0x3FAD] =	sst s0  }
0x9: {  	[smem:$0x3FAE] =	sst s1  }
0xa: {  	[smem:$0x3FAF] =	sst s2  }
0xb: {  	[smem:$0x3FB0] =	sst s3  }
0xc: {  	[smem:$0x3FB1] =	sst s4  }
0xd: {  	[smem:$0x3FB2] =	sst s5  }
0xe: {  	[smem:$0x3FB3] =	sst s6  }
0xf: {  	[smem:$0x3FB4] =	sst s7  }
0x10: {  	[smem:$0x3FB5] =	sst s8  }
0x11: {  	[smem:$0x3FB6] =	sst s9;
	s0 =	simm.s32 @!p0 $0x0  }
0x12: {  	s1 =	sld [smem:$0x3F9C];
	s0 =	simm.s32 @p0 $0x1  }
0x13: {  	[smem:$0x3FB7] =	sst s0;
	s0 =	simm.s32 @!p1 $0x0  }
0x14: {  	s2 =	sld [smem:$0x3F9B];
	s0 =	simm.s32 @p1 $0x1  }
0x15: {  	[smem:$0x3FB8] =	sst s0;
	s0 =	simm.s32 @!p2 $0x0  }
0x16: {  	s3 =	sld [smem:$0x3FDB];
	s0 =	simm.s32 @p2 $0x1  }
0x17: {  	s4 =	simm.s32 $0x1BF5;
	[smem:$0x3FBA] =	sst s0  }
0x18: {  	s0 =	sld [smem:$0x3F9D];
	_ =	swait.ge [sflag:s4], $0x0  }
0x19: {  	s7 =	sld [smem:$0x3F9E]  }
0x1a: {  	s8 =	sadd.s32 $0xFFFFE003, lr  }
0x1b: {  	s9 =	sadd.s32 $0xFFFFFEF7, lr;
	s5 =	simm.s32 $0xFFFFFFFF;
	p2 =	slt.u32 s8, $0xFFFFF086  }
0x1c: {  	p1 =	slt.u32 s9, $0xF7A;
	s5 =	simm.s32 @!p2 $0x0  }
0x1d: {  	s5 =	simm.s32 @p1 $0x1;
	p0 =	seq.s32 s7, s2  }
0x1e: {  	s7 =	smul.u32 @!p0 $0xF7A, s2;
	p2 =	seq.s32 @!p0 s5, $0x0  }
0x1f: {  	s9 =	smul.u32 $0xF7A, s1;
	s8 =	simm.s32 @!p0 $0x1BF5;
	p2 =	por !p2, p0  }
0x20: {  	[sflag:s8] =	ssyncset.s32 @!p0 $0xFFFFF086;
	s6 =	sadd.s32 @!p0 s3, s7;
	s7 =	simm.s32 @!p0 $0x108  }
0x21: {  	s3 =	sadd.s32 s3, s9;
	s6 =	sadd.s32 @!p0 $0x88, s6;
	s7 =	simm.s32 @p2 $0x1082  }
0x22: {  	[simem:s7], [sflag:s8] =	dma.local @!p0 [hbm:s6], $0xF7A  }
0x23: {  	s9 =	sor.u32 $0xD0000000, s2;
	s6 =	simm.s32 $0x108;
	_ =	swait.ge @!p0 [sflag:s8], $0x0  }
0x24: {  	s3 =	sadd.s32 $0x88, s3;
	s6 =	simm.s32 @!p1 $0x1082;
	[sflag:s4] =	ssyncset.s32 $0xFFFFF086  }
0x25: {  	[simem:s6], [sflag:s4] =	dma.local [hbm:s3], $0xF7A  }
0x26: {  	[smem:$0x3F9E] =	sst s1;
	(tag) =	ssettag s2;
	_ =	strace s9  }
0x27: {  	s1 =	sld [smem:$0x3FAE]  }
0x28: {  	s2 =	sld [smem:$0x3FAF]  }
0x29: {  	s4 =	sld [smem:$0x3FB1]  }
0x2a: {  	p0 =	seq.s32 s5, $0x0;
	s5 =	sld [smem:$0x3FB2]  }
0x2b: {  	s6 =	sld [smem:$0x3FB3]  }
0x2c: {  	s7 =	sld [smem:$0x3FB4]  }
0x2d: {  	s3 =	simm.s32 $0x108;
	s8 =	sld [smem:$0x3FB5]  }
0x2e: {  	s3 =	simm.s32 @!p0 $0x1082;
	s9 =	sld [smem:$0x3FB6]  }
0x2f: {  	lr =	sadd.s32 s0, s3;
	s0 =	sld [smem:$0x3FAD]  }
0x30: {  	s3 =	sld [smem:$0x3FB0]  }
0x31: {  	[smem:$0x3FB9] =	sst s10  }
0x32: {  	s10 =	sld [smem:$0x3FB7];
	_ =	sdelay $0x3  }
0x33: {  	p0 =	seq.s32 s10, $0x1;
	s10 =	sld [smem:$0x3FB9];
	_ =	sdelay $0x3  }
0x34: {  	[smem:$0x3FB9] =	sst s10  }
0x35: {  	s10 =	sld [smem:$0x3FB8];
	_ =	sdelay $0x3  }
0x36: {  	p1 =	seq.s32 s10, $0x1;
	s10 =	sld [smem:$0x3FB9];
	_ =	sdelay $0x3  }
0x37: {  	[smem:$0x3FB9] =	sst s10  }
0x38: {  	s10 =	sld [smem:$0x3FBA]  }
0x39: {  	_ = 	snop;
	(pc) =	sbr.ind lr, $3  }
0x3a: {  	_ = 	snop  }
0x3b: {  	_ = 	snop  }
0x3c: {  	p2 =	seq.s32 s10, $0x1;
	s10 =	sld [smem:$0x3FB9]  }
0x3d: {  	_ =	shalt  }
0x3e: {  	_ =	shalt  }
0x3f: {  	_ =	shalt  }
0x40: {  	_ =	shalt  }
0x41: {  	_ =	shalt  }
0x42: {  	_ =	shalt  }
0x43: {  	_ =	shalt  }
0x44: {  	_ =	shalt  }
0x45: {  	_ =	shalt  }
0x46: {  	_ =	shalt  }
0x47: {  	_ =	shalt  }
0x48: {  	_ =	shalt  }
0x49: {  	_ =	shalt  }
0x4a: {  	_ =	shalt  }
0x4b: {  	_ =	shalt  }
0x4c: {  	_ =	shalt  }
0x4d: {  	_ =	shalt  }
0x4e: {  	_ =	shalt  }
0x4f: {  	_ =	shalt  }
0x50: {  	_ =	shalt  }
0x51: {  	_ =	shalt  }
0x52: {  	_ =	shalt  }
0x53: {  	_ =	shalt  }
0x54: {  	_ =	shalt  }
0x55: {  	_ =	shalt  }
0x56: {  	_ =	shalt  }
0x57: {  	_ =	shalt  }
0x58: {  	_ =	shalt  }
0x59: {  	_ =	shalt  }
0x5a: {  	_ =	shalt  }
0x5b: {  	_ =	shalt  }
0x5c: {  	_ =	shalt  }
0x5d: {  	_ =	shalt  }
0x5e: {  	_ =	shalt  }
0x5f: {  	_ =	shalt  }
0x60: {  	_ =	shalt  }
0x61: {  	_ =	shalt  }
0x62: {  	_ =	shalt  }
0x63: {  	_ =	shalt  }
0x64: {  	_ =	shalt  }
0x65: {  	_ =	shalt  }
0x66: {  	_ =	shalt  }
0x67: {  	_ =	shalt  }
0x68: {  	_ =	shalt  }
0x69: {  	_ =	shalt  }
0x6a: {  	_ =	shalt  }
0x6b: {  	_ =	shalt  }
0x6c: {  	_ =	shalt  }
0x6d: {  	_ =	shalt  }
0x6e: {  	_ =	shalt  }
0x6f: {  	_ =	shalt  }
0x70: {  	_ =	shalt  }
0x71: {  	_ =	shalt  }
0x72: {  	_ =	shalt  }
0x73: {  	_ =	shalt  }
0x74: {  	_ =	shalt  }
0x75: {  	_ =	shalt  }
0x76: {  	_ =	shalt  }
0x77: {  	_ =	shalt  }
0x78: {  	_ =	shalt  }
0x79: {  	_ =	shalt  }
0x7a: {  	_ =	shalt  }
0x7b: {  	_ =	shalt  }
0x7c: {  	_ =	shalt  }
0x7d: {  	_ =	shalt  }
0x7e: {  	_ =	shalt  }
0x7f: {  	_ =	shalt  }
0x80: {  	_ =	shalt  }
0x81: {  	_ =	shalt  }
0x82: {  	_ =	shalt  }
0x83: {  	_ =	shalt  }
0x84: {  	_ =	shalt  }
0x85: {  	_ =	shalt  }
0x86: {  	_ =	shalt  }
0x87: {  	_ =	shalt  }
.Lfunc_end0:
.L_simem_size_0:
called_computation.1_lowered:
.L_overlay_start_0:
0x88: {  	s2 =	sld [smem:$0x3FD9]  }
0x89: {  	s3 =	sld [smem:$0x3FFE];
	_ =	sdelay $0x1  }
0x8a: {  	s1 =	srdreg.scid  }
0x8b: {  	s0 =	sand.u32 $0x1, s1  }
0x8c: {  	s17 =	sshll.u32 s0, $0xA;
	s2 =	sadd.s32 s3, s2  }
0x8d: {  	s2 =	sadd.s32 s2, s17  }
0x8e: {  	[smem:$0x3FC5] =	sst s2  }
0x8f: {  	_ = 	snop  }
0x90: {  	s2 =	sld [smem:$0x3FD0];
	(tm) =	ssettm $0x1  }
0x91: {  	s18 =	sld [smem:$0x3FFB];
	_ =	sdelay $0x3  }
0x92: {  	_ =	strace s18  }
0x93: {  	s3 =	sld [smem:$0x3FFC];
	_ =	sdelay $0x3  }
0x94: {  	_ =	strace s3  }
0x95: {  	s3 =	sld [smem:$0x3FFD];
	_ =	sdelay $0x3  }
0x96: {  	_ =	strace s3  }
0x97: {  	_ =	strace $0x8FFFFFFF  }
0x98: {  	s19 =	sld [smem:$0x3FDB];
	_ =	sdelay $0x1  }
0x99: {  	s4 =	simm.s32 $_scs_section_size  }
0x9a: {  	s5 =	simm.s32 $_size__tile_overlayer_lowered;
	s6 =	simm.s32 $_tile_overlayer_lowered  }
0x9b: {  	s22 =	simm.s32 $0x1BFF;
	s21 =	sshll.u32 s6, $0x1;
	s3 =	sadd.s32 s4, s19  }
0x9c: {  	s7 =	simm.s32 $0x0;
	s20 =	sshll.u32 s5, $0x1;
	s5 =	sadd.s32 s21, s3  }
0x9d: {  	[timem:s7], [sflag:s22] =	dma.local [hbm:s5], s20  }
0x9e: {  	_ =	swait.ge [sflag:s22], s20  }
0x9f: {  	s4 =	ssub.s32 $0x0, s20;
	[sflag:s22] =	ssyncset.done $0x0  }
0xa0: {  	[sflag:s22] =	ssyncadd.s32 s4;
	_ =	sdelay $0x1  }
0xa1: {  	s23 =	simm.s32 $0x1B8B  }
0xa2: {  	_ =	swait.ge [sflag:s23], $0x1  }
0xa3: {  	[sflag:s23] =	ssyncset.done $0x0  }
0xa4: {  	s25 =	simm.s32 $0x1B8E;
	s24 =	sld [smem:$0x3FFE];
	[sflag:s23] =	ssyncadd.s32 $0xFFFFFFFF  }
0xa5: {  	s26 =	simm.s32 $execute0_lowered;
	[smem:$0x3FD2] =	sst s25  }
0xa6: {  	s5 =	sshll.u32 s26, $0x1;
	_ =	strace $0x80000046;
	[dreg:$0x1] =	wrdreg $0xFFFFFFFF  }
0xa7: {  	s28 =	simm.s32 $_size_execute0_lowered;
	s3 =	sadd.s32 s3, s5;
	[dreg:$0x0] =	wrdreg $0x0  }
0xa8: {  	s5 =	sshll.u32 s28, $0x1;
	[dreg:$0x2] =	wrdreg s3  }
0xa9: {  	[dreg:$0x3] =	wrdreg s5  }
0xaa: {  	[dreg:$0x4] =	wrdreg $0xC0  }
0xab: {  	_ =	task [dreg:s7], $0x5FFFF  }
0xac: {  	[dreg:$0x1] =	wrdreg $0xFFFFFFFF  }
0xad: {  	[dreg:$0x0] =	wrdreg $0x60  }
0xae: {  	[dreg:$0x2] =	wrdreg s24  }
0xaf: {  	[dreg:$0x3] =	wrdreg s2  }
0xb0: {  	[dreg:$0x4] =	wrdreg $0x9  }
0xb1: {  	_ =	task.clear_ibuf [dreg:s7], $0x5FFFF;
	_ =	strace $0x90000046  }
0xb2: {  	s29 =	simm.s32 $0x9;
	_ =	strace $0x80000048  }
0xb3: {  	_ =	swait.ge [sflag:s29], $0x1  }
0xb4: {  	[sflag:s29] =	ssyncadd.s32 $0xFFFFFFFF  }
0xb5: {  	_ =	strace $0x90000048  }
0xb6: {  	_ =	sfence  }
0xb7: {  	s30 =	sld [smem:$0x0];
	_ =	sdelay $0x2  }
0xb8: {  	s31 =	sshll.u32 s1, $0xD;
	s1 =	sshrl.u32 s1, $0x2  }
0xb9: {  	s3 =	sand.u32 $0x4000, s31;
	s1 =	sadd.s32 s1, s30  }
0xba: {  	s0 =	sor.u32 s3, s0;
	s1 =	sshll.u32 s1, $0x11  }
0xbb: {  	s0 =	sor.u32 s1, s0  }
0xbc: {  	s0 =	sadd.s32 $0x8F2B, s0  }
0xbd: {  	[sflag:s0] =	ssyncadd.remote.s32 $0x1  }
0xbe: {  	_ =	sfence.sel $0xFFFF  }
0xbf: {  	[dreg:$0x0] =	wrdreg $0xFFFFFFFF;
	(pc) =	sbr.abs _section_cstart, $3  }
0xc0: {  	[dreg:$0x1] =	wrdreg $0xFFFFFFFF  }
0xc1: {  	_ =	task.clear_ibuf [dreg:s7], $0x2FFFF;
	_ =	strace $0x9FFFFFFF  }
0xc2: {  	(tm) =	ssettm $0x7FFFFFFF  }
0xc3: {  	_ =	shalt  }
tec
execute0_lowered:
.L_overlay_start_1:
0x0: {  	(tag) =	ssettag $0x1  }
0x1: {  	s0 =	srdreg.scid  }
0x2: {  	s2 =	stileid.u32;
	s1 =	rddreg [dreg:$0x0];
	s11 =	simm.s32 $0x32  }
0x3: {  	s12 =	simm.s32 $0x2C00;
	s14 =	simm.s32 $0x3880;
	s16 =	simm.s32 $0x4500  }
0x4: {  	s18 =	simm.s32 $0x5180;
	s20 =	simm.s32 $0x5E00;
	s22 =	simm.s32 $0x6A80  }
0x5: {  	s23 =	simm.s32 $0x1;
	s24 =	simm.s32 $0x7700;
	s25 =	simm.s32 $0x2  }
0x6: {  	s28 =	simm.s32 $0x3;
	s29 =	simm.s32 $0x4;
	s30 =	simm.s32 $0x5  }
0x7: {  	s31 =	simm.s32 $0x6;
	s21 =	simm.s32 $0xE;
	s8 =	simm.s32 $0x0  }
0x8: {  	s0 =	sand.u32 $0x1, s0;
	s3 =	sshll.u32 s2, $0x1;
	s2 =	rddreg [dreg:$0x1]  }
0x9: {  	s5 =	sor.u32 s0, s3;
	s3 =	simm.s32 $0x0;
	s0 =	ssub.s32 $0x2, s0  }
0xa: {  	s4 =	smul.u32 $0x380, s5;
	[smem:$0x7FF] =	sst s3;
	s6 =	sshrl.u32 s0, $0x1  }
.Ltmp0:
0xb: {  	_ =	strace $0x80000047;
	s0 =	ssub.s32 s0, s6;
	(pc) =	sbr.rel .LBB2_1-.Ltmp0, $4  }
0xc: {  	s7 =	sadd.s32 s4, s1;
	s4 =	sadd.s32 $0xF43000, s1;
	s1 =	sadd.s32 $0x7C00, s1  }
0xd: {  	s6 =	sshll.u32 s5, $0x7;
	s0 =	smax.u32 s0, $0x1;
	[dreg:$0x3] =	wrdreg s1  }
0xe: {  	s26 =	sadd.s32 $0xC00, s7;
	[dreg:$0x5] =	wrdreg s0;
	s1 =	simm.s32 $0x7  }
0xf: {  	s0 =	simm.s32 $0x8;
	[dreg:$0x4] =	wrdreg s26;
	s26 =	simm.s32 $0x8380  }
.LBB2_20:
0x10: {  	s5 =	simm.s32 $0x9  }
0x11: {  	_ =	swait.ge [sflag:s5], $0xC80  }
0x12: {  	[sflag:s5] =	ssyncset.done $0x0  }
0x13: {  	s9 =	simm.s32 $0xA;
	[sflag:s5] =	ssyncadd.s32 $0xFFFFF380  }
0x14: {  	_ =	swait.ge [sflag:s9], $0xC80  }
0x15: {  	[sflag:s9] =	ssyncset.done $0x0  }
0x16: {  	s10 =	simm.s32 $0xB;
	[sflag:s9] =	ssyncadd.s32 $0xFFFFF380  }
0x17: {  	_ =	swait.ge [sflag:s10], $0xC80  }
0x18: {  	[sflag:s10] =	ssyncset.done $0x0  }
0x19: {  	s13 =	simm.s32 $0xC;
	[sflag:s10] =	ssyncadd.s32 $0xFFFFF380  }
0x1a: {  	_ =	swait.ge [sflag:s13], $0xC80  }
0x1b: {  	[sflag:s13] =	ssyncset.done $0x0  }
0x1c: {  	s15 =	simm.s32 $0xD;
	[sflag:s13] =	ssyncadd.s32 $0xFFFFF380  }
0x1d: {  	_ =	swait.ge [sflag:s15], $0xC80  }
0x1e: {  	[sflag:s15] =	ssyncset.done $0x0  }
0x1f: {  	[sflag:s15] =	ssyncadd.s32 $0xFFFFF380  }
0x20: {  	_ =	swait.ge [sflag:s21], $0xC80  }
0x21: {  	[sflag:s21] =	ssyncset.done $0x0  }
0x22: {  	s17 =	simm.s32 $0xF;
	[sflag:s21] =	ssyncadd.s32 $0xFFFFF380  }
0x23: {  	_ =	swait.ge [sflag:s17], $0xC80  }
0x24: {  	[sflag:s17] =	ssyncset.done $0x0  }
0x25: {  	s7 =	simm.s32 $0x10;
	[sflag:s17] =	ssyncadd.s32 $0xFFFFF380  }
0x26: {  	_ =	swait.ge [sflag:s7], $0xC80  }
0x27: {  	s8 =	sadd.s32 $0x1, s8;
	s19 =	rddreg [dreg:$0x5]  }
0x28: {  	p0 =	sne.s32 s8, s19  }
.Ltmp1:
0x29: {  	_ = 	snop;
	(pc) =	sbr.rel @!p0 .LBB2_21-.Ltmp1, $3  }
0x2a: {  	_ =	sdelay $0x1  }
0x2b: {  	[sflag:s7] =	ssyncset.done $0x0  }
0x2c: {  	[sflag:s7] =	ssyncadd.s32 $0xFFFFF380  }
.LBB2_1:
0x2d: {  	s5 =	rddreg [dreg:$0x4];
	s7 =	simm.s32 $0x11  }
0x2e: {  	[tilespmem:s3], [sflag:$0x11] =	stream.linear.gather [hbm4b:s5+s3], $0x1C00, $0x38;
	[tilespmem:$0x9000] =	vst v63  }
0x2f: {  	_ =	swait.ge [sflag:s7], $0x1C00  }
0x30: {  	[sflag:s7] =	ssyncset.done $0x0  }
0x31: {  	s9 =	simm.s32 $0x1C00;
	s19 =	rddreg [dreg:$0x3];
	[sflag:s7] =	ssyncadd.s32 $0xFFFFE400  }
0x32: {  	[tilespmem:s9], [sflag:$0x11] =	stream.linear.gather [hbm4b:s19+s3], $0x1000, $0x38;
	[tilespmem:$0x9000] =	vst v63  }
0x33: {  	_ =	swait.ge [sflag:s7], $0x1000  }
0x34: {  	[sflag:s7] =	ssyncset.done $0x0  }
0x35: {  	[sflag:s7] =	ssyncadd.s32 $0xFFFFF000  }
0x36: {  	[tilespmem:s12], [sflag:$0x1] =	stream.indirect.gather [hbm4b:s4+s11], $0x40, s3, s11, $0xb8;
	[tilespmem:$0x9000] =	vst v63  }
0x37: {  	s10 =	simm.s32 $0x38  }
0x38: {  	[tilespmem:s14], [sflag:$0x2] =	stream.indirect.gather [hbm4b:s4+s11], $0x40, s10, s11, $0xb8;
	[tilespmem:$0x9000] =	vst v63  }
0x39: {  	s13 =	simm.s32 $0x70  }
0x3a: {  	[tilespmem:s16], [sflag:$0x3] =	stream.indirect.gather [hbm4b:s4+s11], $0x40, s13, s11, $0xb8;
	[tilespmem:$0x9000] =	vst v63  }
0x3b: {  	s15 =	simm.s32 $0xA8  }
0x3c: {  	[tilespmem:s18], [sflag:$0x4] =	stream.indirect.gather [hbm4b:s4+s11], $0x40, s15, s11, $0xb8;
	[tilespmem:$0x9000] =	vst v63  }
0x3d: {  	s17 =	simm.s32 $0xE0  }
0x3e: {  	[tilespmem:s20], [sflag:$0x5] =	stream.indirect.gather [hbm4b:s4+s11], $0x40, s17, s11, $0xb8;
	[tilespmem:$0x9000] =	vst v63  }
0x3f: {  	s19 =	simm.s32 $0x118;
	s10 =	simm.s32 $0x0  }
0x40: {  	[tilespmem:s22], [sflag:$0x6] =	stream.indirect.gather [hbm4b:s4+s11], $0x40, s19, s11, $0xb8;
	[tilespmem:$0x9000] =	vst v63  }
.LBB2_2:
0x41: {  	_ =	swait.ge [sflag:s23], $0xC80  }
0x42: {  	[sflag:s23] =	ssyncset.done $0x0  }
0x43: {  	s13 =	simm.s32 $0x0;
	[sflag:s23] =	ssyncadd.s32 $0xFFFFF380  }
0x44: {  	v5 =	vld [tilespmem:s13+$0x1C00]  }
0x45: {  	v6 =	vld [tilespmem:s13+$0x1C10]  }
0x46: {  	v1 =	vld [tilespmem:s13+$0x1C20]  }
0x47: {  	v0 =	vld [tilespmem:s13+$0x1C30]  }
0x48: {  	v3 =	vld [tilespmem:s13+$0x2C00]  }
0x49: {  	v4 =	vld [tilespmem:s13+$0x2C10]  }
0x4a: {  	s5 =	simm.s32 $0x100;
	v2 =	vld [tilespmem:s13+$0x2C20]  }
.LBB2_3:
0x4b: {  	s7 =	sshra.s32 s5, $0x2;
	p0 =	sne.s32 s5, $0x3100;
	v7 =	vld [tilespmem:s13+$0x2C30];
	v8 =	vmov v1  }
0x4c: {  	v9 =	vld [tilespmem:s7+$0x1C00];
	v10 =	vmov v0  }
0x4d: {  	v11 =	vld [tilespmem:s7+$0x1C10];
	v3 =	vadd.f32 v5, v3  }
.Ltmp2:
0x4e: {  	v1 =	vld [tilespmem:s7+$0x1C20];
	v4 =	vadd.f32 v6, v4;
	(pc) =	sbr.rel @p0 .LBB2_3-.Ltmp2, $4  }
0x4f: {  	v0 =	vld [tilespmem:s7+$0x1C30];
	[tilespmem:s13+$0x2C00] =	vst v3;
	v2 =	vadd.f32 v8, v2  }
0x50: {  	v3 =	vld [tilespmem:s7+$0x2C00];
	[tilespmem:s13+$0x2C10] =	vst v4;
	v7 =	vadd.f32 v10, v7  }
0x51: {  	v4 =	vld [tilespmem:s7+$0x2C10];
	[tilespmem:s13+$0x2C20] =	vst v2;
	v5 =	vmov v9  }
0x52: {  	s5 =	sadd.s32 $0x100, s5;
	v2 =	vld [tilespmem:s7+$0x2C20];
	[tilespmem:s13+$0x2C30] =	vst v7;
	v6 =	vmov v11;
	s13 =	smov.u32 s7  }
0x53: {  	v7 =	vld [tilespmem:s13+$0x2C30];
	_ =	sdelay $0x1  }
0x54: {  	v3 =	vadd.f32 v5, v3  }
0x55: {  	s15 =	sshll.u32 s10, $0x3;
	v4 =	vadd.f32 v6, v4  }
0x56: {  	s5 =	sadd.s32 s6, s15;
	[tilespmem:s13+$0x2C00] =	vst v3;
	v1 =	vadd.f32 v1, v2  }
0x57: {  	s5 =	smul.u32 $0x190, s5;
	[tilespmem:s13+$0x2C10] =	vst v4;
	v0 =	vadd.f32 v0, v7  }
0x58: {  	[tilespmem:s13+$0x2C20] =	vst v1  }
0x59: {  	p0 =	seq.s32 s10, $0x0;
	s5 =	sadd.s32 s2, s5;
	[tilespmem:s13+$0x2C30] =	vst v0  }
0x5a: {  	[hbm4b:s5+s3] =	stream.linear.scatter [tilespmem:s12], [sflag:$0x9], $0xC80, $0x38;
	[tilespmem:$0x9000] =	vst v63  }
0x5b: {  	s13 =	sor.u32 $0x6, s15;
	s5 =	simm.s32 @!p0 $0xF  }
0x5c: {  	s7 =	smul.u32 $0xE0, s13;
	_ =	swait.ge @!p0 [sflag:s5], $0xC80  }
0x5d: {  	[sflag:s5] =	ssyncset.done @!p0 $0x0  }
0x5e: {  	s19 =	sshra.s32 s7, $0x2;
	[sflag:s5] =	ssyncadd.s32 @!p0 $0xFFFFF380  }
0x5f: {  	[tilespmem:s24], [sflag:$0x7] =	stream.indirect.gather [hbm4b:s4+s11], $0x40, s19, s11, $0xb8;
	[tilespmem:$0x9000] =	vst v63  }
0x60: {  	_ =	swait.ge [sflag:s25], $0xC80  }
0x61: {  	[sflag:s25] =	ssyncset.done $0x0  }
0x62: {  	s19 =	simm.s32 $0x0;
	[sflag:s25] =	ssyncadd.s32 $0xFFFFF380  }
0x63: {  	v5 =	vld [tilespmem:s19+$0x1C00]  }
0x64: {  	v6 =	vld [tilespmem:s19+$0x1C10]  }
0x65: {  	v1 =	vld [tilespmem:s19+$0x1C20]  }
0x66: {  	v0 =	vld [tilespmem:s19+$0x1C30]  }
0x67: {  	v3 =	vld [tilespmem:s19+$0x3880]  }
0x68: {  	v4 =	vld [tilespmem:s19+$0x3890]  }
0x69: {  	s5 =	simm.s32 $0x100;
	v2 =	vld [tilespmem:s19+$0x38A0]  }
.LBB2_5:
0x6a: {  	s7 =	sshra.s32 s5, $0x2;
	p1 =	sne.s32 s5, $0x3100;
	v7 =	vld [tilespmem:s19+$0x38B0];
	v8 =	vmov v1  }
0x6b: {  	v9 =	vld [tilespmem:s7+$0x1C00];
	v10 =	vmov v0  }
0x6c: {  	v11 =	vld [tilespmem:s7+$0x1C10];
	v3 =	vadd.f32 v5, v3  }
.Ltmp3:
0x6d: {  	v1 =	vld [tilespmem:s7+$0x1C20];
	v4 =	vadd.f32 v6, v4;
	(pc) =	sbr.rel @p1 .LBB2_5-.Ltmp3, $4  }
0x6e: {  	v0 =	vld [tilespmem:s7+$0x1C30];
	[tilespmem:s19+$0x3880] =	vst v3;
	v2 =	vadd.f32 v8, v2  }
0x6f: {  	v3 =	vld [tilespmem:s7+$0x3880];
	[tilespmem:s19+$0x3890] =	vst v4;
	v7 =	vadd.f32 v10, v7  }
0x70: {  	v4 =	vld [tilespmem:s7+$0x3890];
	[tilespmem:s19+$0x38A0] =	vst v2;
	v5 =	vmov v9  }
0x71: {  	s5 =	sadd.s32 $0x100, s5;
	v2 =	vld [tilespmem:s7+$0x38A0];
	[tilespmem:s19+$0x38B0] =	vst v7;
	v6 =	vmov v11;
	s19 =	smov.u32 s7  }
0x72: {  	v7 =	vld [tilespmem:s19+$0x38B0];
	_ =	sdelay $0x1  }
0x73: {  	v3 =	vadd.f32 v5, v3  }
0x74: {  	s5 =	sadd.s32 s15, s6;
	v4 =	vadd.f32 v6, v4  }
0x75: {  	s5 =	smul.u32 $0x190, s5;
	[tilespmem:s19+$0x3880] =	vst v3;
	v1 =	vadd.f32 v1, v2  }
0x76: {  	[tilespmem:s19+$0x3890] =	vst v4;
	v0 =	vadd.f32 v0, v7  }
0x77: {  	s17 =	sadd.s32 s2, s5;
	[tilespmem:s19+$0x38A0] =	vst v1  }
0x78: {  	s5 =	sadd.s32 $0x190, s17;
	[tilespmem:s19+$0x38B0] =	vst v0  }
0x79: {  	[hbm4b:s5+s3] =	stream.linear.scatter [tilespmem:s14], [sflag:$0xA], $0xC80, $0x38;
	[tilespmem:$0x9000] =	vst v63  }
0x7a: {  	s15 =	sor.u32 $0x7, s15;
	s5 =	simm.s32 @!p0 $0x10  }
0x7b: {  	s7 =	smul.u32 $0xE0, s15;
	_ =	swait.ge @!p0 [sflag:s5], $0xC80  }
0x7c: {  	[sflag:s5] =	ssyncset.done @!p0 $0x0  }
0x7d: {  	s19 =	sshra.s32 s7, $0x2;
	[sflag:s5] =	ssyncadd.s32 @!p0 $0xFFFFF380  }
0x7e: {  	[tilespmem:s26], [sflag:$0x8] =	stream.indirect.gather [hbm4b:s4+s11], $0x40, s19, s11, $0xb8;
	[tilespmem:$0x9000] =	vst v63  }
0x7f: {  	_ =	swait.ge [sflag:s28], $0xC80  }
0x80: {  	[sflag:s28] =	ssyncset.done $0x0  }
0x81: {  	s19 =	simm.s32 $0x0;
	[sflag:s28] =	ssyncadd.s32 $0xFFFFF380  }
0x82: {  	v5 =	vld [tilespmem:s19+$0x1C00]  }
0x83: {  	v6 =	vld [tilespmem:s19+$0x1C10]  }
0x84: {  	v1 =	vld [tilespmem:s19+$0x1C20]  }
0x85: {  	v0 =	vld [tilespmem:s19+$0x1C30]  }
0x86: {  	v2 =	vld [tilespmem:s19+$0x4500]  }
0x87: {  	v4 =	vld [tilespmem:s19+$0x4510]  }
0x88: {  	s5 =	simm.s32 $0x100;
	v3 =	vld [tilespmem:s19+$0x4520]  }
.LBB2_7:
0x89: {  	s7 =	sshra.s32 s5, $0x2;
	p0 =	sne.s32 s5, $0x3100;
	v7 =	vld [tilespmem:s19+$0x4530];
	v8 =	vmov v1  }
0x8a: {  	v9 =	vld [tilespmem:s7+$0x1C00];
	v10 =	vmov v0  }
0x8b: {  	v11 =	vld [tilespmem:s7+$0x1C10];
	v2 =	vadd.f32 v5, v2  }
.Ltmp4:
0x8c: {  	v1 =	vld [tilespmem:s7+$0x1C20];
	v4 =	vadd.f32 v6, v4;
	(pc) =	sbr.rel @p0 .LBB2_7-.Ltmp4, $4  }
0x8d: {  	v0 =	vld [tilespmem:s7+$0x1C30];
	[tilespmem:s19+$0x4500] =	vst v2;
	v3 =	vadd.f32 v8, v3  }
0x8e: {  	v2 =	vld [tilespmem:s7+$0x4500];
	[tilespmem:s19+$0x4510] =	vst v4;
	v7 =	vadd.f32 v10, v7  }
0x8f: {  	v4 =	vld [tilespmem:s7+$0x4510];
	[tilespmem:s19+$0x4520] =	vst v3;
	v5 =	vmov v9  }
0x90: {  	s5 =	sadd.s32 $0x100, s5;
	v3 =	vld [tilespmem:s7+$0x4520];
	[tilespmem:s19+$0x4530] =	vst v7;
	v6 =	vmov v11;
	s19 =	smov.u32 s7  }
0x91: {  	v7 =	vld [tilespmem:s19+$0x4530];
	_ =	sdelay $0x1  }
0x92: {  	v2 =	vadd.f32 v5, v2  }
0x93: {  	v4 =	vadd.f32 v6, v4  }
0x94: {  	[tilespmem:s19+$0x4500] =	vst v2;
	v1 =	vadd.f32 v1, v3  }
0x95: {  	[tilespmem:s19+$0x4510] =	vst v4;
	v0 =	vadd.f32 v0, v7  }
0x96: {  	[tilespmem:s19+$0x4520] =	vst v1  }
0x97: {  	s5 =	sadd.s32 $0x320, s17;
	p0 =	seq.s32 s10, $0xF;
	[tilespmem:s19+$0x4530] =	vst v0  }
0x98: {  	[hbm4b:s5+s3] =	stream.linear.scatter [tilespmem:s16], [sflag:$0xB], $0xC80, $0x38;
	[tilespmem:$0x9000] =	vst v63  }
0x99: {  	s7 =	smul.u32 @!p0 $0x700, s10;
	s5 =	simm.s32 @!p0 $0x9  }
0x9a: {  	_ =	swait.ge @!p0 [sflag:s5], $0xC80  }
0x9b: {  	s9 =	simm.s32 @!p0 $0x2C00;
	s19 =	sshra.s32 @!p0 s7, $0x2;
	[sflag:s5] =	ssyncset.done @!p0 $0x0  }
0x9c: {  	s7 =	simm.s32 @!p0 $0x32;
	[sflag:s5] =	ssyncadd.s32 @!p0 $0xFFFFF380;
	s5 =	sadd.s32 @!p0 $0x1C0, s19  }
0x9d: {  	[tilespmem:s9], [sflag:$0x1] =	stream.indirect.gather @!p0 [hbm4b:s4+s7], $0x40, s5, s7, $0xb8;
	[tilespmem:$0x9000] =	vst v63  }
0x9e: {  	_ =	swait.ge [sflag:s29], $0xC80  }
0x9f: {  	[sflag:s29] =	ssyncset.done $0x0  }
0xa0: {  	s5 =	simm.s32 $0x0;
	[sflag:s29] =	ssyncadd.s32 $0xFFFFF380  }
0xa1: {  	v5 =	vld [tilespmem:s5+$0x1C00]  }
0xa2: {  	v6 =	vld [tilespmem:s5+$0x1C10]  }
0xa3: {  	v1 =	vld [tilespmem:s5+$0x1C20]  }
0xa4: {  	v0 =	vld [tilespmem:s5+$0x1C30]  }
0xa5: {  	v2 =	vld [tilespmem:s5+$0x5180]  }
0xa6: {  	v4 =	vld [tilespmem:s5+$0x5190]  }
0xa7: {  	s7 =	simm.s32 $0x100;
	v3 =	vld [tilespmem:s5+$0x51A0]  }
.LBB2_9:
0xa8: {  	s9 =	sshra.s32 s7, $0x2;
	p1 =	sne.s32 s7, $0x3100;
	v7 =	vld [tilespmem:s5+$0x51B0];
	v8 =	vmov v1  }
0xa9: {  	v9 =	vld [tilespmem:s9+$0x1C00];
	v10 =	vmov v0  }
0xaa: {  	v11 =	vld [tilespmem:s9+$0x1C10];
	v2 =	vadd.f32 v5, v2  }
.Ltmp5:
0xab: {  	v1 =	vld [tilespmem:s9+$0x1C20];
	v4 =	vadd.f32 v6, v4;
	(pc) =	sbr.rel @p1 .LBB2_9-.Ltmp5, $4  }
0xac: {  	v0 =	vld [tilespmem:s9+$0x1C30];
	[tilespmem:s5+$0x5180] =	vst v2;
	v3 =	vadd.f32 v8, v3  }
0xad: {  	v2 =	vld [tilespmem:s9+$0x5180];
	[tilespmem:s5+$0x5190] =	vst v4;
	v7 =	vadd.f32 v10, v7  }
0xae: {  	v4 =	vld [tilespmem:s9+$0x5190];
	[tilespmem:s5+$0x51A0] =	vst v3;
	v5 =	vmov v9  }
0xaf: {  	s7 =	sadd.s32 $0x100, s7;
	v3 =	vld [tilespmem:s9+$0x51A0];
	[tilespmem:s5+$0x51B0] =	vst v7;
	v6 =	vmov v11;
	s5 =	smov.u32 s9  }
0xb0: {  	v7 =	vld [tilespmem:s5+$0x51B0];
	_ =	sdelay $0x1  }
0xb1: {  	v2 =	vadd.f32 v5, v2  }
0xb2: {  	v4 =	vadd.f32 v6, v4  }
0xb3: {  	[tilespmem:s5+$0x5180] =	vst v2;
	v1 =	vadd.f32 v1, v3  }
0xb4: {  	[tilespmem:s5+$0x5190] =	vst v4;
	v0 =	vadd.f32 v0, v7  }
0xb5: {  	[tilespmem:s5+$0x51A0] =	vst v1  }
0xb6: {  	s9 =	sadd.s32 $0x4B0, s17;
	[tilespmem:s5+$0x51B0] =	vst v0;
	s5 =	simm.s32 @!p0 $0xA  }
0xb7: {  	[hbm4b:s9+s3] =	stream.linear.scatter [tilespmem:s18], [sflag:$0xC], $0xC80, $0x38;
	[tilespmem:$0x9000] =	vst v63  }
0xb8: {  	_ =	swait.ge @!p0 [sflag:s5], $0xC80  }
0xb9: {  	s7 =	simm.s32 @!p0 $0x32;
	[sflag:s5] =	ssyncset.done @!p0 $0x0  }
0xba: {  	s9 =	simm.s32 @!p0 $0x3880;
	[sflag:s5] =	ssyncadd.s32 @!p0 $0xFFFFF380;
	s5 =	sadd.s32 @!p0 $0x1F8, s19  }
0xbb: {  	[tilespmem:s9], [sflag:$0x2] =	stream.indirect.gather @!p0 [hbm4b:s4+s7], $0x40, s5, s7, $0xb8;
	[tilespmem:$0x9000] =	vst v63  }
0xbc: {  	_ =	swait.ge [sflag:s30], $0xC80  }
0xbd: {  	[sflag:s30] =	ssyncset.done $0x0  }
0xbe: {  	s5 =	simm.s32 $0x0;
	[sflag:s30] =	ssyncadd.s32 $0xFFFFF380  }
0xbf: {  	v5 =	vld [tilespmem:s5+$0x1C00]  }
0xc0: {  	v6 =	vld [tilespmem:s5+$0x1C10]  }
0xc1: {  	v1 =	vld [tilespmem:s5+$0x1C20]  }
0xc2: {  	v0 =	vld [tilespmem:s5+$0x1C30]  }
0xc3: {  	v2 =	vld [tilespmem:s5+$0x5E00]  }
0xc4: {  	v4 =	vld [tilespmem:s5+$0x5E10]  }
0xc5: {  	s7 =	simm.s32 $0x100;
	v3 =	vld [tilespmem:s5+$0x5E20]  }
.LBB2_11:
0xc6: {  	s9 =	sshra.s32 s7, $0x2;
	p1 =	sne.s32 s7, $0x3100;
	v7 =	vld [tilespmem:s5+$0x5E30];
	v8 =	vmov v1  }
0xc7: {  	v9 =	vld [tilespmem:s9+$0x1C00];
	v10 =	vmov v0  }
0xc8: {  	v11 =	vld [tilespmem:s9+$0x1C10];
	v2 =	vadd.f32 v5, v2  }
.Ltmp6:
0xc9: {  	v1 =	vld [tilespmem:s9+$0x1C20];
	v4 =	vadd.f32 v6, v4;
	(pc) =	sbr.rel @p1 .LBB2_11-.Ltmp6, $4  }
0xca: {  	v0 =	vld [tilespmem:s9+$0x1C30];
	[tilespmem:s5+$0x5E00] =	vst v2;
	v3 =	vadd.f32 v8, v3  }
0xcb: {  	v2 =	vld [tilespmem:s9+$0x5E00];
	[tilespmem:s5+$0x5E10] =	vst v4;
	v7 =	vadd.f32 v10, v7  }
0xcc: {  	v4 =	vld [tilespmem:s9+$0x5E10];
	[tilespmem:s5+$0x5E20] =	vst v3;
	v5 =	vmov v9  }
0xcd: {  	s7 =	sadd.s32 $0x100, s7;
	v3 =	vld [tilespmem:s9+$0x5E20];
	[tilespmem:s5+$0x5E30] =	vst v7;
	v6 =	vmov v11;
	s5 =	smov.u32 s9  }
0xce: {  	v7 =	vld [tilespmem:s5+$0x5E30];
	_ =	sdelay $0x1  }
0xcf: {  	v2 =	vadd.f32 v5, v2  }
0xd0: {  	v4 =	vadd.f32 v6, v4  }
0xd1: {  	[tilespmem:s5+$0x5E00] =	vst v2;
	v1 =	vadd.f32 v1, v3  }
0xd2: {  	[tilespmem:s5+$0x5E10] =	vst v4;
	v0 =	vadd.f32 v0, v7  }
0xd3: {  	[tilespmem:s5+$0x5E20] =	vst v1  }
0xd4: {  	s9 =	sadd.s32 $0x640, s17;
	[tilespmem:s5+$0x5E30] =	vst v0;
	s5 =	simm.s32 @!p0 $0xB  }
0xd5: {  	[hbm4b:s9+s3] =	stream.linear.scatter [tilespmem:s20], [sflag:$0xD], $0xC80, $0x38;
	[tilespmem:$0x9000] =	vst v63  }
0xd6: {  	_ =	swait.ge @!p0 [sflag:s5], $0xC80  }
0xd7: {  	s7 =	simm.s32 @!p0 $0x32;
	[sflag:s5] =	ssyncset.done @!p0 $0x0  }
0xd8: {  	s9 =	simm.s32 @!p0 $0x4500;
	[sflag:s5] =	ssyncadd.s32 @!p0 $0xFFFFF380;
	s5 =	sadd.s32 @!p0 $0x230, s19  }
0xd9: {  	[tilespmem:s9], [sflag:$0x3] =	stream.indirect.gather @!p0 [hbm4b:s4+s7], $0x40, s5, s7, $0xb8;
	[tilespmem:$0x9000] =	vst v63  }
0xda: {  	_ =	swait.ge [sflag:s31], $0xC80  }
0xdb: {  	[sflag:s31] =	ssyncset.done $0x0  }
0xdc: {  	s5 =	simm.s32 $0x0;
	[sflag:s31] =	ssyncadd.s32 $0xFFFFF380  }
0xdd: {  	v5 =	vld [tilespmem:s5+$0x1C00]  }
0xde: {  	v6 =	vld [tilespmem:s5+$0x1C10]  }
0xdf: {  	v1 =	vld [tilespmem:s5+$0x1C20]  }
0xe0: {  	v0 =	vld [tilespmem:s5+$0x1C30]  }
0xe1: {  	v2 =	vld [tilespmem:s5+$0x6A80]  }
0xe2: {  	v4 =	vld [tilespmem:s5+$0x6A90]  }
0xe3: {  	s7 =	simm.s32 $0x100;
	v3 =	vld [tilespmem:s5+$0x6AA0]  }
.LBB2_13:
0xe4: {  	s9 =	sshra.s32 s7, $0x2;
	p1 =	sne.s32 s7, $0x3100;
	v7 =	vld [tilespmem:s5+$0x6AB0];
	v8 =	vmov v1  }
0xe5: {  	v9 =	vld [tilespmem:s9+$0x1C00];
	v10 =	vmov v0  }
0xe6: {  	v11 =	vld [tilespmem:s9+$0x1C10];
	v2 =	vadd.f32 v5, v2  }
.Ltmp7:
0xe7: {  	v1 =	vld [tilespmem:s9+$0x1C20];
	v4 =	vadd.f32 v6, v4;
	(pc) =	sbr.rel @p1 .LBB2_13-.Ltmp7, $4  }
0xe8: {  	v0 =	vld [tilespmem:s9+$0x1C30];
	[tilespmem:s5+$0x6A80] =	vst v2;
	v3 =	vadd.f32 v8, v3  }
0xe9: {  	v2 =	vld [tilespmem:s9+$0x6A80];
	[tilespmem:s5+$0x6A90] =	vst v4;
	v7 =	vadd.f32 v10, v7  }
0xea: {  	v4 =	vld [tilespmem:s9+$0x6A90];
	[tilespmem:s5+$0x6AA0] =	vst v3;
	v5 =	vmov v9  }
0xeb: {  	s7 =	sadd.s32 $0x100, s7;
	v3 =	vld [tilespmem:s9+$0x6AA0];
	[tilespmem:s5+$0x6AB0] =	vst v7;
	v6 =	vmov v11;
	s5 =	smov.u32 s9  }
0xec: {  	v7 =	vld [tilespmem:s5+$0x6AB0];
	_ =	sdelay $0x1  }
0xed: {  	v2 =	vadd.f32 v5, v2  }
0xee: {  	v4 =	vadd.f32 v6, v4  }
0xef: {  	[tilespmem:s5+$0x6A80] =	vst v2;
	v1 =	vadd.f32 v1, v3  }
0xf0: {  	[tilespmem:s5+$0x6A90] =	vst v4;
	v0 =	vadd.f32 v0, v7  }
0xf1: {  	[tilespmem:s5+$0x6AA0] =	vst v1  }
0xf2: {  	s17 =	sadd.s32 $0x7D0, s17;
	[tilespmem:s5+$0x6AB0] =	vst v0;
	s5 =	simm.s32 @!p0 $0xC  }
0xf3: {  	[hbm4b:s17+s3] =	stream.linear.scatter [tilespmem:s22], [sflag:$0xE], $0xC80, $0x38;
	[tilespmem:$0x9000] =	vst v63  }
0xf4: {  	_ =	swait.ge @!p0 [sflag:s5], $0xC80  }
0xf5: {  	s7 =	simm.s32 @!p0 $0x32;
	[sflag:s5] =	ssyncset.done @!p0 $0x0  }
0xf6: {  	s9 =	simm.s32 @!p0 $0x5180;
	[sflag:s5] =	ssyncadd.s32 @!p0 $0xFFFFF380;
	s5 =	sadd.s32 @!p0 $0x268, s19  }
0xf7: {  	[tilespmem:s9], [sflag:$0x4] =	stream.indirect.gather @!p0 [hbm4b:s4+s7], $0x40, s5, s7, $0xb8;
	[tilespmem:$0x9000] =	vst v63  }
0xf8: {  	_ =	swait.ge [sflag:s1], $0xC80  }
0xf9: {  	[sflag:s1] =	ssyncset.done $0x0  }
0xfa: {  	s17 =	simm.s32 $0x0;
	[sflag:s1] =	ssyncadd.s32 $0xFFFFF380  }
0xfb: {  	v5 =	vld [tilespmem:s17+$0x1C00]  }
0xfc: {  	v6 =	vld [tilespmem:s17+$0x1C10]  }
0xfd: {  	v1 =	vld [tilespmem:s17+$0x1C20]  }
0xfe: {  	v0 =	vld [tilespmem:s17+$0x1C30]  }
0xff: {  	v2 =	vld [tilespmem:s17+$0x7700]  }
0x100: {  	v4 =	vld [tilespmem:s17+$0x7710]  }
0x101: {  	s5 =	simm.s32 $0x100;
	v3 =	vld [tilespmem:s17+$0x7720]  }
.LBB2_15:
0x102: {  	s7 =	sshra.s32 s5, $0x2;
	p1 =	sne.s32 s5, $0x3100;
	v7 =	vld [tilespmem:s17+$0x7730];
	v8 =	vmov v1  }
0x103: {  	v9 =	vld [tilespmem:s7+$0x1C00];
	v10 =	vmov v0  }
0x104: {  	v11 =	vld [tilespmem:s7+$0x1C10];
	v2 =	vadd.f32 v5, v2  }
.Ltmp8:
0x105: {  	v1 =	vld [tilespmem:s7+$0x1C20];
	v4 =	vadd.f32 v6, v4;
	(pc) =	sbr.rel @p1 .LBB2_15-.Ltmp8, $4  }
0x106: {  	v0 =	vld [tilespmem:s7+$0x1C30];
	[tilespmem:s17+$0x7700] =	vst v2;
	v3 =	vadd.f32 v8, v3  }
0x107: {  	v2 =	vld [tilespmem:s7+$0x7700];
	[tilespmem:s17+$0x7710] =	vst v4;
	v7 =	vadd.f32 v10, v7  }
0x108: {  	v4 =	vld [tilespmem:s7+$0x7710];
	[tilespmem:s17+$0x7720] =	vst v3;
	v5 =	vmov v9  }
0x109: {  	s5 =	sadd.s32 $0x100, s5;
	v3 =	vld [tilespmem:s7+$0x7720];
	[tilespmem:s17+$0x7730] =	vst v7;
	v6 =	vmov v11;
	s17 =	smov.u32 s7  }
0x10a: {  	v7 =	vld [tilespmem:s17+$0x7730];
	_ =	sdelay $0x1  }
0x10b: {  	v2 =	vadd.f32 v5, v2  }
0x10c: {  	v4 =	vadd.f32 v6, v4  }
0x10d: {  	s5 =	sadd.s32 s6, s13;
	[tilespmem:s17+$0x7700] =	vst v2;
	v1 =	vadd.f32 v1, v3  }
0x10e: {  	s5 =	smul.u32 $0x190, s5;
	[tilespmem:s17+$0x7710] =	vst v4;
	v0 =	vadd.f32 v0, v7  }
0x10f: {  	[tilespmem:s17+$0x7720] =	vst v1  }
0x110: {  	s5 =	sadd.s32 s2, s5;
	[tilespmem:s17+$0x7730] =	vst v0  }
0x111: {  	[hbm4b:s5+s3] =	stream.linear.scatter [tilespmem:s24], [sflag:$0xF], $0xC80, $0x38;
	[tilespmem:$0x9000] =	vst v63  }
0x112: {  	s5 =	simm.s32 @!p0 $0xD  }
0x113: {  	_ =	swait.ge @!p0 [sflag:s5], $0xC80  }
0x114: {  	s7 =	simm.s32 @!p0 $0x32;
	[sflag:s5] =	ssyncset.done @!p0 $0x0  }
0x115: {  	s9 =	simm.s32 @!p0 $0x5E00;
	[sflag:s5] =	ssyncadd.s32 @!p0 $0xFFFFF380;
	s5 =	sadd.s32 @!p0 $0x2A0, s19  }
0x116: {  	[tilespmem:s9], [sflag:$0x5] =	stream.indirect.gather @!p0 [hbm4b:s4+s7], $0x40, s5, s7, $0xb8;
	[tilespmem:$0x9000] =	vst v63  }
0x117: {  	_ =	swait.ge [sflag:s0], $0xC80  }
0x118: {  	[sflag:s0] =	ssyncset.done $0x0  }
0x119: {  	s13 =	simm.s32 $0x0;
	[sflag:s0] =	ssyncadd.s32 $0xFFFFF380  }
0x11a: {  	v5 =	vld [tilespmem:s13+$0x1C00]  }
0x11b: {  	v6 =	vld [tilespmem:s13+$0x1C10]  }
0x11c: {  	v1 =	vld [tilespmem:s13+$0x1C20]  }
0x11d: {  	v0 =	vld [tilespmem:s13+$0x1C30]  }
0x11e: {  	v2 =	vld [tilespmem:s13+$0x8380]  }
0x11f: {  	v4 =	vld [tilespmem:s13+$0x8390]  }
0x120: {  	s5 =	simm.s32 $0x100;
	v3 =	vld [tilespmem:s13+$0x83A0]  }
.LBB2_17:
0x121: {  	s7 =	sshra.s32 s5, $0x2;
	p1 =	sne.s32 s5, $0x3100;
	v7 =	vld [tilespmem:s13+$0x83B0];
	v8 =	vmov v1  }
0x122: {  	v9 =	vld [tilespmem:s7+$0x1C00];
	v10 =	vmov v0  }
0x123: {  	v11 =	vld [tilespmem:s7+$0x1C10];
	v2 =	vadd.f32 v5, v2  }
.Ltmp9:
0x124: {  	v1 =	vld [tilespmem:s7+$0x1C20];
	v4 =	vadd.f32 v6, v4;
	(pc) =	sbr.rel @p1 .LBB2_17-.Ltmp9, $4  }
0x125: {  	v0 =	vld [tilespmem:s7+$0x1C30];
	[tilespmem:s13+$0x8380] =	vst v2;
	v3 =	vadd.f32 v8, v3  }
0x126: {  	v2 =	vld [tilespmem:s7+$0x8380];
	[tilespmem:s13+$0x8390] =	vst v4;
	v7 =	vadd.f32 v10, v7  }
0x127: {  	v4 =	vld [tilespmem:s7+$0x8390];
	[tilespmem:s13+$0x83A0] =	vst v3;
	v5 =	vmov v9  }
0x128: {  	s5 =	sadd.s32 $0x100, s5;
	v3 =	vld [tilespmem:s7+$0x83A0];
	[tilespmem:s13+$0x83B0] =	vst v7;
	v6 =	vmov v11;
	s13 =	smov.u32 s7  }
0x129: {  	v7 =	vld [tilespmem:s13+$0x83B0];
	_ =	sdelay $0x1  }
0x12a: {  	v2 =	vadd.f32 v5, v2  }
0x12b: {  	v4 =	vadd.f32 v6, v4  }
.Ltmp10:
0x12c: {  	s5 =	sadd.s32 s6, s15;
	[tilespmem:s13+$0x8380] =	vst v2;
	v1 =	vadd.f32 v1, v3;
	(pc) =	sbr.rel @p0 .LBB2_20-.Ltmp10, $4  }
0x12d: {  	s5 =	smul.u32 $0x190, s5;
	[tilespmem:s13+$0x8390] =	vst v4;
	v0 =	vadd.f32 v0, v7  }
0x12e: {  	[tilespmem:s13+$0x83A0] =	vst v1  }
0x12f: {  	s5 =	sadd.s32 s2, s5;
	[tilespmem:s13+$0x83B0] =	vst v0  }
0x130: {  	[hbm4b:s5+s3] =	stream.linear.scatter [tilespmem:s26], [sflag:$0x10], $0xC80, $0x38;
	[tilespmem:$0x9000] =	vst v63  }
0x131: {  	s5 =	smul.u32 $0x700, s10  }
.Ltmp11:
0x132: {  	_ = 	snop;
	(pc) =	sbr.rel .LBB2_2-.Ltmp11, $4  }
0x133: {  	_ =	swait.ge [sflag:s21], $0xC80  }
0x134: {  	[sflag:s21] =	ssyncset.done $0x0;
	s5 =	sshra.s32 s5, $0x2  }
0x135: {  	s10 =	sadd.s32 $0x1, s10;
	[sflag:s21] =	ssyncadd.s32 $0xFFFFF380;
	s5 =	sadd.s32 $0x2D8, s5  }
0x136: {  	[tilespmem:s22], [sflag:$0x6] =	stream.indirect.gather [hbm4b:s4+s11], $0x40, s5, s11, $0xb8;
	[tilespmem:$0x9000] =	vst v63  }
.LBB2_21:
0x137: {  	_ =	sfence.sel $0x180000  }
0x138: {  	[bflag:$0x0] =	sbarrier.arrive $0xFFFF  }
0x139: {  	_ =	strace $0x90000047  }
0x13a: {  	s0 =	stileid.u32;
	[bflag:$0x2] =	sbarrier.arrive $0xFFFF  }
0x13b: {  	p0 =	sne.s32 s0, $0x0;
	s0 =	rddreg [dreg:$0x2]  }
0x13c: {  	s0 =	sadd.s32 @!p0 $0x100000, s0  }
0x13d: {  	[sflag:s0] =	ssyncadd.tile.s32 @!p0 $0x1;
	_ =	shalt  }
.Lfunc_end2:
_tile_overlayer_lowered:
.L_overlay_start_2:
0x13e: {  	(tag) =	ssettag $0x2  }
0x13f: {  	s0 =	rddreg [dreg:$0x0];
	s2 =	stileid.u32  }
0x140: {  	s1 =	rddreg [dreg:$0x1];
	p0 =	sne.s32 s2, $0x0  }
0x141: {  	s3 =	rddreg [dreg:$0x2];
	[bflag:$0x3] =	sbarrier.arrive $0xFFFF;
	s2 =	simm.s32 @!p0 $0x1C11  }
0x142: {  	[timem:s3], [sflag:s2] =	dma.local @!p0 [hbm:s0], s1  }
0x143: {  	s0 =	simm.s32 @!p0 $0x11  }
0x144: {  	_ =	swait.ge @!p0 [sflag:s0], s1  }
0x145: {  	s1 =	ssub.s32 @!p0 $0x0, s1;
	[sflag:s0] =	ssyncset.done @!p0 $0x0  }
0x146: {  	[sflag:s0] =	ssyncadd.s32 @!p0 s1  }
0x147: {  	[bflag:$0x3] =	sbarrier.arrive $0xFFFF  }
0x148: {  	_ =	shalt  }

// kernel: sparse-core-data-format-call.cloned.1.call-start
scs
called_computation_lowered:
.L_overlay_start_0:
0x0: {  	s2 =	sld [smem:$0x3FD9]  }
0x1: {  	s3 =	sld [smem:$0x3FFE];
	_ =	sdelay $0x1  }
0x2: {  	s1 =	srdreg.scid  }
0x3: {  	s0 =	sand.u32 $0x1, s1  }
0x4: {  	s18 =	sshll.u32 s0, $0xA;
	s2 =	sadd.s32 s3, s2  }
0x5: {  	s2 =	sadd.s32 s2, s18  }
0x6: {  	[smem:$0x3FC5] =	sst s2  }
0x7: {  	_ = 	snop  }
0x8: {  	s2 =	sld [smem:$0x3FD0];
	(tm) =	ssettm $0x1  }
0x9: {  	s19 =	sld [smem:$0x3FFB];
	_ =	sdelay $0x3  }
0xa: {  	_ =	strace s19  }
0xb: {  	s3 =	sld [smem:$0x3FFC];
	_ =	sdelay $0x3  }
0xc: {  	_ =	strace s3  }
0xd: {  	s3 =	sld [smem:$0x3FFD];
	_ =	sdelay $0x3  }
0xe: {  	_ =	strace s3  }
0xf: {  	_ =	strace $0x8FFFFFFF  }
0x10: {  	s20 =	sld [smem:$0x3FDB];
	_ =	sdelay $0x1  }
0x11: {  	s4 =	simm.s32 $_scs_section_size  }
0x12: {  	s5 =	simm.s32 $_size__tile_overlayer_lowered;
	s6 =	simm.s32 $_tile_overlayer_lowered  }
0x13: {  	s23 =	simm.s32 $0x1BFF;
	s22 =	sshll.u32 s6, $0x1;
	s3 =	sadd.s32 s4, s20  }
0x14: {  	s7 =	simm.s32 $0x0;
	s21 =	sshll.u32 s5, $0x1;
	s5 =	sadd.s32 s22, s3  }
0x15: {  	[timem:s7], [sflag:s23] =	dma.local [hbm:s5], s21  }
0x16: {  	_ =	swait.ge [sflag:s23], s21  }
0x17: {  	s4 =	ssub.s32 $0x0, s21;
	[sflag:s23] =	ssyncset.done $0x0  }
0x18: {  	[sflag:s23] =	ssyncadd.s32 s4;
	_ =	sdelay $0x1  }
0x19: {  	s24 =	simm.s32 $0x1B8B  }
0x1a: {  	_ =	swait.ge [sflag:s24], $0x1  }
0x1b: {  	[sflag:s24] =	ssyncset.done $0x0  }
0x1c: {  	s26 =	simm.s32 $0x1B8E;
	s25 =	sld [smem:$0x3FFE];
	[sflag:s24] =	ssyncadd.s32 $0xFFFFFFFF  }
0x1d: {  	s27 =	simm.s32 $execute0_lowered;
	[smem:$0x3FD2] =	sst s26  }
0x1e: {  	s5 =	sshll.u32 s27, $0x1;
	_ =	strace $0x80000049;
	[dreg:$0x1] =	wrdreg $0xFFFFFFFF  }
0x1f: {  	s28 =	simm.s32 $_size_execute0_lowered;
	s3 =	sadd.s32 s3, s5;
	[dreg:$0x0] =	wrdreg $0x0  }
0x20: {  	s5 =	sshll.u32 s28, $0x1;
	[dreg:$0x2] =	wrdreg s3  }
0x21: {  	[dreg:$0x3] =	wrdreg s5  }
0x22: {  	[dreg:$0x4] =	wrdreg $0xC0  }
0x23: {  	_ =	task [dreg:s7], $0x5FFFF  }
0x24: {  	[dreg:$0x1] =	wrdreg $0xFFFFFFFF  }
0x25: {  	[dreg:$0x0] =	wrdreg $0x60  }
0x26: {  	[dreg:$0x2] =	wrdreg s25  }
0x27: {  	[dreg:$0x3] =	wrdreg s2  }
0x28: {  	[dreg:$0x4] =	wrdreg $0x9  }
0x29: {  	_ =	task.clear_ibuf [dreg:s7], $0x5FFFF;
	_ =	strace $0x90000049  }
0x2a: {  	s29 =	simm.s32 $0x9;
	_ =	strace $0x8000004B  }
0x2b: {  	_ =	swait.ge [sflag:s29], $0x1  }
0x2c: {  	[sflag:s29] =	ssyncadd.s32 $0xFFFFFFFF  }
0x2d: {  	_ =	strace $0x9000004B  }
0x2e: {  	_ =	sfence  }
0x2f: {  	s30 =	sld [smem:$0x0];
	_ =	sdelay $0x2  }
0x30: {  	s31 =	sshll.u32 s1, $0xD;
	s1 =	sshrl.u32 s1, $0x2  }
0x31: {  	s3 =	sand.u32 $0x4000, s31;
	s1 =	sadd.s32 s1, s30  }
0x32: {  	s0 =	sor.u32 s3, s0;
	s1 =	sshll.u32 s1, $0x11  }
0x33: {  	s0 =	sor.u32 s1, s0  }
0x34: {  	s0 =	sadd.s32 $0x8F2B, s0  }
0x35: {  	[sflag:s0] =	ssyncadd.remote.s32 $0x1  }
0x36: {  	_ =	sfence.sel $0xFFFF  }
0x37: {  	[dreg:$0x0] =	wrdreg $0xFFFFFFFF;
	(pc) =	sbr.abs _section_cstart, $3  }
0x38: {  	[dreg:$0x1] =	wrdreg $0xFFFFFFFF  }
0x39: {  	_ =	task.clear_ibuf [dreg:s7], $0x2FFFF;
	_ =	strace $0x9FFFFFFF  }
0x3a: {  	(tm) =	ssettm $0x7FFFFFFF  }
0x3b: {  	_ =	shalt  }
tec
execute0_lowered:
.L_overlay_start_1:
0x0: {  	(tag) =	ssettag $0x1  }
0x1: {  	s0 =	srdreg.scid  }
0x2: {  	s1 =	sshll.u32 s0, $0x4  }
0x3: {  	s0 =	stileid.u32;
	s1 =	sand.u32 $0x10, s1  }
0x4: {  	s1 =	sor.u32 s0, s1  }
0x5: {  	s6 =	rddreg [dreg:$0x0];
	s4 =	simm.s32 $0x1;
	s2 =	sshll.u32 s1, $0x7  }
0x6: {  	s7 =	simm.s32 $0x2;
	s12 =	simm.s32 $0x0;
	s1 =	ssub.s32 $0x1000, s2  }
0x7: {  	s8 =	simm.s32 $0x8000;
	s13 =	simm.s32 $0x0;
	s3 =	sand.u32 $0xF80, s1  }
0x8: {  	s9 =	simm.s32 $0x0;
	s5 =	sshrl.u32 s1, $0xC;
	p0 =	sne.s32 s3, $0x0  }
.Ltmp0:
0x9: {  	s1 =	rddreg [dreg:$0x2];
	s4 =	simm.s32 @!p0 $0x0;
	(pc) =	sbr.rel .LBB1_1-.Ltmp0, $4  }
0xa: {  	s11 =	simm.s32 $0x0;
	s3 =	rddreg [dreg:$0x1];
	s5 =	sadd.s32 s4, s5  }
0xb: {  	_ =	strace $0x8000004A;
	s4 =	simm.s32 $0x1;
	s5 =	smul.u32 $0x32, s5  }
0xc: {  	s6 =	sadd.s32 $0xC00, s6;
	s10 =	smov.u32 s2;
	[sflag:s4] =	ssyncpa.u1 $0x0  }
0xd: {  	p0 =	por $0x0, $0x0;
	[sflag:s7] =	ssyncpa.u1 $0x0;
	s7 =	sor.u32 $0x1, s5  }
.LBB1_4:
0xe: {  	s16 =	sshll.u32 s13, $0x3;
	s17 =	sand.u32 $0x78, s13  }
0xf: {  	s30 =	sand.u32 $0x7E00, s13;
	s12 =	sshll.u32 s12, $0xF;
	s16 =	sand.u32 $0xC00, s16  }
0x10: {  	[tilespmem:s15+$0x810 ss:$0x81] =	vst.msk $0xffff, v2;
	s31 =	sand.u32 $0x7, s13;
	s16 =	sor.u32 s17, s16;
	s17 =	sadd.s32 s3, s30  }
0x11: {  	[tilespmem:s15+$0x1020 ss:$0x81] =	vst.msk $0xffff, v0;
	s13 =	sshll.u32 s31, $0x12;
	s12 =	sadd.s32 s12, s17;
	s16 =	sshrl.u32 s16, $0x3  }
0x12: {  	[tilespmem:s15+$0x0 ss:$0x81] =	vst.msk $0xffff, v1;
	s13 =	sor.u32 $0x400, s13;
	s12 =	sadd.s32 s16, s12  }
0x13: {  	[hbm4b:s12+s13] =	stream.strided.scatter [tilespmem:s14], [sflag:$0x2], $0x2000, s8, s13, $0x20;
	[tilespmem:$0x8080] =	vst v63  }
.LBB1_5:
0x14: {  	s14 =	sadd.s32 $0x1, s9  }
0x15: {  	s12 =	sadd.s32 $0x1000, s10;
	s16 =	smov.u32 s10;
	p2 =	sgt.s32 s14, $0x31  }
0x16: {  	s16 =	smov.u32 @p2 s12  }
0x17: {  	s14 =	simm.s32 @p2 $0x0;
	p2 =	sgt.s32 s16, $0xFFF  }
0x18: {  	s16 =	smov.u32 @p2 s2;
	p2 =	sne.s32 s11, s7  }
.Ltmp1:
0x19: {  	p1 =	slt.u32 s11, $0x2;
	(pc) =	sbr.rel @!p2 .LBB1_6-.Ltmp1, $4  }
0x1a: {  	s15 =	simm.s32 @!p1 $0x2  }
0x1b: {  	s13 =	smov.u32 s10;
	p0 =	por !p0, !p0;
	_ =	swait.ge @!p1 [sflag:s15], $0x2000  }
0x1c: {  	s12 =	smov.u32 s9;
	[sflag:s15] =	ssyncset.done @!p1 $0x0;
	s9 =	smov.u32 s14  }
0x1d: {  	s11 =	sadd.s32 $0x1, s11;
	[sflag:s15] =	ssyncadd.s32 @!p1 $0xFFFFE000;
	s10 =	smov.u32 s16  }
.LBB1_1:
0x1e: {  	p1 =	sge.u32 s11, s5  }
0x1f: {  	s14 =	sand.u32 @!p1 $0x1FFFFFF, s9  }
0x20: {  	s15 =	smulhi.u32 @!p1 $0x4924925, s14;
	_ =	sdelay $0x1  }
0x21: {  	s15 =	smul.u32 @!p1 $0x38, s15  }
0x22: {  	s16 =	sxor.u32 @!p1 $0xFFFFFFFF, s11;
	s17 =	smul.u32 @!p1 $0x380, s10  }
0x23: {  	s31 =	sadd.s32 $0xFFFFFFFF, s11;
	s16 =	sshll.u32 @!p1 s16, $0xD;
	s14 =	ssub.s32 @!p1 s14, s15  }
0x24: {  	s15 =	sand.u32 @!p1 $0x2000, s16;
	s16 =	sadd.s32 @!p1 s6, s17;
	s14 =	sshll.u32 @!p1 s14, $0x4  }
0x25: {  	s17 =	simm.s32 @!p1 $0x1C00;
	s14 =	sadd.s32 @!p1 s14, s16;
	s16 =	simm.s32 @!p1 $0x40  }
0x26: {  	[tilespmem:s15], [sflag:$0x1] =	stream.strided.gather @!p1 [hbm4b:s14+s16], $0x2000, s17, s16, $0x38;
	[tilespmem:$0x8080] =	vst v63  }
0x27: {  	p1 =	sge.u32 s31, s5  }
.Ltmp2:
0x28: {  	_ = 	snop;
	(pc) =	sbr.rel @p1 .LBB1_5-.Ltmp2, $1  }
0x29: {  	_ =	sdelay $0x3  }
0x2a: {  	s14 =	simm.s32 $0x1  }
0x2b: {  	_ =	swait.ge [sflag:s4], $0x2000;
	s14 =	simm.s32 @!p0 $0x0  }
0x2c: {  	[sflag:s4] =	ssyncset.done $0x0;
	s15 =	sshll.u32 s14, $0xD  }
0x2d: {  	[sflag:s4] =	ssyncadd.s32 $0xFFFFE000;
	s18 =	sor.u32 $0x20, s15  }
0x2e: {  	s14 =	smul.u32 $0x8100, s14;
	v3 =	vld [tilespmem:s18+$0x10]  }
0x2f: {  	s30 =	sand.u32 $0x1, s11;
	v2 =	vld [tilespmem:s18+$0xFFFFFFF0]  }
0x30: {  	s15 =	smul.u32 $0x8100, s30;
	s14 =	sshrl.u32 s14, $0x2;
	v0 =	vld [tilespmem:s18+$0x0]  }
0x31: {  	v1 =	vld [tilespmem:s18+$0xFFFFFFE0];
	s16 =	sor.u32 $0x4000, s14  }
0x32: {  	s31 =	sshrl.u32 s15, $0x2;
	s15 =	sadd.s32 $0x0, s16  }
0x33: {  	s17 =	simm.s32 $0x4;
	s18 =	sadd.s32 $0x40, s18;
	s14 =	sor.u32 $0x4000, s31;
	[tilespmem:s15+$0x1830 ss:$0x81] =	vst.msk $0xffff, v3  }
.LBB1_3:
0x34: {  	v3 =	vld [tilespmem:s18+$0x10];
	p1 =	sne.s32 s17, $0x1FC;
	[tilespmem:s15+$0x810 ss:$0x81] =	vst.msk $0xffff, v2;
	s19 =	smov.u32 s17;
	s17 =	sadd.s32 $0x4, s17  }
.Ltmp3:
0x35: {  	v2 =	vld [tilespmem:s18+$0xFFFFFFF0];
	[tilespmem:s15+$0x1020 ss:$0x81] =	vst.msk $0xffff, v0;
	(pc) =	sbr.rel @p1 .LBB1_3-.Ltmp3, $4  }
0x36: {  	v0 =	vld [tilespmem:s18+$0x0];
	[tilespmem:s15+$0x0 ss:$0x81] =	vst.msk $0xffff, v1  }
0x37: {  	s15 =	sshra.s32 s19, $0x2;
	v1 =	vld [tilespmem:s18+$0xFFFFFFE0]  }
0x38: {  	s15 =	sadd.s32 s15, s16  }
0x39: {  	s18 =	sadd.s32 $0x40, s18;
	[tilespmem:s15+$0x1830 ss:$0x81] =	vst.msk $0xffff, v3  }
.Ltmp4:
0x3a: {  	_ = 	snop;
	(pc) =	sbr.rel .LBB1_4-.Ltmp4, $1  }
0x3b: {  	_ =	sdelay $0x3  }
.LBB1_6:
0x3c: {  	_ =	sfence.sel $0x180000  }
0x3d: {  	s2 =	simm.s32 $0x1;
	[bflag:$0x0] =	sbarrier.arrive $0xFFFF  }
0x3e: {  	s31 =	simm.s32 $0x2;
	[sflag:s2] =	ssyncpa.u1 $0x1  }
0x3f: {  	[sflag:s31] =	ssyncpa.u1 $0x1  }
0x40: {  	p0 =	sne.s32 s0, $0x0;
	_ =	strace $0x9000004A  }
0x41: {  	s0 =	sadd.s32 @!p0 $0x100000, s1;
	[bflag:$0x2] =	sbarrier.arrive $0xFFFF  }
0x42: {  	[sflag:s0] =	ssyncadd.tile.s32 @!p0 $0x1;
	_ =	shalt  }
.Lfunc_end1:
_tile_overlayer_lowered:
.L_overlay_start_2:
0x43: {  	(tag) =	ssettag $0x2  }
0x44: {  	s0 =	rddreg [dreg:$0x0];
	s2 =	stileid.u32  }
0x45: {  	s1 =	rddreg [dreg:$0x1];
	p0 =	sne.s32 s2, $0x0  }
0x46: {  	s3 =	rddreg [dreg:$0x2];
	[bflag:$0x3] =	sbarrier.arrive $0xFFFF;
	s2 =	simm.s32 @!p0 $0x1C01  }
0x47: {  	[timem:s3], [sflag:s2] =	dma.local @!p0 [hbm:s0], s1  }
0x48: {  	s0 =	simm.s32 @!p0 $0x1  }
0x49: {  	_ =	swait.ge @!p0 [sflag:s0], s1  }
0x4a: {  	s1 =	ssub.s32 @!p0 $0x0, s1;
	[sflag:s0] =	ssyncset.done @!p0 $0x0  }
0x4b: {  	[sflag:s0] =	ssyncadd.s32 @!p0 s1  }
0x4c: {  	[bflag:$0x3] =	sbarrier.arrive $0xFFFF  }
0x4d: {  	_ =	shalt  }

</sc_bundles>
